<compile_context>
chip_gen: v7x
topology: tpu7x:2x2x1
jax: 0.10.2.dev20260603
libtpu: 0.0.44.dev20260713+nightly
codegen_flags: <defaults>
</compile_context>

<pallas_src>
import functools

import jax
import jax.numpy as jnp
from jax import lax
from jax.experimental import pallas as pl
from jax.experimental.pallas import tpu as pltpu
from jax.experimental.pallas import tpu_sc as plsc

N_NODES = 10000
N_EDGES = 160000
D = 256
DH = 128

NC = 2
NS = 16
L = 16
NW = NC * NS

NPAD = 10240
SEG = NPAD // NS
HIST = NPAD + L

CHUNK = 128
EPAD = NS * 80 * CHUNK
EDGES_PER_TILE = EPAD // NS
N_CHUNKS = EDGES_PER_TILE // CHUNK
DUMMY = NPAD
ACC_ROWS = NPAD + CHUNK
ZCH = ACC_ROWS // CHUNK
OUT_CH = (NPAD // NS) // CHUNK

_MESH = plsc.VectorSubcoreMesh(core_axis_name="c", subcore_axis_name="s")


@functools.partial(
    pl.kernel,
    out_type=jax.ShapeDtypeStruct((NPAD,), jnp.float32),
    mesh=_MESH,
    compiler_params=pltpu.CompilerParams(needs_layout_passes=False),
    scratch_types=[
        pltpu.VMEM((HIST,), jnp.float32),
        pltpu.VMEM((EDGES_PER_TILE,), jnp.int32),
        pltpu.VMEM((SEG,), jnp.float32),
        pltpu.VMEM((SEG,), jnp.float32),
        pltpu.VMEM_SHARED((NS, HIST), jnp.float32),
    ],
)
def _norm_kernel(dst_hbm, norm_hbm, hist_v, dst_v, seg_acc, seg_tmp, stage_sh):
    sid = lax.axis_index("s")
    cid = lax.axis_index("c")
    zeros = jnp.zeros((L,), jnp.float32)
    ones = jnp.ones((L,), jnp.float32)

    def zbody(i, c):
        hist_v[pl.ds(i * L, L)] = zeros
        return c

    lax.fori_loop(0, HIST // L, zbody, 0)

    pltpu.sync_copy(dst_hbm.at[pl.ds(sid * EDGES_PER_TILE, EDGES_PER_TILE)], dst_v)

    def hbody(i, c):
        idx = dst_v[pl.ds(i * L, L)]
        plsc.addupdate_scatter(hist_v, [idx], ones)
        return c

    lax.fori_loop(0, EDGES_PER_TILE // L, hbody, 0)

    pltpu.sync_copy(hist_v, stage_sh.at[sid])
    plsc.subcore_barrier()

    pltpu.sync_copy(stage_sh.at[0, pl.ds(sid * SEG, SEG)], seg_acc)
    for k in range(1, NS):
        pltpu.sync_copy(stage_sh.at[k, pl.ds(sid * SEG, SEG)], seg_tmp)

        def abody(i, c, _k=k):
            s = pl.ds(i * L, L)
            seg_acc[s] = seg_acc[s] + seg_tmp[s]
            return c

        lax.fori_loop(0, SEG // L, abody, 0)

    def nbody(i, c):
        s = pl.ds(i * L, L)
        x = seg_acc[s]
        xi = lax.bitcast_convert_type(x, jnp.int32)
        y = lax.bitcast_convert_type(jnp.int32(0x5F3759DF) - (xi >> 1), jnp.float32)
        y = y * (1.5 - 0.5 * x * y * y)
        y = y * (1.5 - 0.5 * x * y * y)
        y = y * (1.5 - 0.5 * x * y * y)
        seg_acc[s] = jnp.where(x > 0.5, y, 0.0)
        return c

    lax.fori_loop(0, SEG // L, nbody, 0)

    @pl.when(sid // (NS // NC) == cid)
    def _():
        pltpu.sync_copy(seg_acc, norm_hbm.at[pl.ds(sid * SEG, SEG)])


@functools.partial(
    pl.kernel,
    out_type=[
        jax.ShapeDtypeStruct((NPAD, DH), jnp.float32),
        jax.ShapeDtypeStruct((NPAD, DH), jnp.float32),
    ],
    mesh=_MESH,
    compiler_params=pltpu.CompilerParams(needs_layout_passes=False),
    scratch_types=[
        pltpu.VMEM((N_CHUNKS // 2, CHUNK), jnp.int32),
        pltpu.VMEM((N_CHUNKS // 2, CHUNK), jnp.int32),
        pltpu.VMEM((CHUNK, DH), jnp.float32),
        pltpu.VMEM((CHUNK, DH), jnp.float32),
        pltpu.VMEM_SHARED((ACC_ROWS, DH), jnp.float32),
        pltpu.SemaphoreType.DMA,
        pltpu.SemaphoreType.DMA,
    ],
)
def _agg_kernel(hwn0_hbm, hwn1_hbm, src_hbm, dst_hbm, out0_hbm, out1_hbm,
                src_v, dst_v, rows0_v, rows1_v, acc_sh, sem0, sem1):
    sid = lax.axis_index("s")
    cid = lax.axis_index("c")
    zeros = jnp.zeros((L,), jnp.float32)

    def zrow(i, c):
        for j in range(DH // L):
            rows0_v[i, pl.ds(j * L, L)] = zeros
        return c

    lax.fori_loop(0, CHUNK, zrow, 0)

    def zacc(k, c):
        ch = sid + k * NS

        @pl.when(ch < ZCH)
        def _():
            pltpu.sync_copy(rows0_v, acc_sh.at[pl.ds(ch * CHUNK, CHUNK)])

        return c

    lax.fori_loop(0, (ZCH + NS - 1) // NS, zacc, 0)
    plsc.subcore_barrier()

    def edge_loop(hwn_ref):
        def wait0():
            pltpu.make_async_copy(hwn_ref.at[pl.ds(0, CHUNK)], rows0_v, sem0).wait()

        def wait1():
            pltpu.make_async_copy(hwn_ref.at[pl.ds(0, CHUNK)], rows1_v, sem1).wait()

        half_chunks = N_CHUNKS // 2
        for half in range(2):
            base = sid * N_CHUNKS + half * half_chunks
            pltpu.sync_copy(src_hbm.at[pl.ds(base, half_chunks)], src_v)
            pltpu.sync_copy(dst_hbm.at[pl.ds(base, half_chunks)], dst_v)

            pltpu.async_copy(hwn_ref.at[src_v.at[0]], rows0_v, sem0)

            def ebody(g, c):
                c0 = g * 2
                pltpu.async_copy(hwn_ref.at[src_v.at[c0 + 1]], rows1_v, sem1)
                wait0()
                pltpu.sync_copy(rows0_v, acc_sh.at[dst_v.at[c0]], add=True)

                @pl.when(c0 + 2 < half_chunks)
                def _():
                    pltpu.async_copy(hwn_ref.at[src_v.at[c0 + 2]], rows0_v, sem0)

                wait1()
                pltpu.sync_copy(rows1_v, acc_sh.at[dst_v.at[c0 + 1]], add=True)
                return c

            lax.fori_loop(0, half_chunks // 2, ebody, 0)

    @pl.when(cid == 0)
    def _():
        edge_loop(hwn0_hbm)

    @pl.when(cid == 1)
    def _():
        edge_loop(hwn1_hbm)

    plsc.subcore_barrier()

    row0 = sid * (NPAD // NS)

    def cbody(k, c):
        r = row0 + k * CHUNK
        pltpu.sync_copy(acc_sh.at[pl.ds(r, CHUNK)], rows0_v)

        @pl.when(cid == 0)
        def _():
            pltpu.sync_copy(rows0_v, out0_hbm.at[pl.ds(r, CHUNK)])

        @pl.when(cid == 1)
        def _():
            pltpu.sync_copy(rows0_v, out1_hbm.at[pl.ds(r, CHUNK)])

        return c

    lax.fori_loop(0, OUT_CH, cbody, 0)


ROWB = 1000


def _mm_body(h_ref, w_ref, n_ref, o0_ref, o1_ref):
    hw = (
        jnp.dot(h_ref[...], w_ref[...], preferred_element_type=jnp.float32)
        * n_ref[...]
    )
    o0_ref[...] = hw[:, :DH]
    o1_ref[...] = hw[:, DH:]


def _matmul_norm(h, W, norm2d):
    return pl.pallas_call(
        _mm_body,
        grid=(N_NODES // ROWB,),
        in_specs=[
            pl.BlockSpec((ROWB, D), lambda i: (i, 0)),
            pl.BlockSpec((D, D), lambda i: (0, 0)),
            pl.BlockSpec((ROWB, 1), lambda i: (i, 0)),
        ],
        out_specs=[
            pl.BlockSpec((ROWB, DH), lambda i: (i, 0)),
            pl.BlockSpec((ROWB, DH), lambda i: (i, 0)),
        ],
        out_shape=[
            jax.ShapeDtypeStruct((N_NODES, DH), jnp.float32),
            jax.ShapeDtypeStruct((N_NODES, DH), jnp.float32),
        ],
    )(h, W, norm2d)


def _fin_body(a0_ref, a1_ref, n_ref, b_ref, o_ref):
    a = jnp.concatenate([a0_ref[...], a1_ref[...]], axis=1)
    o_ref[...] = jnp.maximum(a * n_ref[...] + b_ref[...], 0.0)


def _finalize(agg0, agg1, norm2d, b2d):
    return pl.pallas_call(
        _fin_body,
        grid=(N_NODES // ROWB,),
        in_specs=[
            pl.BlockSpec((ROWB, DH), lambda i: (i, 0)),
            pl.BlockSpec((ROWB, DH), lambda i: (i, 0)),
            pl.BlockSpec((ROWB, 1), lambda i: (i, 0)),
            pl.BlockSpec((1, D), lambda i: (0, 0)),
        ],
        out_specs=pl.BlockSpec((ROWB, D), lambda i: (i, 0)),
        out_shape=jax.ShapeDtypeStruct((N_NODES, D), jnp.float32),
    )(agg0, agg1, norm2d, b2d)


def kernel(h, edge_index, W, b):
    src = edge_index[0].astype(jnp.int32)
    dst = edge_index[1].astype(jnp.int32)
    src_p = jnp.pad(src, (0, EPAD - N_EDGES), constant_values=0)
    dst_p = jnp.pad(dst, (0, EPAD - N_EDGES), constant_values=DUMMY)

    norm_pad = _norm_kernel(dst_p)
    norm2d = norm_pad[:N_NODES, None]
    hwn0, hwn1 = _matmul_norm(h, W, norm2d)
    src2 = src_p.reshape(NS * N_CHUNKS, CHUNK)
    dst2 = dst_p.reshape(NS * N_CHUNKS, CHUNK)
    agg0, agg1 = _agg_kernel(hwn0, hwn1, src2, dst2)
    return _finalize(agg0[:N_NODES], agg1[:N_NODES], norm2d, b[None, :])

# --- scband reference (transcript-rebuilt; emitter-appended) ---
"""Pipeline reference for scband-gcnlayer-2267742732444 (READ-ONLY COPY).

The authoritative reference and input builder live on the scoring server;
editing this copy changes nothing except your own understanding.
"""

import jax, jax.numpy as jnp
import numpy as np

N_NODES = 10000
N_EDGES = 160000
D_IN = 256
D_OUT = 256


def setup_inputs(seed: int = 0) -> dict:
    key = jax.random.key(seed)
    k1, k2, k3, k4 = jax.random.split(key, 4)
    h = jax.random.normal(k1, (N_NODES, D_IN), dtype=jnp.float32)
    edge_index = jax.random.randint(k2, (2, N_EDGES), 0, N_NODES, dtype=jnp.int64)
    stdv = 1.0 / np.sqrt(D_OUT)
    W = jax.random.uniform(k3, (D_IN, D_OUT), dtype=jnp.float32, minval=-stdv, maxval=stdv)
    b = jax.random.uniform(k4, (D_OUT,), dtype=jnp.float32, minval=-stdv, maxval=stdv)
    return {"h": h, "edge_index": edge_index, "W": W, "b": b}


def reference(h, edge_index, W, b):
    # GCNLayer.forward (eval mode: dropout=0.0 -> identity)
    src = edge_index[0]
    dst = edge_index[1]
    N = h.shape[0]
    # DGL symmetric-style norm: 1/sqrt(in_degree), stored per-node
    deg = jnp.bincount(dst, length=N).astype(jnp.float32)
    norm = jnp.where(deg > 0, 1.0 / jnp.sqrt(deg), 0.0)[:, None]
    # h' = h @ W
    hw = jnp.dot(h, W)
    # gcn_msg: m = h'[src] * norm[src]
    msg = jnp.take(hw, src, axis=0) * jnp.take(norm, src, axis=0)
    # gcn_reduce: sum incoming messages, scale by norm[dst]
    agg = jnp.zeros((N, hw.shape[1]), dtype=hw.dtype).at[dst].add(msg)
    agg = agg * norm
    # NodeApplyModule: + bias, activation
    out = agg + b
    out = jax.nn.relu(out)
    return out

if __name__ == "__main__":
    import jax
    _d = setup_inputs()
    print(jax.jit(kernel)(*tuple(_d.values())))

</pallas_src>

<mosaic_0001>
#map = affine_map<(d0, d1) -> (0)>
module attributes {stable_mosaic.version = 14 : i64} {
  func.func @_norm_kernel(%arg0: i32, %arg1: i32, %arg2: memref<163840xi32, #tpu.memory_space<hbm>>, %arg3: memref<10240xf32, #tpu.memory_space<hbm>>, %arg4: memref<10256xf32, #tpu.memory_space<vmem>>, %arg5: memref<10240xi32, #tpu.memory_space<vmem>>, %arg6: memref<640xf32, #tpu.memory_space<vmem>>, %arg7: memref<640xf32, #tpu.memory_space<vmem>>, %arg8: memref<16x10256xf32, #tpu.memory_space<vmem_shared>>) attributes {dimension_semantics = [#tpu.dimension_semantics<core_parallel>, #tpu.dimension_semantics<subcore_parallel>], iteration_bounds = array<i64: 2, 16>, scalar_prefetch = 0 : i64, scratch_operands = 5 : i64, tpu.core_type = #tpu.core_type<sc_vector_subcore>, window_params = [{transform_indices = #map}, {transform_indices = #map}]} {
    %broadcast_in_dim3A = arith.constant 0.000000e+00 : f32
    %broadcast_in_dim3A_0 = vector.broadcast %broadcast_in_dim3A : f32 to vector<16xf32>
    %broadcast_in_dim3A_1 = arith.constant 1.000000e+00 : f32
    %broadcast_in_dim3A_2 = vector.broadcast %broadcast_in_dim3A_1 : f32 to vector<16xf32>
    %scan3A = arith.constant 0 : i32
    %scan3A_3 = arith.constant 0 : i32
    %scan3A_4 = arith.constant 641 : i32
    %scan3A_5 = arith.addi %scan3A_3, %scan3A_4 : i32
    %scan3A_6 = arith.constant 1 : i32
    scf.for %scan3A_175 = %scan3A_3 to %scan3A_5 step %scan3A_6  : i32 {
      %mul3A_176 = arith.constant 16 : i32
      %mul3A_177 = arith.muli %scan3A_175, %mul3A_176 : i32
      %swap3A = arith.index_cast %mul3A_177 : i32 to index
      %swap3A_178 = tpu.vector_load %arg4[%swap3A] {strides = array<i32>} : memref<10256xf32, #tpu.memory_space<vmem>>, vector<16xf32>,
      tpu.vector_store %arg4[%swap3A], %broadcast_in_dim3A_0 {strides = array<i32>} : memref<10256xf32, #tpu.memory_space<vmem>>, vector<16xf32>,
    }
    %scan3A_7 = arith.constant 641 : i32
    %mul3A = arith.constant 10240 : i32
    %mul3A_8 = arith.muli %arg1, %mul3A : i32
    "tpu.region"() ({
      %run_scoped3A_175 = tpu.sem_alloc : memref<!tpu.dma_semaphore, #tpu.memory_space<semaphore_mem>>
      %dma_start3A = tpu.memref_slice %arg2[%mul3A_8] : memref<163840xi32, #tpu.memory_space<hbm>> -> memref<10240xi32, #tpu.memory_space<hbm>>
      %dma_start3A_176 = tpu.memref_slice %arg2[%mul3A_8] : memref<163840xi32, #tpu.memory_space<hbm>> -> memref<10240xi32, #tpu.memory_space<hbm>>
      tpu.enqueue_dma source(%dma_start3A_176 : memref<10240xi32, #tpu.memory_space<hbm>>) target(%arg5 : memref<10240xi32, #tpu.memory_space<vmem>>) target_semaphore(%run_scoped3A_175 : memref<!tpu.dma_semaphore, #tpu.memory_space<semaphore_mem>>)
      %dma_wait3A = tpu.memref_slice %arg2[%mul3A_8] : memref<163840xi32, #tpu.memory_space<hbm>> -> memref<10240xi32, #tpu.memory_space<hbm>>
      %dma_wait3A_177 = tpu.memref_slice %arg2[%mul3A_8] : memref<163840xi32, #tpu.memory_space<hbm>> -> memref<10240xi32, #tpu.memory_space<hbm>>
      tpu.wait_dma2 semaphore(%run_scoped3A_175 : memref<!tpu.dma_semaphore, #tpu.memory_space<semaphore_mem>>) src(%dma_wait3A_177 : memref<10240xi32, #tpu.memory_space<hbm>>) dst(%arg5 : memref<10240xi32, #tpu.memory_space<vmem>>)
      tpu.yield
    }) : () -> ()
    %scan3A_9 = arith.constant 0 : i32
    %scan3A_10 = arith.constant 0 : i32
    %scan3A_11 = arith.constant 640 : i32
    %scan3A_12 = arith.addi %scan3A_10, %scan3A_11 : i32
    %scan3A_13 = arith.constant 1 : i32
    scf.for %scan3A_175 = %scan3A_10 to %scan3A_12 step %scan3A_13  : i32 {
      %mul3A_176 = arith.constant 16 : i32
      %mul3A_177 = arith.muli %scan3A_175, %mul3A_176 : i32
      %get3A = arith.index_cast %mul3A_177 : i32 to index
      %get3A_178 = tpu.vector_load %arg5[%get3A] {strides = array<i32>} : memref<10240xi32, #tpu.memory_space<vmem>>, vector<16xi32>,
      tpu.vector_store_idx %arg4[%get3A_178], %broadcast_in_dim3A_2 {add = true} : memref<10256xf32, #tpu.memory_space<vmem>>[vector<16xi32>], vector<16xf32>,
    }
    %scan3A_14 = arith.constant 640 : i32
    "tpu.region"() ({
      %run_scoped3A_175 = tpu.sem_alloc : memref<!tpu.dma_semaphore, #tpu.memory_space<semaphore_mem>>
      %dma_start3A = arith.constant 0 : i32
      %dma_start3A_176 = tpu.memref_slice %arg8[%arg1, %dma_start3A] : memref<16x10256xf32, #tpu.memory_space<vmem_shared>> -> memref<1x10256xf32, #tpu.memory_space<vmem_shared>>
      %dma_start3A_177 = tpu.memref_squeeze %dma_start3A_176 : memref<1x10256xf32, #tpu.memory_space<vmem_shared>> -> memref<10256xf32, #tpu.memory_space<vmem_shared>>
      %dma_start3A_178 = arith.constant 0 : i32
      %dma_start3A_179 = tpu.memref_slice %arg8[%arg1, %dma_start3A_178] : memref<16x10256xf32, #tpu.memory_space<vmem_shared>> -> memref<1x10256xf32, #tpu.memory_space<vmem_shared>>
      %dma_start3A_180 = tpu.memref_squeeze %dma_start3A_179 : memref<1x10256xf32, #tpu.memory_space<vmem_shared>> -> memref<10256xf32, #tpu.memory_space<vmem_shared>>
      tpu.enqueue_dma source(%arg4 : memref<10256xf32, #tpu.memory_space<vmem>>) target(%dma_start3A_180 : memref<10256xf32, #tpu.memory_space<vmem_shared>>) target_semaphore(%run_scoped3A_175 : memref<!tpu.dma_semaphore, #tpu.memory_space<semaphore_mem>>)
      %dma_wait3A = arith.constant 0 : i32
      %dma_wait3A_181 = tpu.memref_slice %arg8[%arg1, %dma_wait3A] : memref<16x10256xf32, #tpu.memory_space<vmem_shared>> -> memref<1x10256xf32, #tpu.memory_space<vmem_shared>>
      %dma_wait3A_182 = tpu.memref_squeeze %dma_wait3A_181 : memref<1x10256xf32, #tpu.memory_space<vmem_shared>> -> memref<10256xf32, #tpu.memory_space<vmem_shared>>
      %dma_wait3A_183 = arith.constant 0 : i32
      %dma_wait3A_184 = tpu.memref_slice %arg8[%arg1, %dma_wait3A_183] : memref<16x10256xf32, #tpu.memory_space<vmem_shared>> -> memref<1x10256xf32, #tpu.memory_space<vmem_shared>>
      %dma_wait3A_185 = tpu.memref_squeeze %dma_wait3A_184 : memref<1x10256xf32, #tpu.memory_space<vmem_shared>> -> memref<10256xf32, #tpu.memory_space<vmem_shared>>
      tpu.wait_dma2 semaphore(%run_scoped3A_175 : memref<!tpu.dma_semaphore, #tpu.memory_space<semaphore_mem>>) src(%arg4 : memref<10256xf32, #tpu.memory_space<vmem>>) dst(%dma_wait3A_185 : memref<10256xf32, #tpu.memory_space<vmem_shared>>)
      tpu.yield
    }) : () -> ()
    %barrier3A = arith.constant 0 : index
    tpu.barrier barrier_id(%barrier3A)
    %mul3A_15 = arith.constant 640 : i32
    %mul3A_16 = arith.muli %arg1, %mul3A_15 : i32
    %run_scoped3A = arith.constant 0 : i32
    "tpu.region"() ({
      %run_scoped3A_175 = tpu.sem_alloc : memref<!tpu.dma_semaphore, #tpu.memory_space<semaphore_mem>>
      %dma_start3A = tpu.memref_slice %arg8[%run_scoped3A, %mul3A_16] : memref<16x10256xf32, #tpu.memory_space<vmem_shared>> -> memref<1x640xf32, #tpu.memory_space<vmem_shared>>
      %dma_start3A_176 = tpu.memref_squeeze %dma_start3A : memref<1x640xf32, #tpu.memory_space<vmem_shared>> -> memref<640xf32, #tpu.memory_space<vmem_shared>>
      %dma_start3A_177 = tpu.memref_slice %arg8[%run_scoped3A, %mul3A_16] : memref<16x10256xf32, #tpu.memory_space<vmem_shared>> -> memref<1x640xf32, #tpu.memory_space<vmem_shared>>
      %dma_start3A_178 = tpu.memref_squeeze %dma_start3A_177 : memref<1x640xf32, #tpu.memory_space<vmem_shared>> -> memref<640xf32, #tpu.memory_space<vmem_shared>>
      tpu.enqueue_dma source(%dma_start3A_178 : memref<640xf32, #tpu.memory_space<vmem_shared>>) target(%arg6 : memref<640xf32, #tpu.memory_space<vmem>>) target_semaphore(%run_scoped3A_175 : memref<!tpu.dma_semaphore, #tpu.memory_space<semaphore_mem>>)
      %dma_wait3A = tpu.memref_slice %arg8[%run_scoped3A, %mul3A_16] : memref<16x10256xf32, #tpu.memory_space<vmem_shared>> -> memref<1x640xf32, #tpu.memory_space<vmem_shared>>
      %dma_wait3A_179 = tpu.memref_squeeze %dma_wait3A : memref<1x640xf32, #tpu.memory_space<vmem_shared>> -> memref<640xf32, #tpu.memory_space<vmem_shared>>
      %dma_wait3A_180 = tpu.memref_slice %arg8[%run_scoped3A, %mul3A_16] : memref<16x10256xf32, #tpu.memory_space<vmem_shared>> -> memref<1x640xf32, #tpu.memory_space<vmem_shared>>
      %dma_wait3A_181 = tpu.memref_squeeze %dma_wait3A_180 : memref<1x640xf32, #tpu.memory_space<vmem_shared>> -> memref<640xf32, #tpu.memory_space<vmem_shared>>
      tpu.wait_dma2 semaphore(%run_scoped3A_175 : memref<!tpu.dma_semaphore, #tpu.memory_space<semaphore_mem>>) src(%dma_wait3A_181 : memref<640xf32, #tpu.memory_space<vmem_shared>>) dst(%arg6 : memref<640xf32, #tpu.memory_space<vmem>>)
      tpu.yield
    }) : () -> ()
    %mul3A_17 = arith.constant 640 : i32
    %mul3A_18 = arith.muli %arg1, %mul3A_17 : i32
    %run_scoped3A_19 = arith.constant 1 : i32
    "tpu.region"() ({
      %run_scoped3A_175 = tpu.sem_alloc : memref<!tpu.dma_semaphore, #tpu.memory_space<semaphore_mem>>
      %dma_start3A = tpu.memref_slice %arg8[%run_scoped3A_19, %mul3A_18] : memref<16x10256xf32, #tpu.memory_space<vmem_shared>> -> memref<1x640xf32, #tpu.memory_space<vmem_shared>>
      %dma_start3A_176 = tpu.memref_squeeze %dma_start3A : memref<1x640xf32, #tpu.memory_space<vmem_shared>> -> memref<640xf32, #tpu.memory_space<vmem_shared>>
      %dma_start3A_177 = tpu.memref_slice %arg8[%run_scoped3A_19, %mul3A_18] : memref<16x10256xf32, #tpu.memory_space<vmem_shared>> -> memref<1x640xf32, #tpu.memory_space<vmem_shared>>
      %dma_start3A_178 = tpu.memref_squeeze %dma_start3A_177 : memref<1x640xf32, #tpu.memory_space<vmem_shared>> -> memref<640xf32, #tpu.memory_space<vmem_shared>>
      tpu.enqueue_dma source(%dma_start3A_178 : memref<640xf32, #tpu.memory_space<vmem_shared>>) target(%arg7 : memref<640xf32, #tpu.memory_space<vmem>>) target_semaphore(%run_scoped3A_175 : memref<!tpu.dma_semaphore, #tpu.memory_space<semaphore_mem>>)
      %dma_wait3A = tpu.memref_slice %arg8[%run_scoped3A_19, %mul3A_18] : memref<16x10256xf32, #tpu.memory_space<vmem_shared>> -> memref<1x640xf32, #tpu.memory_space<vmem_shared>>
      %dma_wait3A_179 = tpu.memref_squeeze %dma_wait3A : memref<1x640xf32, #tpu.memory_space<vmem_shared>> -> memref<640xf32, #tpu.memory_space<vmem_shared>>
      %dma_wait3A_180 = tpu.memref_slice %arg8[%run_scoped3A_19, %mul3A_18] : memref<16x10256xf32, #tpu.memory_space<vmem_shared>> -> memref<1x640xf32, #tpu.memory_space<vmem_shared>>
      %dma_wait3A_181 = tpu.memref_squeeze %dma_wait3A_180 : memref<1x640xf32, #tpu.memory_space<vmem_shared>> -> memref<640xf32, #tpu.memory_space<vmem_shared>>
      tpu.wait_dma2 semaphore(%run_scoped3A_175 : memref<!tpu.dma_semaphore, #tpu.memory_space<semaphore_mem>>) src(%dma_wait3A_181 : memref<640xf32, #tpu.memory_space<vmem_shared>>) dst(%arg7 : memref<640xf32, #tpu.memory_space<vmem>>)
      tpu.yield
    }) : () -> ()
    %scan3A_20 = arith.constant 0 : i32
    %scan3A_21 = arith.constant 0 : i32
    %scan3A_22 = arith.constant 40 : i32
    %scan3A_23 = arith.addi %scan3A_21, %scan3A_22 : i32
    %scan3A_24 = arith.constant 1 : i32
    scf.for %scan3A_175 = %scan3A_21 to %scan3A_23 step %scan3A_24  : i32 {
      %mul3A_176 = arith.constant 16 : i32
      %mul3A_177 = arith.muli %scan3A_175, %mul3A_176 : i32
      %get3A = arith.index_cast %mul3A_177 : i32 to index
      %get3A_178 = tpu.vector_load %arg6[%get3A] {strides = array<i32>} : memref<640xf32, #tpu.memory_space<vmem>>, vector<16xf32>,
      %get3A_179 = arith.index_cast %mul3A_177 : i32 to index
      %get3A_180 = tpu.vector_load %arg7[%get3A_179] {strides = array<i32>} : memref<640xf32, #tpu.memory_space<vmem>>, vector<16xf32>,
      %add3A = arith.addf %get3A_178, %get3A_180 : vector<16xf32>
      %swap3A = arith.index_cast %mul3A_177 : i32 to index
      %swap3A_181 = tpu.vector_load %arg6[%swap3A] {strides = array<i32>} : memref<640xf32, #tpu.memory_space<vmem>>, vector<16xf32>,
      tpu.vector_store %arg6[%swap3A], %add3A {strides = array<i32>} : memref<640xf32, #tpu.memory_space<vmem>>, vector<16xf32>,
    }
    %scan3A_25 = arith.constant 40 : i32
    %mul3A_26 = arith.constant 640 : i32
    %mul3A_27 = arith.muli %arg1, %mul3A_26 : i32
    %run_scoped3A_28 = arith.constant 2 : i32
    "tpu.region"() ({
      %run_scoped3A_175 = tpu.sem_alloc : memref<!tpu.dma_semaphore, #tpu.memory_space<semaphore_mem>>
      %dma_start3A = tpu.memref_slice %arg8[%run_scoped3A_28, %mul3A_27] : memref<16x10256xf32, #tpu.memory_space<vmem_shared>> -> memref<1x640xf32, #tpu.memory_space<vmem_shared>>
      %dma_start3A_176 = tpu.memref_squeeze %dma_start3A : memref<1x640xf32, #tpu.memory_space<vmem_shared>> -> memref<640xf32, #tpu.memory_space<vmem_shared>>
      %dma_start3A_177 = tpu.memref_slice %arg8[%run_scoped3A_28, %mul3A_27] : memref<16x10256xf32, #tpu.memory_space<vmem_shared>> -> memref<1x640xf32, #tpu.memory_space<vmem_shared>>
      %dma_start3A_178 = tpu.memref_squeeze %dma_start3A_177 : memref<1x640xf32, #tpu.memory_space<vmem_shared>> -> memref<640xf32, #tpu.memory_space<vmem_shared>>
      tpu.enqueue_dma source(%dma_start3A_178 : memref<640xf32, #tpu.memory_space<vmem_shared>>) target(%arg7 : memref<640xf32, #tpu.memory_space<vmem>>) target_semaphore(%run_scoped3A_175 : memref<!tpu.dma_semaphore, #tpu.memory_space<semaphore_mem>>)
      %dma_wait3A = tpu.memref_slice %arg8[%run_scoped3A_28, %mul3A_27] : memref<16x10256xf32, #tpu.memory_space<vmem_shared>> -> memref<1x640xf32, #tpu.memory_space<vmem_shared>>
      %dma_wait3A_179 = tpu.memref_squeeze %dma_wait3A : memref<1x640xf32, #tpu.memory_space<vmem_shared>> -> memref<640xf32, #tpu.memory_space<vmem_shared>>
      %dma_wait3A_180 = tpu.memref_slice %arg8[%run_scoped3A_28, %mul3A_27] : memref<16x10256xf32, #tpu.memory_space<vmem_shared>> -> memref<1x640xf32, #tpu.memory_space<vmem_shared>>
      %dma_wait3A_181 = tpu.memref_squeeze %dma_wait3A_180 : memref<1x640xf32, #tpu.memory_space<vmem_shared>> -> memref<640xf32, #tpu.memory_space<vmem_shared>>
      tpu.wait_dma2 semaphore(%run_scoped3A_175 : memref<!tpu.dma_semaphore, #tpu.memory_space<semaphore_mem>>) src(%dma_wait3A_181 : memref<640xf32, #tpu.memory_space<vmem_shared>>) dst(%arg7 : memref<640xf32, #tpu.memory_space<vmem>>)
      tpu.yield
    }) : () -> ()
    %scan3A_29 = arith.constant 0 : i32
    %scan3A_30 = arith.constant 0 : i32
    %scan3A_31 = arith.constant 40 : i32
    %scan3A_32 = arith.addi %scan3A_30, %scan3A_31 : i32
    %scan3A_33 = arith.constant 1 : i32
    scf.for %scan3A_175 = %scan3A_30 to %scan3A_32 step %scan3A_33  : i32 {
      %mul3A_176 = arith.constant 16 : i32
      %mul3A_177 = arith.muli %scan3A_175, %mul3A_176 : i32
      %get3A = arith.index_cast %mul3A_177 : i32 to index
      %get3A_178 = tpu.vector_load %arg6[%get3A] {strides = array<i32>} : memref<640xf32, #tpu.memory_space<vmem>>, vector<16xf32>,
      %get3A_179 = arith.index_cast %mul3A_177 : i32 to index
      %get3A_180 = tpu.vector_load %arg7[%get3A_179] {strides = array<i32>} : memref<640xf32, #tpu.memory_space<vmem>>, vector<16xf32>,
      %add3A = arith.addf %get3A_178, %get3A_180 : vector<16xf32>
      %swap3A = arith.index_cast %mul3A_177 : i32 to index
      %swap3A_181 = tpu.vector_load %arg6[%swap3A] {strides = array<i32>} : memref<640xf32, #tpu.memory_space<vmem>>, vector<16xf32>,
      tpu.vector_store %arg6[%swap3A], %add3A {strides = array<i32>} : memref<640xf32, #tpu.memory_space<vmem>>, vector<16xf32>,
    }
    %scan3A_34 = arith.constant 40 : i32
    %mul3A_35 = arith.constant 640 : i32
    %mul3A_36 = arith.muli %arg1, %mul3A_35 : i32
    %run_scoped3A_37 = arith.constant 3 : i32
    "tpu.region"() ({
      %run_scoped3A_175 = tpu.sem_alloc : memref<!tpu.dma_semaphore, #tpu.memory_space<semaphore_mem>>
      %dma_start3A = tpu.memref_slice %arg8[%run_scoped3A_37, %mul3A_36] : memref<16x10256xf32, #tpu.memory_space<vmem_shared>> -> memref<1x640xf32, #tpu.memory_space<vmem_shared>>
      %dma_start3A_176 = tpu.memref_squeeze %dma_start3A : memref<1x640xf32, #tpu.memory_space<vmem_shared>> -> memref<640xf32, #tpu.memory_space<vmem_shared>>
      %dma_start3A_177 = tpu.memref_slice %arg8[%run_scoped3A_37, %mul3A_36] : memref<16x10256xf32, #tpu.memory_space<vmem_shared>> -> memref<1x640xf32, #tpu.memory_space<vmem_shared>>
      %dma_start3A_178 = tpu.memref_squeeze %dma_start3A_177 : memref<1x640xf32, #tpu.memory_space<vmem_shared>> -> memref<640xf32, #tpu.memory_space<vmem_shared>>
      tpu.enqueue_dma source(%dma_start3A_178 : memref<640xf32, #tpu.memory_space<vmem_shared>>) target(%arg7 : memref<640xf32, #tpu.memory_space<vmem>>) target_semaphore(%run_scoped3A_175 : memref<!tpu.dma_semaphore, #tpu.memory_space<semaphore_mem>>)
      %dma_wait3A = tpu.memref_slice %arg8[%run_scoped3A_37, %mul3A_36] : memref<16x10256xf32, #tpu.memory_space<vmem_shared>> -> memref<1x640xf32, #tpu.memory_space<vmem_shared>>
      %dma_wait3A_179 = tpu.memref_squeeze %dma_wait3A : memref<1x640xf32, #tpu.memory_space<vmem_shared>> -> memref<640xf32, #tpu.memory_space<vmem_shared>>
      %dma_wait3A_180 = tpu.memref_slice %arg8[%run_scoped3A_37, %mul3A_36] : memref<16x10256xf32, #tpu.memory_space<vmem_shared>> -> memref<1x640xf32, #tpu.memory_space<vmem_shared>>
      %dma_wait3A_181 = tpu.memref_squeeze %dma_wait3A_180 : memref<1x640xf32, #tpu.memory_space<vmem_shared>> -> memref<640xf32, #tpu.memory_space<vmem_shared>>
      tpu.wait_dma2 semaphore(%run_scoped3A_175 : memref<!tpu.dma_semaphore, #tpu.memory_space<semaphore_mem>>) src(%dma_wait3A_181 : memref<640xf32, #tpu.memory_space<vmem_shared>>) dst(%arg7 : memref<640xf32, #tpu.memory_space<vmem>>)
      tpu.yield
    }) : () -> ()
    %scan3A_38 = arith.constant 0 : i32
    %scan3A_39 = arith.constant 0 : i32
    %scan3A_40 = arith.constant 40 : i32
    %scan3A_41 = arith.addi %scan3A_39, %scan3A_40 : i32
    %scan3A_42 = arith.constant 1 : i32
    scf.for %scan3A_175 = %scan3A_39 to %scan3A_41 step %scan3A_42  : i32 {
      %mul3A_176 = arith.constant 16 : i32
      %mul3A_177 = arith.muli %scan3A_175, %mul3A_176 : i32
      %get3A = arith.index_cast %mul3A_177 : i32 to index
      %get3A_178 = tpu.vector_load %arg6[%get3A] {strides = array<i32>} : memref<640xf32, #tpu.memory_space<vmem>>, vector<16xf32>,
      %get3A_179 = arith.index_cast %mul3A_177 : i32 to index
      %get3A_180 = tpu.vector_load %arg7[%get3A_179] {strides = array<i32>} : memref<640xf32, #tpu.memory_space<vmem>>, vector<16xf32>,
      %add3A = arith.addf %get3A_178, %get3A_180 : vector<16xf32>
      %swap3A = arith.index_cast %mul3A_177 : i32 to index
      %swap3A_181 = tpu.vector_load %arg6[%swap3A] {strides = array<i32>} : memref<640xf32, #tpu.memory_space<vmem>>, vector<16xf32>,
      tpu.vector_store %arg6[%swap3A], %add3A {strides = array<i32>} : memref<640xf32, #tpu.memory_space<vmem>>, vector<16xf32>,
    }
    %scan3A_43 = arith.constant 40 : i32
    %mul3A_44 = arith.constant 640 : i32
    %mul3A_45 = arith.muli %arg1, %mul3A_44 : i32
    %run_scoped3A_46 = arith.constant 4 : i32
    "tpu.region"() ({
      %run_scoped3A_175 = tpu.sem_alloc : memref<!tpu.dma_semaphore, #tpu.memory_space<semaphore_mem>>
      %dma_start3A = tpu.memref_slice %arg8[%run_scoped3A_46, %mul3A_45] : memref<16x10256xf32, #tpu.memory_space<vmem_shared>> -> memref<1x640xf32, #tpu.memory_space<vmem_shared>>
      %dma_start3A_176 = tpu.memref_squeeze %dma_start3A : memref<1x640xf32, #tpu.memory_space<vmem_shared>> -> memref<640xf32, #tpu.memory_space<vmem_shared>>
      %dma_start3A_177 = tpu.memref_slice %arg8[%run_scoped3A_46, %mul3A_45] : memref<16x10256xf32, #tpu.memory_space<vmem_shared>> -> memref<1x640xf32, #tpu.memory_space<vmem_shared>>
      %dma_start3A_178 = tpu.memref_squeeze %dma_start3A_177 : memref<1x640xf32, #tpu.memory_space<vmem_shared>> -> memref<640xf32, #tpu.memory_space<vmem_shared>>
      tpu.enqueue_dma source(%dma_start3A_178 : memref<640xf32, #tpu.memory_space<vmem_shared>>) target(%arg7 : memref<640xf32, #tpu.memory_space<vmem>>) target_semaphore(%run_scoped3A_175 : memref<!tpu.dma_semaphore, #tpu.memory_space<semaphore_mem>>)
      %dma_wait3A = tpu.memref_slice %arg8[%run_scoped3A_46, %mul3A_45] : memref<16x10256xf32, #tpu.memory_space<vmem_shared>> -> memref<1x640xf32, #tpu.memory_space<vmem_shared>>
      %dma_wait3A_179 = tpu.memref_squeeze %dma_wait3A : memref<1x640xf32, #tpu.memory_space<vmem_shared>> -> memref<640xf32, #tpu.memory_space<vmem_shared>>
      %dma_wait3A_180 = tpu.memref_slice %arg8[%run_scoped3A_46, %mul3A_45] : memref<16x10256xf32, #tpu.memory_space<vmem_shared>> -> memref<1x640xf32, #tpu.memory_space<vmem_shared>>
      %dma_wait3A_181 = tpu.memref_squeeze %dma_wait3A_180 : memref<1x640xf32, #tpu.memory_space<vmem_shared>> -> memref<640xf32, #tpu.memory_space<vmem_shared>>
      tpu.wait_dma2 semaphore(%run_scoped3A_175 : memref<!tpu.dma_semaphore, #tpu.memory_space<semaphore_mem>>) src(%dma_wait3A_181 : memref<640xf32, #tpu.memory_space<vmem_shared>>) dst(%arg7 : memref<640xf32, #tpu.memory_space<vmem>>)
      tpu.yield
    }) : () -> ()
    %scan3A_47 = arith.constant 0 : i32
    %scan3A_48 = arith.constant 0 : i32
    %scan3A_49 = arith.constant 40 : i32
    %scan3A_50 = arith.addi %scan3A_48, %scan3A_49 : i32
    %scan3A_51 = arith.constant 1 : i32
    scf.for %scan3A_175 = %scan3A_48 to %scan3A_50 step %scan3A_51  : i32 {
      %mul3A_176 = arith.constant 16 : i32
      %mul3A_177 = arith.muli %scan3A_175, %mul3A_176 : i32
      %get3A = arith.index_cast %mul3A_177 : i32 to index
      %get3A_178 = tpu.vector_load %arg6[%get3A] {strides = array<i32>} : memref<640xf32, #tpu.memory_space<vmem>>, vector<16xf32>,
      %get3A_179 = arith.index_cast %mul3A_177 : i32 to index
      %get3A_180 = tpu.vector_load %arg7[%get3A_179] {strides = array<i32>} : memref<640xf32, #tpu.memory_space<vmem>>, vector<16xf32>,
      %add3A = arith.addf %get3A_178, %get3A_180 : vector<16xf32>
      %swap3A = arith.index_cast %mul3A_177 : i32 to index
      %swap3A_181 = tpu.vector_load %arg6[%swap3A] {strides = array<i32>} : memref<640xf32, #tpu.memory_space<vmem>>, vector<16xf32>,
      tpu.vector_store %arg6[%swap3A], %add3A {strides = array<i32>} : memref<640xf32, #tpu.memory_space<vmem>>, vector<16xf32>,
    }
    %scan3A_52 = arith.constant 40 : i32
    %mul3A_53 = arith.constant 640 : i32
    %mul3A_54 = arith.muli %arg1, %mul3A_53 : i32
    %run_scoped3A_55 = arith.constant 5 : i32
    "tpu.region"() ({
      %run_scoped3A_175 = tpu.sem_alloc : memref<!tpu.dma_semaphore, #tpu.memory_space<semaphore_mem>>
      %dma_start3A = tpu.memref_slice %arg8[%run_scoped3A_55, %mul3A_54] : memref<16x10256xf32, #tpu.memory_space<vmem_shared>> -> memref<1x640xf32, #tpu.memory_space<vmem_shared>>
      %dma_start3A_176 = tpu.memref_squeeze %dma_start3A : memref<1x640xf32, #tpu.memory_space<vmem_shared>> -> memref<640xf32, #tpu.memory_space<vmem_shared>>
      %dma_start3A_177 = tpu.memref_slice %arg8[%run_scoped3A_55, %mul3A_54] : memref<16x10256xf32, #tpu.memory_space<vmem_shared>> -> memref<1x640xf32, #tpu.memory_space<vmem_shared>>
      %dma_start3A_178 = tpu.memref_squeeze %dma_start3A_177 : memref<1x640xf32, #tpu.memory_space<vmem_shared>> -> memref<640xf32, #tpu.memory_space<vmem_shared>>
      tpu.enqueue_dma source(%dma_start3A_178 : memref<640xf32, #tpu.memory_space<vmem_shared>>) target(%arg7 : memref<640xf32, #tpu.memory_space<vmem>>) target_semaphore(%run_scoped3A_175 : memref<!tpu.dma_semaphore, #tpu.memory_space<semaphore_mem>>)
      %dma_wait3A = tpu.memref_slice %arg8[%run_scoped3A_55, %mul3A_54] : memref<16x10256xf32, #tpu.memory_space<vmem_shared>> -> memref<1x640xf32, #tpu.memory_space<vmem_shared>>
      %dma_wait3A_179 = tpu.memref_squeeze %dma_wait3A : memref<1x640xf32, #tpu.memory_space<vmem_shared>> -> memref<640xf32, #tpu.memory_space<vmem_shared>>
      %dma_wait3A_180 = tpu.memref_slice %arg8[%run_scoped3A_55, %mul3A_54] : memref<16x10256xf32, #tpu.memory_space<vmem_shared>> -> memref<1x640xf32, #tpu.memory_space<vmem_shared>>
      %dma_wait3A_181 = tpu.memref_squeeze %dma_wait3A_180 : memref<1x640xf32, #tpu.memory_space<vmem_shared>> -> memref<640xf32, #tpu.memory_space<vmem_shared>>
      tpu.wait_dma2 semaphore(%run_scoped3A_175 : memref<!tpu.dma_semaphore, #tpu.memory_space<semaphore_mem>>) src(%dma_wait3A_181 : memref<640xf32, #tpu.memory_space<vmem_shared>>) dst(%arg7 : memref<640xf32, #tpu.memory_space<vmem>>)
      tpu.yield
    }) : () -> ()
    %scan3A_56 = arith.constant 0 : i32
    %scan3A_57 = arith.constant 0 : i32
    %scan3A_58 = arith.constant 40 : i32
    %scan3A_59 = arith.addi %scan3A_57, %scan3A_58 : i32
    %scan3A_60 = arith.constant 1 : i32
    scf.for %scan3A_175 = %scan3A_57 to %scan3A_59 step %scan3A_60  : i32 {
      %mul3A_176 = arith.constant 16 : i32
      %mul3A_177 = arith.muli %scan3A_175, %mul3A_176 : i32
      %get3A = arith.index_cast %mul3A_177 : i32 to index
      %get3A_178 = tpu.vector_load %arg6[%get3A] {strides = array<i32>} : memref<640xf32, #tpu.memory_space<vmem>>, vector<16xf32>,
      %get3A_179 = arith.index_cast %mul3A_177 : i32 to index
      %get3A_180 = tpu.vector_load %arg7[%get3A_179] {strides = array<i32>} : memref<640xf32, #tpu.memory_space<vmem>>, vector<16xf32>,
      %add3A = arith.addf %get3A_178, %get3A_180 : vector<16xf32>
      %swap3A = arith.index_cast %mul3A_177 : i32 to index
      %swap3A_181 = tpu.vector_load %arg6[%swap3A] {strides = array<i32>} : memref<640xf32, #tpu.memory_space<vmem>>, vector<16xf32>,
      tpu.vector_store %arg6[%swap3A], %add3A {strides = array<i32>} : memref<640xf32, #tpu.memory_space<vmem>>, vector<16xf32>,
    }
    %scan3A_61 = arith.constant 40 : i32
    %mul3A_62 = arith.constant 640 : i32
    %mul3A_63 = arith.muli %arg1, %mul3A_62 : i32
    %run_scoped3A_64 = arith.constant 6 : i32
    "tpu.region"() ({
      %run_scoped3A_175 = tpu.sem_alloc : memref<!tpu.dma_semaphore, #tpu.memory_space<semaphore_mem>>
      %dma_start3A = tpu.memref_slice %arg8[%run_scoped3A_64, %mul3A_63] : memref<16x10256xf32, #tpu.memory_space<vmem_shared>> -> memref<1x640xf32, #tpu.memory_space<vmem_shared>>
      %dma_start3A_176 = tpu.memref_squeeze %dma_start3A : memref<1x640xf32, #tpu.memory_space<vmem_shared>> -> memref<640xf32, #tpu.memory_space<vmem_shared>>
      %dma_start3A_177 = tpu.memref_slice %arg8[%run_scoped3A_64, %mul3A_63] : memref<16x10256xf32, #tpu.memory_space<vmem_shared>> -> memref<1x640xf32, #tpu.memory_space<vmem_shared>>
      %dma_start3A_178 = tpu.memref_squeeze %dma_start3A_177 : memref<1x640xf32, #tpu.memory_space<vmem_shared>> -> memref<640xf32, #tpu.memory_space<vmem_shared>>
      tpu.enqueue_dma source(%dma_start3A_178 : memref<640xf32, #tpu.memory_space<vmem_shared>>) target(%arg7 : memref<640xf32, #tpu.memory_space<vmem>>) target_semaphore(%run_scoped3A_175 : memref<!tpu.dma_semaphore, #tpu.memory_space<semaphore_mem>>)
      %dma_wait3A = tpu.memref_slice %arg8[%run_scoped3A_64, %mul3A_63] : memref<16x10256xf32, #tpu.memory_space<vmem_shared>> -> memref<1x640xf32, #tpu.memory_space<vmem_shared>>
      %dma_wait3A_179 = tpu.memref_squeeze %dma_wait3A : memref<1x640xf32, #tpu.memory_space<vmem_shared>> -> memref<640xf32, #tpu.memory_space<vmem_shared>>
      %dma_wait3A_180 = tpu.memref_slice %arg8[%run_scoped3A_64, %mul3A_63] : memref<16x10256xf32, #tpu.memory_space<vmem_shared>> -> memref<1x640xf32, #tpu.memory_space<vmem_shared>>
      %dma_wait3A_181 = tpu.memref_squeeze %dma_wait3A_180 : memref<1x640xf32, #tpu.memory_space<vmem_shared>> -> memref<640xf32, #tpu.memory_space<vmem_shared>>
      tpu.wait_dma2 semaphore(%run_scoped3A_175 : memref<!tpu.dma_semaphore, #tpu.memory_space<semaphore_mem>>) src(%dma_wait3A_181 : memref<640xf32, #tpu.memory_space<vmem_shared>>) dst(%arg7 : memref<640xf32, #tpu.memory_space<vmem>>)
      tpu.yield
    }) : () -> ()
    %scan3A_65 = arith.constant 0 : i32
    %scan3A_66 = arith.constant 0 : i32
    %scan3A_67 = arith.constant 40 : i32
    %scan3A_68 = arith.addi %scan3A_66, %scan3A_67 : i32
    %scan3A_69 = arith.constant 1 : i32
    scf.for %scan3A_175 = %scan3A_66 to %scan3A_68 step %scan3A_69  : i32 {
      %mul3A_176 = arith.constant 16 : i32
      %mul3A_177 = arith.muli %scan3A_175, %mul3A_176 : i32
      %get3A = arith.index_cast %mul3A_177 : i32 to index
      %get3A_178 = tpu.vector_load %arg6[%get3A] {strides = array<i32>} : memref<640xf32, #tpu.memory_space<vmem>>, vector<16xf32>,
      %get3A_179 = arith.index_cast %mul3A_177 : i32 to index
      %get3A_180 = tpu.vector_load %arg7[%get3A_179] {strides = array<i32>} : memref<640xf32, #tpu.memory_space<vmem>>, vector<16xf32>,
      %add3A = arith.addf %get3A_178, %get3A_180 : vector<16xf32>
      %swap3A = arith.index_cast %mul3A_177 : i32 to index
      %swap3A_181 = tpu.vector_load %arg6[%swap3A] {strides = array<i32>} : memref<640xf32, #tpu.memory_space<vmem>>, vector<16xf32>,
      tpu.vector_store %arg6[%swap3A], %add3A {strides = array<i32>} : memref<640xf32, #tpu.memory_space<vmem>>, vector<16xf32>,
    }
    %scan3A_70 = arith.constant 40 : i32
    %mul3A_71 = arith.constant 640 : i32
    %mul3A_72 = arith.muli %arg1, %mul3A_71 : i32
    %run_scoped3A_73 = arith.constant 7 : i32
    "tpu.region"() ({
      %run_scoped3A_175 = tpu.sem_alloc : memref<!tpu.dma_semaphore, #tpu.memory_space<semaphore_mem>>
      %dma_start3A = tpu.memref_slice %arg8[%run_scoped3A_73, %mul3A_72] : memref<16x10256xf32, #tpu.memory_space<vmem_shared>> -> memref<1x640xf32, #tpu.memory_space<vmem_shared>>
      %dma_start3A_176 = tpu.memref_squeeze %dma_start3A : memref<1x640xf32, #tpu.memory_space<vmem_shared>> -> memref<640xf32, #tpu.memory_space<vmem_shared>>
      %dma_start3A_177 = tpu.memref_slice %arg8[%run_scoped3A_73, %mul3A_72] : memref<16x10256xf32, #tpu.memory_space<vmem_shared>> -> memref<1x640xf32, #tpu.memory_space<vmem_shared>>
      %dma_start3A_178 = tpu.memref_squeeze %dma_start3A_177 : memref<1x640xf32, #tpu.memory_space<vmem_shared>> -> memref<640xf32, #tpu.memory_space<vmem_shared>>
      tpu.enqueue_dma source(%dma_start3A_178 : memref<640xf32, #tpu.memory_space<vmem_shared>>) target(%arg7 : memref<640xf32, #tpu.memory_space<vmem>>) target_semaphore(%run_scoped3A_175 : memref<!tpu.dma_semaphore, #tpu.memory_space<semaphore_mem>>)
      %dma_wait3A = tpu.memref_slice %arg8[%run_scoped3A_73, %mul3A_72] : memref<16x10256xf32, #tpu.memory_space<vmem_shared>> -> memref<1x640xf32, #tpu.memory_space<vmem_shared>>
      %dma_wait3A_179 = tpu.memref_squeeze %dma_wait3A : memref<1x640xf32, #tpu.memory_space<vmem_shared>> -> memref<640xf32, #tpu.memory_space<vmem_shared>>
      %dma_wait3A_180 = tpu.memref_slice %arg8[%run_scoped3A_73, %mul3A_72] : memref<16x10256xf32, #tpu.memory_space<vmem_shared>> -> memref<1x640xf32, #tpu.memory_space<vmem_shared>>
      %dma_wait3A_181 = tpu.memref_squeeze %dma_wait3A_180 : memref<1x640xf32, #tpu.memory_space<vmem_shared>> -> memref<640xf32, #tpu.memory_space<vmem_shared>>
      tpu.wait_dma2 semaphore(%run_scoped3A_175 : memref<!tpu.dma_semaphore, #tpu.memory_space<semaphore_mem>>) src(%dma_wait3A_181 : memref<640xf32, #tpu.memory_space<vmem_shared>>) dst(%arg7 : memref<640xf32, #tpu.memory_space<vmem>>)
      tpu.yield
    }) : () -> ()
    %scan3A_74 = arith.constant 0 : i32
    %scan3A_75 = arith.constant 0 : i32
    %scan3A_76 = arith.constant 40 : i32
    %scan3A_77 = arith.addi %scan3A_75, %scan3A_76 : i32
    %scan3A_78 = arith.constant 1 : i32
    scf.for %scan3A_175 = %scan3A_75 to %scan3A_77 step %scan3A_78  : i32 {
      %mul3A_176 = arith.constant 16 : i32
      %mul3A_177 = arith.muli %scan3A_175, %mul3A_176 : i32
      %get3A = arith.index_cast %mul3A_177 : i32 to index
      %get3A_178 = tpu.vector_load %arg6[%get3A] {strides = array<i32>} : memref<640xf32, #tpu.memory_space<vmem>>, vector<16xf32>,
      %get3A_179 = arith.index_cast %mul3A_177 : i32 to index
      %get3A_180 = tpu.vector_load %arg7[%get3A_179] {strides = array<i32>} : memref<640xf32, #tpu.memory_space<vmem>>, vector<16xf32>,
      %add3A = arith.addf %get3A_178, %get3A_180 : vector<16xf32>
      %swap3A = arith.index_cast %mul3A_177 : i32 to index
      %swap3A_181 = tpu.vector_load %arg6[%swap3A] {strides = array<i32>} : memref<640xf32, #tpu.memory_space<vmem>>, vector<16xf32>,
      tpu.vector_store %arg6[%swap3A], %add3A {strides = array<i32>} : memref<640xf32, #tpu.memory_space<vmem>>, vector<16xf32>,
    }
    %scan3A_79 = arith.constant 40 : i32
    %mul3A_80 = arith.constant 640 : i32
    %mul3A_81 = arith.muli %arg1, %mul3A_80 : i32
    %run_scoped3A_82 = arith.constant 8 : i32
    "tpu.region"() ({
      %run_scoped3A_175 = tpu.sem_alloc : memref<!tpu.dma_semaphore, #tpu.memory_space<semaphore_mem>>
      %dma_start3A = tpu.memref_slice %arg8[%run_scoped3A_82, %mul3A_81] : memref<16x10256xf32, #tpu.memory_space<vmem_shared>> -> memref<1x640xf32, #tpu.memory_space<vmem_shared>>
      %dma_start3A_176 = tpu.memref_squeeze %dma_start3A : memref<1x640xf32, #tpu.memory_space<vmem_shared>> -> memref<640xf32, #tpu.memory_space<vmem_shared>>
      %dma_start3A_177 = tpu.memref_slice %arg8[%run_scoped3A_82, %mul3A_81] : memref<16x10256xf32, #tpu.memory_space<vmem_shared>> -> memref<1x640xf32, #tpu.memory_space<vmem_shared>>
      %dma_start3A_178 = tpu.memref_squeeze %dma_start3A_177 : memref<1x640xf32, #tpu.memory_space<vmem_shared>> -> memref<640xf32, #tpu.memory_space<vmem_shared>>
      tpu.enqueue_dma source(%dma_start3A_178 : memref<640xf32, #tpu.memory_space<vmem_shared>>) target(%arg7 : memref<640xf32, #tpu.memory_space<vmem>>) target_semaphore(%run_scoped3A_175 : memref<!tpu.dma_semaphore, #tpu.memory_space<semaphore_mem>>)
      %dma_wait3A = tpu.memref_slice %arg8[%run_scoped3A_82, %mul3A_81] : memref<16x10256xf32, #tpu.memory_space<vmem_shared>> -> memref<1x640xf32, #tpu.memory_space<vmem_shared>>
      %dma_wait3A_179 = tpu.memref_squeeze %dma_wait3A : memref<1x640xf32, #tpu.memory_space<vmem_shared>> -> memref<640xf32, #tpu.memory_space<vmem_shared>>
      %dma_wait3A_180 = tpu.memref_slice %arg8[%run_scoped3A_82, %mul3A_81] : memref<16x10256xf32, #tpu.memory_space<vmem_shared>> -> memref<1x640xf32, #tpu.memory_space<vmem_shared>>
      %dma_wait3A_181 = tpu.memref_squeeze %dma_wait3A_180 : memref<1x640xf32, #tpu.memory_space<vmem_shared>> -> memref<640xf32, #tpu.memory_space<vmem_shared>>
      tpu.wait_dma2 semaphore(%run_scoped3A_175 : memref<!tpu.dma_semaphore, #tpu.memory_space<semaphore_mem>>) src(%dma_wait3A_181 : memref<640xf32, #tpu.memory_space<vmem_shared>>) dst(%arg7 : memref<640xf32, #tpu.memory_space<vmem>>)
      tpu.yield
    }) : () -> ()
    %scan3A_83 = arith.constant 0 : i32
    %scan3A_84 = arith.constant 0 : i32
    %scan3A_85 = arith.constant 40 : i32
    %scan3A_86 = arith.addi %scan3A_84, %scan3A_85 : i32
    %scan3A_87 = arith.constant 1 : i32
    scf.for %scan3A_175 = %scan3A_84 to %scan3A_86 step %scan3A_87  : i32 {
      %mul3A_176 = arith.constant 16 : i32
      %mul3A_177 = arith.muli %scan3A_175, %mul3A_176 : i32
      %get3A = arith.index_cast %mul3A_177 : i32 to index
      %get3A_178 = tpu.vector_load %arg6[%get3A] {strides = array<i32>} : memref<640xf32, #tpu.memory_space<vmem>>, vector<16xf32>,
      %get3A_179 = arith.index_cast %mul3A_177 : i32 to index
      %get3A_180 = tpu.vector_load %arg7[%get3A_179] {strides = array<i32>} : memref<640xf32, #tpu.memory_space<vmem>>, vector<16xf32>,
      %add3A = arith.addf %get3A_178, %get3A_180 : vector<16xf32>
      %swap3A = arith.index_cast %mul3A_177 : i32 to index
      %swap3A_181 = tpu.vector_load %arg6[%swap3A] {strides = array<i32>} : memref<640xf32, #tpu.memory_space<vmem>>, vector<16xf32>,
      tpu.vector_store %arg6[%swap3A], %add3A {strides = array<i32>} : memref<640xf32, #tpu.memory_space<vmem>>, vector<16xf32>,
    }
    %scan3A_88 = arith.constant 40 : i32
    %mul3A_89 = arith.constant 640 : i32
    %mul3A_90 = arith.muli %arg1, %mul3A_89 : i32
    %run_scoped3A_91 = arith.constant 9 : i32
    "tpu.region"() ({
      %run_scoped3A_175 = tpu.sem_alloc : memref<!tpu.dma_semaphore, #tpu.memory_space<semaphore_mem>>
      %dma_start3A = tpu.memref_slice %arg8[%run_scoped3A_91, %mul3A_90] : memref<16x10256xf32, #tpu.memory_space<vmem_shared>> -> memref<1x640xf32, #tpu.memory_space<vmem_shared>>
      %dma_start3A_176 = tpu.memref_squeeze %dma_start3A : memref<1x640xf32, #tpu.memory_space<vmem_shared>> -> memref<640xf32, #tpu.memory_space<vmem_shared>>
      %dma_start3A_177 = tpu.memref_slice %arg8[%run_scoped3A_91, %mul3A_90] : memref<16x10256xf32, #tpu.memory_space<vmem_shared>> -> memref<1x640xf32, #tpu.memory_space<vmem_shared>>
      %dma_start3A_178 = tpu.memref_squeeze %dma_start3A_177 : memref<1x640xf32, #tpu.memory_space<vmem_shared>> -> memref<640xf32, #tpu.memory_space<vmem_shared>>
      tpu.enqueue_dma source(%dma_start3A_178 : memref<640xf32, #tpu.memory_space<vmem_shared>>) target(%arg7 : memref<640xf32, #tpu.memory_space<vmem>>) target_semaphore(%run_scoped3A_175 : memref<!tpu.dma_semaphore, #tpu.memory_space<semaphore_mem>>)
      %dma_wait3A = tpu.memref_slice %arg8[%run_scoped3A_91, %mul3A_90] : memref<16x10256xf32, #tpu.memory_space<vmem_shared>> -> memref<1x640xf32, #tpu.memory_space<vmem_shared>>
      %dma_wait3A_179 = tpu.memref_squeeze %dma_wait3A : memref<1x640xf32, #tpu.memory_space<vmem_shared>> -> memref<640xf32, #tpu.memory_space<vmem_shared>>
      %dma_wait3A_180 = tpu.memref_slice %arg8[%run_scoped3A_91, %mul3A_90] : memref<16x10256xf32, #tpu.memory_space<vmem_shared>> -> memref<1x640xf32, #tpu.memory_space<vmem_shared>>
      %dma_wait3A_181 = tpu.memref_squeeze %dma_wait3A_180 : memref<1x640xf32, #tpu.memory_space<vmem_shared>> -> memref<640xf32, #tpu.memory_space<vmem_shared>>
      tpu.wait_dma2 semaphore(%run_scoped3A_175 : memref<!tpu.dma_semaphore, #tpu.memory_space<semaphore_mem>>) src(%dma_wait3A_181 : memref<640xf32, #tpu.memory_space<vmem_shared>>) dst(%arg7 : memref<640xf32, #tpu.memory_space<vmem>>)
      tpu.yield
    }) : () -> ()
    %scan3A_92 = arith.constant 0 : i32
    %scan3A_93 = arith.constant 0 : i32
    %scan3A_94 = arith.constant 40 : i32
    %scan3A_95 = arith.addi %scan3A_93, %scan3A_94 : i32
    %scan3A_96 = arith.constant 1 : i32
    scf.for %scan3A_175 = %scan3A_93 to %scan3A_95 step %scan3A_96  : i32 {
      %mul3A_176 = arith.constant 16 : i32
      %mul3A_177 = arith.muli %scan3A_175, %mul3A_176 : i32
      %get3A = arith.index_cast %mul3A_177 : i32 to index
      %get3A_178 = tpu.vector_load %arg6[%get3A] {strides = array<i32>} : memref<640xf32, #tpu.memory_space<vmem>>, vector<16xf32>,
      %get3A_179 = arith.index_cast %mul3A_177 : i32 to index
      %get3A_180 = tpu.vector_load %arg7[%get3A_179] {strides = array<i32>} : memref<640xf32, #tpu.memory_space<vmem>>, vector<16xf32>,
      %add3A = arith.addf %get3A_178, %get3A_180 : vector<16xf32>
      %swap3A = arith.index_cast %mul3A_177 : i32 to index
      %swap3A_181 = tpu.vector_load %arg6[%swap3A] {strides = array<i32>} : memref<640xf32, #tpu.memory_space<vmem>>, vector<16xf32>,
      tpu.vector_store %arg6[%swap3A], %add3A {strides = array<i32>} : memref<640xf32, #tpu.memory_space<vmem>>, vector<16xf32>,
    }
    %scan3A_97 = arith.constant 40 : i32
    %mul3A_98 = arith.constant 640 : i32
    %mul3A_99 = arith.muli %arg1, %mul3A_98 : i32
    %run_scoped3A_100 = arith.constant 10 : i32
    "tpu.region"() ({
      %run_scoped3A_175 = tpu.sem_alloc : memref<!tpu.dma_semaphore, #tpu.memory_space<semaphore_mem>>
      %dma_start3A = tpu.memref_slice %arg8[%run_scoped3A_100, %mul3A_99] : memref<16x10256xf32, #tpu.memory_space<vmem_shared>> -> memref<1x640xf32, #tpu.memory_space<vmem_shared>>
      %dma_start3A_176 = tpu.memref_squeeze %dma_start3A : memref<1x640xf32, #tpu.memory_space<vmem_shared>> -> memref<640xf32, #tpu.memory_space<vmem_shared>>
      %dma_start3A_177 = tpu.memref_slice %arg8[%run_scoped3A_100, %mul3A_99] : memref<16x10256xf32, #tpu.memory_space<vmem_shared>> -> memref<1x640xf32, #tpu.memory_space<vmem_shared>>
      %dma_start3A_178 = tpu.memref_squeeze %dma_start3A_177 : memref<1x640xf32, #tpu.memory_space<vmem_shared>> -> memref<640xf32, #tpu.memory_space<vmem_shared>>
      tpu.enqueue_dma source(%dma_start3A_178 : memref<640xf32, #tpu.memory_space<vmem_shared>>) target(%arg7 : memref<640xf32, #tpu.memory_space<vmem>>) target_semaphore(%run_scoped3A_175 : memref<!tpu.dma_semaphore, #tpu.memory_space<semaphore_mem>>)
      %dma_wait3A = tpu.memref_slice %arg8[%run_scoped3A_100, %mul3A_99] : memref<16x10256xf32, #tpu.memory_space<vmem_shared>> -> memref<1x640xf32, #tpu.memory_space<vmem_shared>>
      %dma_wait3A_179 = tpu.memref_squeeze %dma_wait3A : memref<1x640xf32, #tpu.memory_space<vmem_shared>> -> memref<640xf32, #tpu.memory_space<vmem_shared>>
      %dma_wait3A_180 = tpu.memref_slice %arg8[%run_scoped3A_100, %mul3A_99] : memref<16x10256xf32, #tpu.memory_space<vmem_shared>> -> memref<1x640xf32, #tpu.memory_space<vmem_shared>>
      %dma_wait3A_181 = tpu.memref_squeeze %dma_wait3A_180 : memref<1x640xf32, #tpu.memory_space<vmem_shared>> -> memref<640xf32, #tpu.memory_space<vmem_shared>>
      tpu.wait_dma2 semaphore(%run_scoped3A_175 : memref<!tpu.dma_semaphore, #tpu.memory_space<semaphore_mem>>) src(%dma_wait3A_181 : memref<640xf32, #tpu.memory_space<vmem_shared>>) dst(%arg7 : memref<640xf32, #tpu.memory_space<vmem>>)
      tpu.yield
    }) : () -> ()
    %scan3A_101 = arith.constant 0 : i32
    %scan3A_102 = arith.constant 0 : i32
    %scan3A_103 = arith.constant 40 : i32
    %scan3A_104 = arith.addi %scan3A_102, %scan3A_103 : i32
    %scan3A_105 = arith.constant 1 : i32
    scf.for %scan3A_175 = %scan3A_102 to %scan3A_104 step %scan3A_105  : i32 {
      %mul3A_176 = arith.constant 16 : i32
      %mul3A_177 = arith.muli %scan3A_175, %mul3A_176 : i32
      %get3A = arith.index_cast %mul3A_177 : i32 to index
      %get3A_178 = tpu.vector_load %arg6[%get3A] {strides = array<i32>} : memref<640xf32, #tpu.memory_space<vmem>>, vector<16xf32>,
      %get3A_179 = arith.index_cast %mul3A_177 : i32 to index
      %get3A_180 = tpu.vector_load %arg7[%get3A_179] {strides = array<i32>} : memref<640xf32, #tpu.memory_space<vmem>>, vector<16xf32>,
      %add3A = arith.addf %get3A_178, %get3A_180 : vector<16xf32>
      %swap3A = arith.index_cast %mul3A_177 : i32 to index
      %swap3A_181 = tpu.vector_load %arg6[%swap3A] {strides = array<i32>} : memref<640xf32, #tpu.memory_space<vmem>>, vector<16xf32>,
      tpu.vector_store %arg6[%swap3A], %add3A {strides = array<i32>} : memref<640xf32, #tpu.memory_space<vmem>>, vector<16xf32>,
    }
    %scan3A_106 = arith.constant 40 : i32
    %mul3A_107 = arith.constant 640 : i32
    %mul3A_108 = arith.muli %arg1, %mul3A_107 : i32
    %run_scoped3A_109 = arith.constant 11 : i32
    "tpu.region"() ({
      %run_scoped3A_175 = tpu.sem_alloc : memref<!tpu.dma_semaphore, #tpu.memory_space<semaphore_mem>>
      %dma_start3A = tpu.memref_slice %arg8[%run_scoped3A_109, %mul3A_108] : memref<16x10256xf32, #tpu.memory_space<vmem_shared>> -> memref<1x640xf32, #tpu.memory_space<vmem_shared>>
      %dma_start3A_176 = tpu.memref_squeeze %dma_start3A : memref<1x640xf32, #tpu.memory_space<vmem_shared>> -> memref<640xf32, #tpu.memory_space<vmem_shared>>
      %dma_start3A_177 = tpu.memref_slice %arg8[%run_scoped3A_109, %mul3A_108] : memref<16x10256xf32, #tpu.memory_space<vmem_shared>> -> memref<1x640xf32, #tpu.memory_space<vmem_shared>>
      %dma_start3A_178 = tpu.memref_squeeze %dma_start3A_177 : memref<1x640xf32, #tpu.memory_space<vmem_shared>> -> memref<640xf32, #tpu.memory_space<vmem_shared>>
      tpu.enqueue_dma source(%dma_start3A_178 : memref<640xf32, #tpu.memory_space<vmem_shared>>) target(%arg7 : memref<640xf32, #tpu.memory_space<vmem>>) target_semaphore(%run_scoped3A_175 : memref<!tpu.dma_semaphore, #tpu.memory_space<semaphore_mem>>)
      %dma_wait3A = tpu.memref_slice %arg8[%run_scoped3A_109, %mul3A_108] : memref<16x10256xf32, #tpu.memory_space<vmem_shared>> -> memref<1x640xf32, #tpu.memory_space<vmem_shared>>
      %dma_wait3A_179 = tpu.memref_squeeze %dma_wait3A : memref<1x640xf32, #tpu.memory_space<vmem_shared>> -> memref<640xf32, #tpu.memory_space<vmem_shared>>
      %dma_wait3A_180 = tpu.memref_slice %arg8[%run_scoped3A_109, %mul3A_108] : memref<16x10256xf32, #tpu.memory_space<vmem_shared>> -> memref<1x640xf32, #tpu.memory_space<vmem_shared>>
      %dma_wait3A_181 = tpu.memref_squeeze %dma_wait3A_180 : memref<1x640xf32, #tpu.memory_space<vmem_shared>> -> memref<640xf32, #tpu.memory_space<vmem_shared>>
      tpu.wait_dma2 semaphore(%run_scoped3A_175 : memref<!tpu.dma_semaphore, #tpu.memory_space<semaphore_mem>>) src(%dma_wait3A_181 : memref<640xf32, #tpu.memory_space<vmem_shared>>) dst(%arg7 : memref<640xf32, #tpu.memory_space<vmem>>)
      tpu.yield
    }) : () -> ()
    %scan3A_110 = arith.constant 0 : i32
    %scan3A_111 = arith.constant 0 : i32
    %scan3A_112 = arith.constant 40 : i32
    %scan3A_113 = arith.addi %scan3A_111, %scan3A_112 : i32
    %scan3A_114 = arith.constant 1 : i32
    scf.for %scan3A_175 = %scan3A_111 to %scan3A_113 step %scan3A_114  : i32 {
      %mul3A_176 = arith.constant 16 : i32
      %mul3A_177 = arith.muli %scan3A_175, %mul3A_176 : i32
      %get3A = arith.index_cast %mul3A_177 : i32 to index
      %get3A_178 = tpu.vector_load %arg6[%get3A] {strides = array<i32>} : memref<640xf32, #tpu.memory_space<vmem>>, vector<16xf32>,
      %get3A_179 = arith.index_cast %mul3A_177 : i32 to index
      %get3A_180 = tpu.vector_load %arg7[%get3A_179] {strides = array<i32>} : memref<640xf32, #tpu.memory_space<vmem>>, vector<16xf32>,
      %add3A = arith.addf %get3A_178, %get3A_180 : vector<16xf32>
      %swap3A = arith.index_cast %mul3A_177 : i32 to index
      %swap3A_181 = tpu.vector_load %arg6[%swap3A] {strides = array<i32>} : memref<640xf32, #tpu.memory_space<vmem>>, vector<16xf32>,
      tpu.vector_store %arg6[%swap3A], %add3A {strides = array<i32>} : memref<640xf32, #tpu.memory_space<vmem>>, vector<16xf32>,
    }
    %scan3A_115 = arith.constant 40 : i32
    %mul3A_116 = arith.constant 640 : i32
    %mul3A_117 = arith.muli %arg1, %mul3A_116 : i32
    %run_scoped3A_118 = arith.constant 12 : i32
    "tpu.region"() ({
      %run_scoped3A_175 = tpu.sem_alloc : memref<!tpu.dma_semaphore, #tpu.memory_space<semaphore_mem>>
      %dma_start3A = tpu.memref_slice %arg8[%run_scoped3A_118, %mul3A_117] : memref<16x10256xf32, #tpu.memory_space<vmem_shared>> -> memref<1x640xf32, #tpu.memory_space<vmem_shared>>
      %dma_start3A_176 = tpu.memref_squeeze %dma_start3A : memref<1x640xf32, #tpu.memory_space<vmem_shared>> -> memref<640xf32, #tpu.memory_space<vmem_shared>>
      %dma_start3A_177 = tpu.memref_slice %arg8[%run_scoped3A_118, %mul3A_117] : memref<16x10256xf32, #tpu.memory_space<vmem_shared>> -> memref<1x640xf32, #tpu.memory_space<vmem_shared>>
      %dma_start3A_178 = tpu.memref_squeeze %dma_start3A_177 : memref<1x640xf32, #tpu.memory_space<vmem_shared>> -> memref<640xf32, #tpu.memory_space<vmem_shared>>
      tpu.enqueue_dma source(%dma_start3A_178 : memref<640xf32, #tpu.memory_space<vmem_shared>>) target(%arg7 : memref<640xf32, #tpu.memory_space<vmem>>) target_semaphore(%run_scoped3A_175 : memref<!tpu.dma_semaphore, #tpu.memory_space<semaphore_mem>>)
      %dma_wait3A = tpu.memref_slice %arg8[%run_scoped3A_118, %mul3A_117] : memref<16x10256xf32, #tpu.memory_space<vmem_shared>> -> memref<1x640xf32, #tpu.memory_space<vmem_shared>>
      %dma_wait3A_179 = tpu.memref_squeeze %dma_wait3A : memref<1x640xf32, #tpu.memory_space<vmem_shared>> -> memref<640xf32, #tpu.memory_space<vmem_shared>>
      %dma_wait3A_180 = tpu.memref_slice %arg8[%run_scoped3A_118, %mul3A_117] : memref<16x10256xf32, #tpu.memory_space<vmem_shared>> -> memref<1x640xf32, #tpu.memory_space<vmem_shared>>
      %dma_wait3A_181 = tpu.memref_squeeze %dma_wait3A_180 : memref<1x640xf32, #tpu.memory_space<vmem_shared>> -> memref<640xf32, #tpu.memory_space<vmem_shared>>
      tpu.wait_dma2 semaphore(%run_scoped3A_175 : memref<!tpu.dma_semaphore, #tpu.memory_space<semaphore_mem>>) src(%dma_wait3A_181 : memref<640xf32, #tpu.memory_space<vmem_shared>>) dst(%arg7 : memref<640xf32, #tpu.memory_space<vmem>>)
      tpu.yield
    }) : () -> ()
    %scan3A_119 = arith.constant 0 : i32
    %scan3A_120 = arith.constant 0 : i32
    %scan3A_121 = arith.constant 40 : i32
    %scan3A_122 = arith.addi %scan3A_120, %scan3A_121 : i32
    %scan3A_123 = arith.constant 1 : i32
    scf.for %scan3A_175 = %scan3A_120 to %scan3A_122 step %scan3A_123  : i32 {
      %mul3A_176 = arith.constant 16 : i32
      %mul3A_177 = arith.muli %scan3A_175, %mul3A_176 : i32
      %get3A = arith.index_cast %mul3A_177 : i32 to index
      %get3A_178 = tpu.vector_load %arg6[%get3A] {strides = array<i32>} : memref<640xf32, #tpu.memory_space<vmem>>, vector<16xf32>,
      %get3A_179 = arith.index_cast %mul3A_177 : i32 to index
      %get3A_180 = tpu.vector_load %arg7[%get3A_179] {strides = array<i32>} : memref<640xf32, #tpu.memory_space<vmem>>, vector<16xf32>,
      %add3A = arith.addf %get3A_178, %get3A_180 : vector<16xf32>
      %swap3A = arith.index_cast %mul3A_177 : i32 to index
      %swap3A_181 = tpu.vector_load %arg6[%swap3A] {strides = array<i32>} : memref<640xf32, #tpu.memory_space<vmem>>, vector<16xf32>,
      tpu.vector_store %arg6[%swap3A], %add3A {strides = array<i32>} : memref<640xf32, #tpu.memory_space<vmem>>, vector<16xf32>,
    }
    %scan3A_124 = arith.constant 40 : i32
    %mul3A_125 = arith.constant 640 : i32
    %mul3A_126 = arith.muli %arg1, %mul3A_125 : i32
    %run_scoped3A_127 = arith.constant 13 : i32
    "tpu.region"() ({
      %run_scoped3A_175 = tpu.sem_alloc : memref<!tpu.dma_semaphore, #tpu.memory_space<semaphore_mem>>
      %dma_start3A = tpu.memref_slice %arg8[%run_scoped3A_127, %mul3A_126] : memref<16x10256xf32, #tpu.memory_space<vmem_shared>> -> memref<1x640xf32, #tpu.memory_space<vmem_shared>>
      %dma_start3A_176 = tpu.memref_squeeze %dma_start3A : memref<1x640xf32, #tpu.memory_space<vmem_shared>> -> memref<640xf32, #tpu.memory_space<vmem_shared>>
      %dma_start3A_177 = tpu.memref_slice %arg8[%run_scoped3A_127, %mul3A_126] : memref<16x10256xf32, #tpu.memory_space<vmem_shared>> -> memref<1x640xf32, #tpu.memory_space<vmem_shared>>
      %dma_start3A_178 = tpu.memref_squeeze %dma_start3A_177 : memref<1x640xf32, #tpu.memory_space<vmem_shared>> -> memref<640xf32, #tpu.memory_space<vmem_shared>>
      tpu.enqueue_dma source(%dma_start3A_178 : memref<640xf32, #tpu.memory_space<vmem_shared>>) target(%arg7 : memref<640xf32, #tpu.memory_space<vmem>>) target_semaphore(%run_scoped3A_175 : memref<!tpu.dma_semaphore, #tpu.memory_space<semaphore_mem>>)
      %dma_wait3A = tpu.memref_slice %arg8[%run_scoped3A_127, %mul3A_126] : memref<16x10256xf32, #tpu.memory_space<vmem_shared>> -> memref<1x640xf32, #tpu.memory_space<vmem_shared>>
      %dma_wait3A_179 = tpu.memref_squeeze %dma_wait3A : memref<1x640xf32, #tpu.memory_space<vmem_shared>> -> memref<640xf32, #tpu.memory_space<vmem_shared>>
      %dma_wait3A_180 = tpu.memref_slice %arg8[%run_scoped3A_127, %mul3A_126] : memref<16x10256xf32, #tpu.memory_space<vmem_shared>> -> memref<1x640xf32, #tpu.memory_space<vmem_shared>>
      %dma_wait3A_181 = tpu.memref_squeeze %dma_wait3A_180 : memref<1x640xf32, #tpu.memory_space<vmem_shared>> -> memref<640xf32, #tpu.memory_space<vmem_shared>>
      tpu.wait_dma2 semaphore(%run_scoped3A_175 : memref<!tpu.dma_semaphore, #tpu.memory_space<semaphore_mem>>) src(%dma_wait3A_181 : memref<640xf32, #tpu.memory_space<vmem_shared>>) dst(%arg7 : memref<640xf32, #tpu.memory_space<vmem>>)
      tpu.yield
    }) : () -> ()
    %scan3A_128 = arith.constant 0 : i32
    %scan3A_129 = arith.constant 0 : i32
    %scan3A_130 = arith.constant 40 : i32
    %scan3A_131 = arith.addi %scan3A_129, %scan3A_130 : i32
    %scan3A_132 = arith.constant 1 : i32
    scf.for %scan3A_175 = %scan3A_129 to %scan3A_131 step %scan3A_132  : i32 {
      %mul3A_176 = arith.constant 16 : i32
      %mul3A_177 = arith.muli %scan3A_175, %mul3A_176 : i32
      %get3A = arith.index_cast %mul3A_177 : i32 to index
      %get3A_178 = tpu.vector_load %arg6[%get3A] {strides = array<i32>} : memref<640xf32, #tpu.memory_space<vmem>>, vector<16xf32>,
      %get3A_179 = arith.index_cast %mul3A_177 : i32 to index
      %get3A_180 = tpu.vector_load %arg7[%get3A_179] {strides = array<i32>} : memref<640xf32, #tpu.memory_space<vmem>>, vector<16xf32>,
      %add3A = arith.addf %get3A_178, %get3A_180 : vector<16xf32>
      %swap3A = arith.index_cast %mul3A_177 : i32 to index
      %swap3A_181 = tpu.vector_load %arg6[%swap3A] {strides = array<i32>} : memref<640xf32, #tpu.memory_space<vmem>>, vector<16xf32>,
      tpu.vector_store %arg6[%swap3A], %add3A {strides = array<i32>} : memref<640xf32, #tpu.memory_space<vmem>>, vector<16xf32>,
    }
    %scan3A_133 = arith.constant 40 : i32
    %mul3A_134 = arith.constant 640 : i32
    %mul3A_135 = arith.muli %arg1, %mul3A_134 : i32
    %run_scoped3A_136 = arith.constant 14 : i32
    "tpu.region"() ({
      %run_scoped3A_175 = tpu.sem_alloc : memref<!tpu.dma_semaphore, #tpu.memory_space<semaphore_mem>>
      %dma_start3A = tpu.memref_slice %arg8[%run_scoped3A_136, %mul3A_135] : memref<16x10256xf32, #tpu.memory_space<vmem_shared>> -> memref<1x640xf32, #tpu.memory_space<vmem_shared>>
      %dma_start3A_176 = tpu.memref_squeeze %dma_start3A : memref<1x640xf32, #tpu.memory_space<vmem_shared>> -> memref<640xf32, #tpu.memory_space<vmem_shared>>
      %dma_start3A_177 = tpu.memref_slice %arg8[%run_scoped3A_136, %mul3A_135] : memref<16x10256xf32, #tpu.memory_space<vmem_shared>> -> memref<1x640xf32, #tpu.memory_space<vmem_shared>>
      %dma_start3A_178 = tpu.memref_squeeze %dma_start3A_177 : memref<1x640xf32, #tpu.memory_space<vmem_shared>> -> memref<640xf32, #tpu.memory_space<vmem_shared>>
      tpu.enqueue_dma source(%dma_start3A_178 : memref<640xf32, #tpu.memory_space<vmem_shared>>) target(%arg7 : memref<640xf32, #tpu.memory_space<vmem>>) target_semaphore(%run_scoped3A_175 : memref<!tpu.dma_semaphore, #tpu.memory_space<semaphore_mem>>)
      %dma_wait3A = tpu.memref_slice %arg8[%run_scoped3A_136, %mul3A_135] : memref<16x10256xf32, #tpu.memory_space<vmem_shared>> -> memref<1x640xf32, #tpu.memory_space<vmem_shared>>
      %dma_wait3A_179 = tpu.memref_squeeze %dma_wait3A : memref<1x640xf32, #tpu.memory_space<vmem_shared>> -> memref<640xf32, #tpu.memory_space<vmem_shared>>
      %dma_wait3A_180 = tpu.memref_slice %arg8[%run_scoped3A_136, %mul3A_135] : memref<16x10256xf32, #tpu.memory_space<vmem_shared>> -> memref<1x640xf32, #tpu.memory_space<vmem_shared>>
      %dma_wait3A_181 = tpu.memref_squeeze %dma_wait3A_180 : memref<1x640xf32, #tpu.memory_space<vmem_shared>> -> memref<640xf32, #tpu.memory_space<vmem_shared>>
      tpu.wait_dma2 semaphore(%run_scoped3A_175 : memref<!tpu.dma_semaphore, #tpu.memory_space<semaphore_mem>>) src(%dma_wait3A_181 : memref<640xf32, #tpu.memory_space<vmem_shared>>) dst(%arg7 : memref<640xf32, #tpu.memory_space<vmem>>)
      tpu.yield
    }) : () -> ()
    %scan3A_137 = arith.constant 0 : i32
    %scan3A_138 = arith.constant 0 : i32
    %scan3A_139 = arith.constant 40 : i32
    %scan3A_140 = arith.addi %scan3A_138, %scan3A_139 : i32
    %scan3A_141 = arith.constant 1 : i32
    scf.for %scan3A_175 = %scan3A_138 to %scan3A_140 step %scan3A_141  : i32 {
      %mul3A_176 = arith.constant 16 : i32
      %mul3A_177 = arith.muli %scan3A_175, %mul3A_176 : i32
      %get3A = arith.index_cast %mul3A_177 : i32 to index
      %get3A_178 = tpu.vector_load %arg6[%get3A] {strides = array<i32>} : memref<640xf32, #tpu.memory_space<vmem>>, vector<16xf32>,
      %get3A_179 = arith.index_cast %mul3A_177 : i32 to index
      %get3A_180 = tpu.vector_load %arg7[%get3A_179] {strides = array<i32>} : memref<640xf32, #tpu.memory_space<vmem>>, vector<16xf32>,
      %add3A = arith.addf %get3A_178, %get3A_180 : vector<16xf32>
      %swap3A = arith.index_cast %mul3A_177 : i32 to index
      %swap3A_181 = tpu.vector_load %arg6[%swap3A] {strides = array<i32>} : memref<640xf32, #tpu.memory_space<vmem>>, vector<16xf32>,
      tpu.vector_store %arg6[%swap3A], %add3A {strides = array<i32>} : memref<640xf32, #tpu.memory_space<vmem>>, vector<16xf32>,
    }
    %scan3A_142 = arith.constant 40 : i32
    %mul3A_143 = arith.constant 640 : i32
    %mul3A_144 = arith.muli %arg1, %mul3A_143 : i32
    %run_scoped3A_145 = arith.constant 15 : i32
    "tpu.region"() ({
      %run_scoped3A_175 = tpu.sem_alloc : memref<!tpu.dma_semaphore, #tpu.memory_space<semaphore_mem>>
      %dma_start3A = tpu.memref_slice %arg8[%run_scoped3A_145, %mul3A_144] : memref<16x10256xf32, #tpu.memory_space<vmem_shared>> -> memref<1x640xf32, #tpu.memory_space<vmem_shared>>
      %dma_start3A_176 = tpu.memref_squeeze %dma_start3A : memref<1x640xf32, #tpu.memory_space<vmem_shared>> -> memref<640xf32, #tpu.memory_space<vmem_shared>>
      %dma_start3A_177 = tpu.memref_slice %arg8[%run_scoped3A_145, %mul3A_144] : memref<16x10256xf32, #tpu.memory_space<vmem_shared>> -> memref<1x640xf32, #tpu.memory_space<vmem_shared>>
      %dma_start3A_178 = tpu.memref_squeeze %dma_start3A_177 : memref<1x640xf32, #tpu.memory_space<vmem_shared>> -> memref<640xf32, #tpu.memory_space<vmem_shared>>
      tpu.enqueue_dma source(%dma_start3A_178 : memref<640xf32, #tpu.memory_space<vmem_shared>>) target(%arg7 : memref<640xf32, #tpu.memory_space<vmem>>) target_semaphore(%run_scoped3A_175 : memref<!tpu.dma_semaphore, #tpu.memory_space<semaphore_mem>>)
      %dma_wait3A = tpu.memref_slice %arg8[%run_scoped3A_145, %mul3A_144] : memref<16x10256xf32, #tpu.memory_space<vmem_shared>> -> memref<1x640xf32, #tpu.memory_space<vmem_shared>>
      %dma_wait3A_179 = tpu.memref_squeeze %dma_wait3A : memref<1x640xf32, #tpu.memory_space<vmem_shared>> -> memref<640xf32, #tpu.memory_space<vmem_shared>>
      %dma_wait3A_180 = tpu.memref_slice %arg8[%run_scoped3A_145, %mul3A_144] : memref<16x10256xf32, #tpu.memory_space<vmem_shared>> -> memref<1x640xf32, #tpu.memory_space<vmem_shared>>
      %dma_wait3A_181 = tpu.memref_squeeze %dma_wait3A_180 : memref<1x640xf32, #tpu.memory_space<vmem_shared>> -> memref<640xf32, #tpu.memory_space<vmem_shared>>
      tpu.wait_dma2 semaphore(%run_scoped3A_175 : memref<!tpu.dma_semaphore, #tpu.memory_space<semaphore_mem>>) src(%dma_wait3A_181 : memref<640xf32, #tpu.memory_space<vmem_shared>>) dst(%arg7 : memref<640xf32, #tpu.memory_space<vmem>>)
      tpu.yield
    }) : () -> ()
    %scan3A_146 = arith.constant 0 : i32
    %scan3A_147 = arith.constant 0 : i32
    %scan3A_148 = arith.constant 40 : i32
    %scan3A_149 = arith.addi %scan3A_147, %scan3A_148 : i32
    %scan3A_150 = arith.constant 1 : i32
    scf.for %scan3A_175 = %scan3A_147 to %scan3A_149 step %scan3A_150  : i32 {
      %mul3A_176 = arith.constant 16 : i32
      %mul3A_177 = arith.muli %scan3A_175, %mul3A_176 : i32
      %get3A = arith.index_cast %mul3A_177 : i32 to index
      %get3A_178 = tpu.vector_load %arg6[%get3A] {strides = array<i32>} : memref<640xf32, #tpu.memory_space<vmem>>, vector<16xf32>,
      %get3A_179 = arith.index_cast %mul3A_177 : i32 to index
      %get3A_180 = tpu.vector_load %arg7[%get3A_179] {strides = array<i32>} : memref<640xf32, #tpu.memory_space<vmem>>, vector<16xf32>,
      %add3A = arith.addf %get3A_178, %get3A_180 : vector<16xf32>
      %swap3A = arith.index_cast %mul3A_177 : i32 to index
      %swap3A_181 = tpu.vector_load %arg6[%swap3A] {strides = array<i32>} : memref<640xf32, #tpu.memory_space<vmem>>, vector<16xf32>,
      tpu.vector_store %arg6[%swap3A], %add3A {strides = array<i32>} : memref<640xf32, #tpu.memory_space<vmem>>, vector<16xf32>,
    }
    %scan3A_151 = arith.constant 40 : i32
    %scan3A_152 = arith.constant 0 : i32
    %scan3A_153 = arith.constant 0 : i32
    %scan3A_154 = arith.constant 40 : i32
    %scan3A_155 = arith.addi %scan3A_153, %scan3A_154 : i32
    %scan3A_156 = arith.constant 1 : i32
    scf.for %scan3A_175 = %scan3A_153 to %scan3A_155 step %scan3A_156  : i32 {
      %mul3A_176 = arith.constant 16 : i32
      %mul3A_177 = arith.muli %scan3A_175, %mul3A_176 : i32
      %get3A = arith.index_cast %mul3A_177 : i32 to index
      %get3A_178 = tpu.vector_load %arg6[%get3A] {strides = array<i32>} : memref<640xf32, #tpu.memory_space<vmem>>, vector<16xf32>,
      %bitcast_convert_type3A = tpu.bitcast %get3A_178 : vector<16xf32> -> vector<16xi32>
      %shift_right_arithmetic3A = arith.constant 1 : i32
      %shift_right_arithmetic3A_179 = vector.broadcast %shift_right_arithmetic3A : i32 to vector<16xi32>
      %shift_right_arithmetic3A_180 = arith.shrsi %bitcast_convert_type3A, %shift_right_arithmetic3A_179 : vector<16xi32>
      %sub3A_181 = arith.constant 1597463007 : i32
      %sub3A_182 = vector.broadcast %sub3A_181 : i32 to vector<16xi32>
      %sub3A_183 = arith.subi %sub3A_182, %shift_right_arithmetic3A_180 : vector<16xi32>
      %bitcast_convert_type3A_184 = tpu.bitcast %sub3A_183 : vector<16xi32> -> vector<16xf32>
      %mul3A_185 = arith.constant 5.000000e-01 : f32
      %mul3A_186 = vector.broadcast %mul3A_185 : f32 to vector<16xf32>
      %mul3A_187 = arith.mulf %mul3A_186, %get3A_178 : vector<16xf32>
      %mul3A_188 = arith.mulf %mul3A_187, %bitcast_convert_type3A_184 : vector<16xf32>
      %mul3A_189 = arith.mulf %mul3A_188, %bitcast_convert_type3A_184 : vector<16xf32>
      %sub3A_190 = arith.constant 1.500000e+00 : f32
      %sub3A_191 = vector.broadcast %sub3A_190 : f32 to vector<16xf32>
      %sub3A_192 = arith.subf %sub3A_191, %mul3A_189 : vector<16xf32>
      %mul3A_193 = arith.mulf %bitcast_convert_type3A_184, %sub3A_192 : vector<16xf32>
      %mul3A_194 = arith.constant 5.000000e-01 : f32
      %mul3A_195 = vector.broadcast %mul3A_194 : f32 to vector<16xf32>
      %mul3A_196 = arith.mulf %mul3A_195, %get3A_178 : vector<16xf32>
      %mul3A_197 = arith.mulf %mul3A_196, %mul3A_193 : vector<16xf32>
      %mul3A_198 = arith.mulf %mul3A_197, %mul3A_193 : vector<16xf32>
      %sub3A_199 = arith.constant 1.500000e+00 : f32
      %sub3A_200 = vector.broadcast %sub3A_199 : f32 to vector<16xf32>
      %sub3A_201 = arith.subf %sub3A_200, %mul3A_198 : vector<16xf32>
      %mul3A_202 = arith.mulf %mul3A_193, %sub3A_201 : vector<16xf32>
      %mul3A_203 = arith.constant 5.000000e-01 : f32
      %mul3A_204 = vector.broadcast %mul3A_203 : f32 to vector<16xf32>
      %mul3A_205 = arith.mulf %mul3A_204, %get3A_178 : vector<16xf32>
      %mul3A_206 = arith.mulf %mul3A_205, %mul3A_202 : vector<16xf32>
      %mul3A_207 = arith.mulf %mul3A_206, %mul3A_202 : vector<16xf32>
      %sub3A_208 = arith.constant 1.500000e+00 : f32
      %sub3A_209 = vector.broadcast %sub3A_208 : f32 to vector<16xf32>
      %sub3A_210 = arith.subf %sub3A_209, %mul3A_207 : vector<16xf32>
      %mul3A_211 = arith.mulf %mul3A_202, %sub3A_210 : vector<16xf32>
      %gt3A = arith.constant 5.000000e-01 : f32
      %gt3A_212 = vector.broadcast %gt3A : f32 to vector<16xf32>
      %gt3A_213 = arith.cmpf ogt, %get3A_178, %gt3A_212 : vector<16xf32>
      %jit3A_214 = arith.constant 0.000000e+00 : f32
      %broadcast_in_dim3A_215 = vector.broadcast %jit3A_214 : f32 to vector<16xf32>
      %select_n3A_216 = arith.select %gt3A_213, %mul3A_211, %broadcast_in_dim3A_215 : vector<16xi1>, vector<16xf32>
      %swap3A = arith.index_cast %mul3A_177 : i32 to index
      %swap3A_217 = tpu.vector_load %arg6[%swap3A] {strides = array<i32>} : memref<640xf32, #tpu.memory_space<vmem>>, vector<16xf32>,
      tpu.vector_store %arg6[%swap3A], %select_n3A_216 {strides = array<i32>} : memref<640xf32, #tpu.memory_space<vmem>>, vector<16xf32>,
    }
    %scan3A_157 = arith.constant 40 : i32
    %jit3A = arith.constant 8 : i32
    %div3A = arith.divsi %arg1, %jit3A : i32
    %sign3A = arith.constant 0 : i32
    %sign3A_158 = arith.cmpi sgt, %arg1, %sign3A : i32
    %sign3A_159 = arith.extui %sign3A_158 : i1 to i32
    %sign3A_160 = arith.constant 0 : i32
    %sign3A_161 = arith.cmpi slt, %arg1, %sign3A_160 : i32
    %sign3A_162 = arith.extui %sign3A_161 : i1 to i32
    %sign3A_163 = arith.subi %sign3A_159, %sign3A_162 : i32
    %sign3A_164 = arith.constant 0 : i32
    %sign3A_165 = arith.cmpi sgt, %jit3A, %sign3A_164 : i32
    %sign3A_166 = arith.extui %sign3A_165 : i1 to i32
    %sign3A_167 = arith.constant 0 : i32
    %sign3A_168 = arith.cmpi slt, %jit3A, %sign3A_167 : i32
    %sign3A_169 = arith.extui %sign3A_168 : i1 to i32
    %sign3A_170 = arith.subi %sign3A_166, %sign3A_169 : i32
    %ne3A = arith.cmpi ne, %sign3A_163, %sign3A_170 : i32
    %rem3A = arith.remsi %arg1, %jit3A : i32
    %ne3A_171 = arith.constant 0 : i32
    %ne3A_172 = arith.cmpi ne, %rem3A, %ne3A_171 : i32
    %and3A = arith.andi %ne3A, %ne3A_172 : i1
    %sub3A = arith.constant 1 : i32
    %sub3A_173 = arith.subi %div3A, %sub3A : i32
    %select_n3A = arith.select %and3A, %sub3A_173, %div3A : i32
    %eq3A = arith.cmpi eq, %select_n3A, %arg0 : i32
    %convert_element_type3A = arith.extui %eq3A : i1 to i32
    %cond3A = arith.constant 0 : i32
    %cond3A_174 = arith.cmpi ne, %convert_element_type3A, %cond3A : i32
    scf.if %cond3A_174 {
      %mul3A_175 = arith.constant 640 : i32
      %mul3A_176 = arith.muli %arg1, %mul3A_175 : i32
      "tpu.region"() ({
        %run_scoped3A_177 = tpu.sem_alloc : memref<!tpu.dma_semaphore, #tpu.memory_space<semaphore_mem>>
        %dma_start3A = tpu.memref_slice %arg3[%mul3A_176] : memref<10240xf32, #tpu.memory_space<hbm>> -> memref<640xf32, #tpu.memory_space<hbm>>
        %dma_start3A_178 = tpu.memref_slice %arg3[%mul3A_176] : memref<10240xf32, #tpu.memory_space<hbm>> -> memref<640xf32, #tpu.memory_space<hbm>>
        tpu.enqueue_dma source(%arg6 : memref<640xf32, #tpu.memory_space<vmem>>) target(%dma_start3A_178 : memref<640xf32, #tpu.memory_space<hbm>>) target_semaphore(%run_scoped3A_177 : memref<!tpu.dma_semaphore, #tpu.memory_space<semaphore_mem>>)
        %dma_wait3A = tpu.memref_slice %arg3[%mul3A_176] : memref<10240xf32, #tpu.memory_space<hbm>> -> memref<640xf32, #tpu.memory_space<hbm>>
        %dma_wait3A_179 = tpu.memref_slice %arg3[%mul3A_176] : memref<10240xf32, #tpu.memory_space<hbm>> -> memref<640xf32, #tpu.memory_space<hbm>>
        tpu.wait_dma2 semaphore(%run_scoped3A_177 : memref<!tpu.dma_semaphore, #tpu.memory_space<semaphore_mem>>) src(%arg6 : memref<640xf32, #tpu.memory_space<vmem>>) dst(%dma_wait3A_179 : memref<640xf32, #tpu.memory_space<hbm>>)
        tpu.yield
      }) : () -> ()
    } else {
    }
    return
  }
}

#map = affine_map<(d0, d1) -> (0, 0)>
module attributes {stable_mosaic.version = 14 : i64} {
  func.func @_agg_kernel(%arg0: i32, %arg1: i32, %arg2: memref<10000x128xf32, #tpu.memory_space<hbm>>, %arg3: memref<10000x128xf32, #tpu.memory_space<hbm>>, %arg4: memref<1280x128xi32, #tpu.memory_space<hbm>>, %arg5: memref<1280x128xi32, #tpu.memory_space<hbm>>, %arg6: memref<10240x128xf32, #tpu.memory_space<hbm>>, %arg7: memref<10240x128xf32, #tpu.memory_space<hbm>>, %arg8: memref<40x128xi32, #tpu.memory_space<vmem>>, %arg9: memref<40x128xi32, #tpu.memory_space<vmem>>, %arg10: memref<128x128xf32, #tpu.memory_space<vmem>>, %arg11: memref<128x128xf32, #tpu.memory_space<vmem>>, %arg12: memref<10368x128xf32, #tpu.memory_space<vmem_shared>>, %arg13: memref<!tpu.dma_semaphore, #tpu.memory_space<semaphore_mem>>, %arg14: memref<!tpu.dma_semaphore, #tpu.memory_space<semaphore_mem>>) attributes {dimension_semantics = [#tpu.dimension_semantics<core_parallel>, #tpu.dimension_semantics<subcore_parallel>], iteration_bounds = array<i64: 2, 16>, scalar_prefetch = 0 : i64, scratch_operands = 7 : i64, tpu.core_type = #tpu.core_type<sc_vector_subcore>, window_params = [{transform_indices = #map}, {transform_indices = #map}, {transform_indices = #map}, {transform_indices = #map}, {transform_indices = #map}, {transform_indices = #map}]} {
    %broadcast_in_dim3A = arith.constant 0.000000e+00 : f32
    %broadcast_in_dim3A_0 = vector.broadcast %broadcast_in_dim3A : f32 to vector<16xf32>
    %scan3A = arith.constant 0 : i32
    %scan3A_1 = arith.constant 0 : i32
    %scan3A_2 = arith.constant 128 : i32
    %scan3A_3 = arith.addi %scan3A_1, %scan3A_2 : i32
    %scan3A_4 = arith.constant 1 : i32
    scf.for %scan3A_27 = %scan3A_1 to %scan3A_3 step %scan3A_4  : i32 {
      %swap3A = arith.index_cast %scan3A_27 : i32 to index
      %swap3A_28 = arith.constant 0 : index
      %swap3A_29 = tpu.vector_load %arg10[%swap3A, %swap3A_28] {strides = array<i32>} : memref<128x128xf32, #tpu.memory_space<vmem>>, vector<16xf32>,
      tpu.vector_store %arg10[%swap3A, %swap3A_28], %broadcast_in_dim3A_0 {strides = array<i32>} : memref<128x128xf32, #tpu.memory_space<vmem>>, vector<16xf32>,
      %swap3A_30 = arith.index_cast %scan3A_27 : i32 to index
      %swap3A_31 = arith.constant 16 : index
      %swap3A_32 = tpu.vector_load %arg10[%swap3A_30, %swap3A_31] {strides = array<i32>} : memref<128x128xf32, #tpu.memory_space<vmem>>, vector<16xf32>,
      tpu.vector_store %arg10[%swap3A_30, %swap3A_31], %broadcast_in_dim3A_0 {strides = array<i32>} : memref<128x128xf32, #tpu.memory_space<vmem>>, vector<16xf32>,
      %swap3A_33 = arith.index_cast %scan3A_27 : i32 to index
      %swap3A_34 = arith.constant 32 : index
      %swap3A_35 = tpu.vector_load %arg10[%swap3A_33, %swap3A_34] {strides = array<i32>} : memref<128x128xf32, #tpu.memory_space<vmem>>, vector<16xf32>,
      tpu.vector_store %arg10[%swap3A_33, %swap3A_34], %broadcast_in_dim3A_0 {strides = array<i32>} : memref<128x128xf32, #tpu.memory_space<vmem>>, vector<16xf32>,
      %swap3A_36 = arith.index_cast %scan3A_27 : i32 to index
      %swap3A_37 = arith.constant 48 : index
      %swap3A_38 = tpu.vector_load %arg10[%swap3A_36, %swap3A_37] {strides = array<i32>} : memref<128x128xf32, #tpu.memory_space<vmem>>, vector<16xf32>,
      tpu.vector_store %arg10[%swap3A_36, %swap3A_37], %broadcast_in_dim3A_0 {strides = array<i32>} : memref<128x128xf32, #tpu.memory_space<vmem>>, vector<16xf32>,
      %swap3A_39 = arith.index_cast %scan3A_27 : i32 to index
      %swap3A_40 = arith.constant 64 : index
      %swap3A_41 = tpu.vector_load %arg10[%swap3A_39, %swap3A_40] {strides = array<i32>} : memref<128x128xf32, #tpu.memory_space<vmem>>, vector<16xf32>,
      tpu.vector_store %arg10[%swap3A_39, %swap3A_40], %broadcast_in_dim3A_0 {strides = array<i32>} : memref<128x128xf32, #tpu.memory_space<vmem>>, vector<16xf32>,
      %swap3A_42 = arith.index_cast %scan3A_27 : i32 to index
      %swap3A_43 = arith.constant 80 : index
      %swap3A_44 = tpu.vector_load %arg10[%swap3A_42, %swap3A_43] {strides = array<i32>} : memref<128x128xf32, #tpu.memory_space<vmem>>, vector<16xf32>,
      tpu.vector_store %arg10[%swap3A_42, %swap3A_43], %broadcast_in_dim3A_0 {strides = array<i32>} : memref<128x128xf32, #tpu.memory_space<vmem>>, vector<16xf32>,
      %swap3A_45 = arith.index_cast %scan3A_27 : i32 to index
      %swap3A_46 = arith.constant 96 : index
      %swap3A_47 = tpu.vector_load %arg10[%swap3A_45, %swap3A_46] {strides = array<i32>} : memref<128x128xf32, #tpu.memory_space<vmem>>, vector<16xf32>,
      tpu.vector_store %arg10[%swap3A_45, %swap3A_46], %broadcast_in_dim3A_0 {strides = array<i32>} : memref<128x128xf32, #tpu.memory_space<vmem>>, vector<16xf32>,
      %swap3A_48 = arith.index_cast %scan3A_27 : i32 to index
      %swap3A_49 = arith.constant 112 : index
      %swap3A_50 = tpu.vector_load %arg10[%swap3A_48, %swap3A_49] {strides = array<i32>} : memref<128x128xf32, #tpu.memory_space<vmem>>, vector<16xf32>,
      tpu.vector_store %arg10[%swap3A_48, %swap3A_49], %broadcast_in_dim3A_0 {strides = array<i32>} : memref<128x128xf32, #tpu.memory_space<vmem>>, vector<16xf32>,
    }
    %scan3A_5 = arith.constant 128 : i32
    %scan3A_6 = arith.constant 0 : i32
    %scan3A_7 = arith.constant 0 : i32
    %scan3A_8 = arith.constant 6 : i32
    %scan3A_9 = arith.addi %scan3A_7, %scan3A_8 : i32
    %scan3A_10 = arith.constant 1 : i32
    scf.for %scan3A_27 = %scan3A_7 to %scan3A_9 step %scan3A_10  : i32 {
      %mul3A_28 = arith.constant 16 : i32
      %mul3A_29 = arith.muli %scan3A_27, %mul3A_28 : i32
      %add3A = arith.addi %arg1, %mul3A_29 : i32
      %lt3A = arith.constant 81 : i32
      %lt3A_30 = arith.cmpi slt, %add3A, %lt3A : i32
      %convert_element_type3A_31 = arith.extui %lt3A_30 : i1 to i32
      %cond3A_32 = arith.constant 0 : i32
      %cond3A_33 = arith.cmpi ne, %convert_element_type3A_31, %cond3A_32 : i32
      scf.if %cond3A_33 {
        %mul3A_34 = arith.constant 128 : i32
        %mul3A_35 = arith.muli %add3A, %mul3A_34 : i32
        "tpu.region"() ({
          %run_scoped3A = tpu.sem_alloc : memref<!tpu.dma_semaphore, #tpu.memory_space<semaphore_mem>>
          %dma_start3A = arith.constant 0 : i32
          %dma_start3A_36 = tpu.memref_slice %arg12[%mul3A_35, %dma_start3A] : memref<10368x128xf32, #tpu.memory_space<vmem_shared>> -> memref<128x128xf32, #tpu.memory_space<vmem_shared>>
          %dma_start3A_37 = arith.constant 0 : i32
          %dma_start3A_38 = tpu.memref_slice %arg12[%mul3A_35, %dma_start3A_37] : memref<10368x128xf32, #tpu.memory_space<vmem_shared>> -> memref<128x128xf32, #tpu.memory_space<vmem_shared>>
          tpu.enqueue_dma source(%arg10 : memref<128x128xf32, #tpu.memory_space<vmem>>) target(%dma_start3A_38 : memref<128x128xf32, #tpu.memory_space<vmem_shared>>) target_semaphore(%run_scoped3A : memref<!tpu.dma_semaphore, #tpu.memory_space<semaphore_mem>>)
          %dma_wait3A = arith.constant 0 : i32
          %dma_wait3A_39 = tpu.memref_slice %arg12[%mul3A_35, %dma_wait3A] : memref<10368x128xf32, #tpu.memory_space<vmem_shared>> -> memref<128x128xf32, #tpu.memory_space<vmem_shared>>
          %dma_wait3A_40 = arith.constant 0 : i32
          %dma_wait3A_41 = tpu.memref_slice %arg12[%mul3A_35, %dma_wait3A_40] : memref<10368x128xf32, #tpu.memory_space<vmem_shared>> -> memref<128x128xf32, #tpu.memory_space<vmem_shared>>
          tpu.wait_dma2 semaphore(%run_scoped3A : memref<!tpu.dma_semaphore, #tpu.memory_space<semaphore_mem>>) src(%arg10 : memref<128x128xf32, #tpu.memory_space<vmem>>) dst(%dma_wait3A_41 : memref<128x128xf32, #tpu.memory_space<vmem_shared>>)
          tpu.yield
        }) : () -> ()
      } else {
      }
    }
    %scan3A_11 = arith.constant 6 : i32
    %barrier3A = arith.constant 0 : index
    tpu.barrier barrier_id(%barrier3A)
    %eq3A = arith.constant 0 : i32
    %eq3A_12 = arith.cmpi eq, %arg0, %eq3A : i32
    %convert_element_type3A = arith.extui %eq3A_12 : i1 to i32
    %cond3A = arith.constant 0 : i32
    %cond3A_13 = arith.cmpi ne, %convert_element_type3A, %cond3A : i32
    scf.if %cond3A_13 {
      %mul3A_27 = arith.constant 80 : i32
      %mul3A_28 = arith.muli %arg1, %mul3A_27 : i32
      %add3A = arith.constant 0 : i32
      %add3A_29 = arith.addi %mul3A_28, %add3A : i32
      "tpu.region"() ({
        %run_scoped3A = tpu.sem_alloc : memref<!tpu.dma_semaphore, #tpu.memory_space<semaphore_mem>>
        %dma_start3A_59 = arith.constant 0 : i32
        %dma_start3A_60 = tpu.memref_slice %arg4[%add3A_29, %dma_start3A_59] : memref<1280x128xi32, #tpu.memory_space<hbm>> -> memref<40x128xi32, #tpu.memory_space<hbm>>
        %dma_start3A_61 = arith.constant 0 : i32
        %dma_start3A_62 = tpu.memref_slice %arg4[%add3A_29, %dma_start3A_61] : memref<1280x128xi32, #tpu.memory_space<hbm>> -> memref<40x128xi32, #tpu.memory_space<hbm>>
        tpu.enqueue_dma source(%dma_start3A_62 : memref<40x128xi32, #tpu.memory_space<hbm>>) target(%arg8 : memref<40x128xi32, #tpu.memory_space<vmem>>) target_semaphore(%run_scoped3A : memref<!tpu.dma_semaphore, #tpu.memory_space<semaphore_mem>>)
        %dma_wait3A = arith.constant 0 : i32
        %dma_wait3A_63 = tpu.memref_slice %arg4[%add3A_29, %dma_wait3A] : memref<1280x128xi32, #tpu.memory_space<hbm>> -> memref<40x128xi32, #tpu.memory_space<hbm>>
        %dma_wait3A_64 = arith.constant 0 : i32
        %dma_wait3A_65 = tpu.memref_slice %arg4[%add3A_29, %dma_wait3A_64] : memref<1280x128xi32, #tpu.memory_space<hbm>> -> memref<40x128xi32, #tpu.memory_space<hbm>>
        tpu.wait_dma2 semaphore(%run_scoped3A : memref<!tpu.dma_semaphore, #tpu.memory_space<semaphore_mem>>) src(%dma_wait3A_65 : memref<40x128xi32, #tpu.memory_space<hbm>>) dst(%arg8 : memref<40x128xi32, #tpu.memory_space<vmem>>)
        tpu.yield
      }) : () -> ()
      "tpu.region"() ({
        %run_scoped3A = tpu.sem_alloc : memref<!tpu.dma_semaphore, #tpu.memory_space<semaphore_mem>>
        %dma_start3A_59 = arith.constant 0 : i32
        %dma_start3A_60 = tpu.memref_slice %arg5[%add3A_29, %dma_start3A_59] : memref<1280x128xi32, #tpu.memory_space<hbm>> -> memref<40x128xi32, #tpu.memory_space<hbm>>
        %dma_start3A_61 = arith.constant 0 : i32
        %dma_start3A_62 = tpu.memref_slice %arg5[%add3A_29, %dma_start3A_61] : memref<1280x128xi32, #tpu.memory_space<hbm>> -> memref<40x128xi32, #tpu.memory_space<hbm>>
        tpu.enqueue_dma source(%dma_start3A_62 : memref<40x128xi32, #tpu.memory_space<hbm>>) target(%arg9 : memref<40x128xi32, #tpu.memory_space<vmem>>) target_semaphore(%run_scoped3A : memref<!tpu.dma_semaphore, #tpu.memory_space<semaphore_mem>>)
        %dma_wait3A = arith.constant 0 : i32
        %dma_wait3A_63 = tpu.memref_slice %arg5[%add3A_29, %dma_wait3A] : memref<1280x128xi32, #tpu.memory_space<hbm>> -> memref<40x128xi32, #tpu.memory_space<hbm>>
        %dma_wait3A_64 = arith.constant 0 : i32
        %dma_wait3A_65 = tpu.memref_slice %arg5[%add3A_29, %dma_wait3A_64] : memref<1280x128xi32, #tpu.memory_space<hbm>> -> memref<40x128xi32, #tpu.memory_space<hbm>>
        tpu.wait_dma2 semaphore(%run_scoped3A : memref<!tpu.dma_semaphore, #tpu.memory_space<semaphore_mem>>) src(%dma_wait3A_65 : memref<40x128xi32, #tpu.memory_space<hbm>>) dst(%arg9 : memref<40x128xi32, #tpu.memory_space<vmem>>)
        tpu.yield
      }) : () -> ()
      %dma_start3A = arith.constant 0 : i32
      %dma_start3A_30 = arith.constant 0 : i32
      %dma_start3A_31 = tpu.memref_slice %arg8[%dma_start3A, %dma_start3A_30] : memref<40x128xi32, #tpu.memory_space<vmem>> -> memref<1x128xi32, #tpu.memory_space<vmem>>
      %dma_start3A_32 = tpu.memref_squeeze %dma_start3A_31 : memref<1x128xi32, #tpu.memory_space<vmem>> -> memref<128xi32, #tpu.memory_space<vmem>>
      %dma_start3A_33 = arith.constant 0 : i32
      %dma_start3A_34 = arith.constant 0 : i32
      %dma_start3A_35 = tpu.memref_slice %arg2[%dma_start3A_33, %dma_start3A_34] : memref<10000x128xf32, #tpu.memory_space<hbm>> -> memref<10000x128xf32, #tpu.memory_space<hbm>>
      tpu.enqueue_indirect_dma source(%dma_start3A_35 : memref<10000x128xf32, #tpu.memory_space<hbm>>) target(%arg10 : memref<128x128xf32, #tpu.memory_space<vmem>>) offsets(%dma_start3A_32 : memref<128xi32, #tpu.memory_space<vmem>>) semaphore(%arg13 : memref<!tpu.dma_semaphore, #tpu.memory_space<semaphore_mem>>)
      %scan3A_36 = arith.constant 0 : i32
      %scan3A_37 = arith.constant 0 : i32
      %scan3A_38 = arith.constant 20 : i32
      %scan3A_39 = arith.addi %scan3A_37, %scan3A_38 : i32
      %scan3A_40 = arith.constant 1 : i32
      scf.for %scan3A_59 = %scan3A_37 to %scan3A_39 step %scan3A_40  : i32 {
        %mul3A_60 = arith.constant 2 : i32
        %mul3A_61 = arith.muli %scan3A_59, %mul3A_60 : i32
        %add3A_62 = arith.constant 1 : i32
        %add3A_63 = arith.addi %mul3A_61, %add3A_62 : i32
        %dma_start3A_64 = arith.constant 0 : i32
        %dma_start3A_65 = tpu.memref_slice %arg8[%add3A_63, %dma_start3A_64] : memref<40x128xi32, #tpu.memory_space<vmem>> -> memref<1x128xi32, #tpu.memory_space<vmem>>
        %dma_start3A_66 = tpu.memref_squeeze %dma_start3A_65 : memref<1x128xi32, #tpu.memory_space<vmem>> -> memref<128xi32, #tpu.memory_space<vmem>>
        %dma_start3A_67 = arith.constant 0 : i32
        %dma_start3A_68 = arith.constant 0 : i32
        %dma_start3A_69 = tpu.memref_slice %arg2[%dma_start3A_67, %dma_start3A_68] : memref<10000x128xf32, #tpu.memory_space<hbm>> -> memref<10000x128xf32, #tpu.memory_space<hbm>>
        tpu.enqueue_indirect_dma source(%dma_start3A_69 : memref<10000x128xf32, #tpu.memory_space<hbm>>) target(%arg11 : memref<128x128xf32, #tpu.memory_space<vmem>>) offsets(%dma_start3A_66 : memref<128xi32, #tpu.memory_space<vmem>>) semaphore(%arg14 : memref<!tpu.dma_semaphore, #tpu.memory_space<semaphore_mem>>)
        %dma_wait3A = arith.constant 0 : i32
        %dma_wait3A_70 = arith.constant 0 : i32
        %dma_wait3A_71 = tpu.memref_slice %arg2[%dma_wait3A, %dma_wait3A_70] : memref<10000x128xf32, #tpu.memory_space<hbm>> -> memref<128x128xf32, #tpu.memory_space<hbm>>
        %dma_wait3A_72 = arith.constant 0 : i32
        %dma_wait3A_73 = arith.constant 0 : i32
        %dma_wait3A_74 = tpu.memref_slice %arg2[%dma_wait3A_72, %dma_wait3A_73] : memref<10000x128xf32, #tpu.memory_space<hbm>> -> memref<128x128xf32, #tpu.memory_space<hbm>>
        tpu.wait_dma2 semaphore(%arg13 : memref<!tpu.dma_semaphore, #tpu.memory_space<semaphore_mem>>) src(%dma_wait3A_74 : memref<128x128xf32, #tpu.memory_space<hbm>>) dst(%arg10 : memref<128x128xf32, #tpu.memory_space<vmem>>)
        "tpu.region"() ({
          %run_scoped3A = tpu.sem_alloc : memref<!tpu.dma_semaphore, #tpu.memory_space<semaphore_mem>>
          %dma_start3A_89 = arith.constant 0 : i32
          %dma_start3A_90 = tpu.memref_slice %arg9[%mul3A_61, %dma_start3A_89] : memref<40x128xi32, #tpu.memory_space<vmem>> -> memref<1x128xi32, #tpu.memory_space<vmem>>
          %dma_start3A_91 = tpu.memref_squeeze %dma_start3A_90 : memref<1x128xi32, #tpu.memory_space<vmem>> -> memref<128xi32, #tpu.memory_space<vmem>>
          %dma_start3A_92 = arith.constant 0 : i32
          %dma_start3A_93 = arith.constant 0 : i32
          %dma_start3A_94 = tpu.memref_slice %arg12[%dma_start3A_92, %dma_start3A_93] : memref<10368x128xf32, #tpu.memory_space<vmem_shared>> -> memref<10368x128xf32, #tpu.memory_space<vmem_shared>>
          tpu.enqueue_indirect_dma source(%arg10 : memref<128x128xf32, #tpu.memory_space<vmem>>) target(%dma_start3A_94 : memref<10368x128xf32, #tpu.memory_space<vmem_shared>>) offsets(%dma_start3A_91 : memref<128xi32, #tpu.memory_space<vmem>>) semaphore(%run_scoped3A : memref<!tpu.dma_semaphore, #tpu.memory_space<semaphore_mem>>) {add = true}
          %dma_wait3A_95 = arith.constant 0 : i32
          %dma_wait3A_96 = tpu.memref_slice %arg9[%mul3A_61, %dma_wait3A_95] : memref<40x128xi32, #tpu.memory_space<vmem>> -> memref<1x128xi32, #tpu.memory_space<vmem>>
          %dma_wait3A_97 = tpu.memref_squeeze %dma_wait3A_96 : memref<1x128xi32, #tpu.memory_space<vmem>> -> memref<128xi32, #tpu.memory_space<vmem>>
          %dma_wait3A_98 = arith.constant 0 : i32
          %dma_wait3A_99 = arith.constant 0 : i32
          %dma_wait3A_100 = tpu.memref_slice %arg12[%dma_wait3A_98, %dma_wait3A_99] : memref<10368x128xf32, #tpu.memory_space<vmem_shared>> -> memref<10368x128xf32, #tpu.memory_space<vmem_shared>>
          tpu.wait_indirect_dma semaphore(%run_scoped3A : memref<!tpu.dma_semaphore, #tpu.memory_space<semaphore_mem>>) src(%arg10 : memref<128x128xf32, #tpu.memory_space<vmem>>) dst(%dma_wait3A_100 : memref<10368x128xf32, #tpu.memory_space<vmem_shared>>)
          tpu.yield
        }) : () -> ()
        %add3A_75 = arith.constant 2 : i32
        %add3A_76 = arith.addi %mul3A_61, %add3A_75 : i32
        %lt3A = arith.constant 40 : i32
        %lt3A_77 = arith.cmpi slt, %add3A_76, %lt3A : i32
        %convert_element_type3A_78 = arith.extui %lt3A_77 : i1 to i32
        %cond3A_79 = arith.constant 0 : i32
        %cond3A_80 = arith.cmpi ne, %convert_element_type3A_78, %cond3A_79 : i32
        scf.if %cond3A_80 {
          %add3A_89 = arith.constant 2 : i32
          %add3A_90 = arith.addi %mul3A_61, %add3A_89 : i32
          %dma_start3A_91 = arith.constant 0 : i32
          %dma_start3A_92 = tpu.memref_slice %arg8[%add3A_90, %dma_start3A_91] : memref<40x128xi32, #tpu.memory_space<vmem>> -> memref<1x128xi32, #tpu.memory_space<vmem>>
          %dma_start3A_93 = tpu.memref_squeeze %dma_start3A_92 : memref<1x128xi32, #tpu.memory_space<vmem>> -> memref<128xi32, #tpu.memory_space<vmem>>
          %dma_start3A_94 = arith.constant 0 : i32
          %dma_start3A_95 = arith.constant 0 : i32
          %dma_start3A_96 = tpu.memref_slice %arg2[%dma_start3A_94, %dma_start3A_95] : memref<10000x128xf32, #tpu.memory_space<hbm>> -> memref<10000x128xf32, #tpu.memory_space<hbm>>
          tpu.enqueue_indirect_dma source(%dma_start3A_96 : memref<10000x128xf32, #tpu.memory_space<hbm>>) target(%arg10 : memref<128x128xf32, #tpu.memory_space<vmem>>) offsets(%dma_start3A_93 : memref<128xi32, #tpu.memory_space<vmem>>) semaphore(%arg13 : memref<!tpu.dma_semaphore, #tpu.memory_space<semaphore_mem>>)
        } else {
        }
        %dma_wait3A_81 = arith.constant 0 : i32
        %dma_wait3A_82 = arith.constant 0 : i32
        %dma_wait3A_83 = tpu.memref_slice %arg2[%dma_wait3A_81, %dma_wait3A_82] : memref<10000x128xf32, #tpu.memory_space<hbm>> -> memref<128x128xf32, #tpu.memory_space<hbm>>
        %dma_wait3A_84 = arith.constant 0 : i32
        %dma_wait3A_85 = arith.constant 0 : i32
        %dma_wait3A_86 = tpu.memref_slice %arg2[%dma_wait3A_84, %dma_wait3A_85] : memref<10000x128xf32, #tpu.memory_space<hbm>> -> memref<128x128xf32, #tpu.memory_space<hbm>>
        tpu.wait_dma2 semaphore(%arg14 : memref<!tpu.dma_semaphore, #tpu.memory_space<semaphore_mem>>) src(%dma_wait3A_86 : memref<128x128xf32, #tpu.memory_space<hbm>>) dst(%arg11 : memref<128x128xf32, #tpu.memory_space<vmem>>)
        %add3A_87 = arith.constant 1 : i32
        %add3A_88 = arith.addi %mul3A_61, %add3A_87 : i32
        "tpu.region"() ({
          %run_scoped3A = tpu.sem_alloc : memref<!tpu.dma_semaphore, #tpu.memory_space<semaphore_mem>>
          %dma_start3A_89 = arith.constant 0 : i32
          %dma_start3A_90 = tpu.memref_slice %arg9[%add3A_88, %dma_start3A_89] : memref<40x128xi32, #tpu.memory_space<vmem>> -> memref<1x128xi32, #tpu.memory_space<vmem>>
          %dma_start3A_91 = tpu.memref_squeeze %dma_start3A_90 : memref<1x128xi32, #tpu.memory_space<vmem>> -> memref<128xi32, #tpu.memory_space<vmem>>
          %dma_start3A_92 = arith.constant 0 : i32
          %dma_start3A_93 = arith.constant 0 : i32
          %dma_start3A_94 = tpu.memref_slice %arg12[%dma_start3A_92, %dma_start3A_93] : memref<10368x128xf32, #tpu.memory_space<vmem_shared>> -> memref<10368x128xf32, #tpu.memory_space<vmem_shared>>
          tpu.enqueue_indirect_dma source(%arg11 : memref<128x128xf32, #tpu.memory_space<vmem>>) target(%dma_start3A_94 : memref<10368x128xf32, #tpu.memory_space<vmem_shared>>) offsets(%dma_start3A_91 : memref<128xi32, #tpu.memory_space<vmem>>) semaphore(%run_scoped3A : memref<!tpu.dma_semaphore, #tpu.memory_space<semaphore_mem>>) {add = true}
          %dma_wait3A_95 = arith.constant 0 : i32
          %dma_wait3A_96 = tpu.memref_slice %arg9[%add3A_88, %dma_wait3A_95] : memref<40x128xi32, #tpu.memory_space<vmem>> -> memref<1x128xi32, #tpu.memory_space<vmem>>
          %dma_wait3A_97 = tpu.memref_squeeze %dma_wait3A_96 : memref<1x128xi32, #tpu.memory_space<vmem>> -> memref<128xi32, #tpu.memory_space<vmem>>
          %dma_wait3A_98 = arith.constant 0 : i32
          %dma_wait3A_99 = arith.constant 0 : i32
          %dma_wait3A_100 = tpu.memref_slice %arg12[%dma_wait3A_98, %dma_wait3A_99] : memref<10368x128xf32, #tpu.memory_space<vmem_shared>> -> memref<10368x128xf32, #tpu.memory_space<vmem_shared>>
          tpu.wait_indirect_dma semaphore(%run_scoped3A : memref<!tpu.dma_semaphore, #tpu.memory_space<semaphore_mem>>) src(%arg11 : memref<128x128xf32, #tpu.memory_space<vmem>>) dst(%dma_wait3A_100 : memref<10368x128xf32, #tpu.memory_space<vmem_shared>>)
          tpu.yield
        }) : () -> ()
      }
      %scan3A_41 = arith.constant 20 : i32
      %mul3A_42 = arith.constant 80 : i32
      %mul3A_43 = arith.muli %arg1, %mul3A_42 : i32
      %add3A_44 = arith.constant 40 : i32
      %add3A_45 = arith.addi %mul3A_43, %add3A_44 : i32
      "tpu.region"() ({
        %run_scoped3A = tpu.sem_alloc : memref<!tpu.dma_semaphore, #tpu.memory_space<semaphore_mem>>
        %dma_start3A_59 = arith.constant 0 : i32
        %dma_start3A_60 = tpu.memref_slice %arg4[%add3A_45, %dma_start3A_59] : memref<1280x128xi32, #tpu.memory_space<hbm>> -> memref<40x128xi32, #tpu.memory_space<hbm>>
        %dma_start3A_61 = arith.constant 0 : i32
        %dma_start3A_62 = tpu.memref_slice %arg4[%add3A_45, %dma_start3A_61] : memref<1280x128xi32, #tpu.memory_space<hbm>> -> memref<40x128xi32, #tpu.memory_space<hbm>>
        tpu.enqueue_dma source(%dma_start3A_62 : memref<40x128xi32, #tpu.memory_space<hbm>>) target(%arg8 : memref<40x128xi32, #tpu.memory_space<vmem>>) target_semaphore(%run_scoped3A : memref<!tpu.dma_semaphore, #tpu.memory_space<semaphore_mem>>)
        %dma_wait3A = arith.constant 0 : i32
        %dma_wait3A_63 = tpu.memref_slice %arg4[%add3A_45, %dma_wait3A] : memref<1280x128xi32, #tpu.memory_space<hbm>> -> memref<40x128xi32, #tpu.memory_space<hbm>>
        %dma_wait3A_64 = arith.constant 0 : i32
        %dma_wait3A_65 = tpu.memref_slice %arg4[%add3A_45, %dma_wait3A_64] : memref<1280x128xi32, #tpu.memory_space<hbm>> -> memref<40x128xi32, #tpu.memory_space<hbm>>
        tpu.wait_dma2 semaphore(%run_scoped3A : memref<!tpu.dma_semaphore, #tpu.memory_space<semaphore_mem>>) src(%dma_wait3A_65 : memref<40x128xi32, #tpu.memory_space<hbm>>) dst(%arg8 : memref<40x128xi32, #tpu.memory_space<vmem>>)
        tpu.yield
      }) : () -> ()
      "tpu.region"() ({
        %run_scoped3A = tpu.sem_alloc : memref<!tpu.dma_semaphore, #tpu.memory_space<semaphore_mem>>
        %dma_start3A_59 = arith.constant 0 : i32
        %dma_start3A_60 = tpu.memref_slice %arg5[%add3A_45, %dma_start3A_59] : memref<1280x128xi32, #tpu.memory_space<hbm>> -> memref<40x128xi32, #tpu.memory_space<hbm>>
        %dma_start3A_61 = arith.constant 0 : i32
        %dma_start3A_62 = tpu.memref_slice %arg5[%add3A_45, %dma_start3A_61] : memref<1280x128xi32, #tpu.memory_space<hbm>> -> memref<40x128xi32, #tpu.memory_space<hbm>>
        tpu.enqueue_dma source(%dma_start3A_62 : memref<40x128xi32, #tpu.memory_space<hbm>>) target(%arg9 : memref<40x128xi32, #tpu.memory_space<vmem>>) target_semaphore(%run_scoped3A : memref<!tpu.dma_semaphore, #tpu.memory_space<semaphore_mem>>)
        %dma_wait3A = arith.constant 0 : i32
        %dma_wait3A_63 = tpu.memref_slice %arg5[%add3A_45, %dma_wait3A] : memref<1280x128xi32, #tpu.memory_space<hbm>> -> memref<40x128xi32, #tpu.memory_space<hbm>>
        %dma_wait3A_64 = arith.constant 0 : i32
        %dma_wait3A_65 = tpu.memref_slice %arg5[%add3A_45, %dma_wait3A_64] : memref<1280x128xi32, #tpu.memory_space<hbm>> -> memref<40x128xi32, #tpu.memory_space<hbm>>
        tpu.wait_dma2 semaphore(%run_scoped3A : memref<!tpu.dma_semaphore, #tpu.memory_space<semaphore_mem>>) src(%dma_wait3A_65 : memref<40x128xi32, #tpu.memory_space<hbm>>) dst(%arg9 : memref<40x128xi32, #tpu.memory_space<vmem>>)
        tpu.yield
      }) : () -> ()
      %dma_start3A_46 = arith.constant 0 : i32
      %dma_start3A_47 = arith.constant 0 : i32
      %dma_start3A_48 = tpu.memref_slice %arg8[%dma_start3A_46, %dma_start3A_47] : memref<40x128xi32, #tpu.memory_space<vmem>> -> memref<1x128xi32, #tpu.memory_space<vmem>>
      %dma_start3A_49 = tpu.memref_squeeze %dma_start3A_48 : memref<1x128xi32, #tpu.memory_space<vmem>> -> memref<128xi32, #tpu.memory_space<vmem>>
      %dma_start3A_50 = arith.constant 0 : i32
      %dma_start3A_51 = arith.constant 0 : i32
      %dma_start3A_52 = tpu.memref_slice %arg2[%dma_start3A_50, %dma_start3A_51] : memref<10000x128xf32, #tpu.memory_space<hbm>> -> memref<10000x128xf32, #tpu.memory_space<hbm>>
      tpu.enqueue_indirect_dma source(%dma_start3A_52 : memref<10000x128xf32, #tpu.memory_space<hbm>>) target(%arg10 : memref<128x128xf32, #tpu.memory_space<vmem>>) offsets(%dma_start3A_49 : memref<128xi32, #tpu.memory_space<vmem>>) semaphore(%arg13 : memref<!tpu.dma_semaphore, #tpu.memory_space<semaphore_mem>>)
      %scan3A_53 = arith.constant 0 : i32
      %scan3A_54 = arith.constant 0 : i32
      %scan3A_55 = arith.constant 20 : i32
      %scan3A_56 = arith.addi %scan3A_54, %scan3A_55 : i32
      %scan3A_57 = arith.constant 1 : i32
      scf.for %scan3A_59 = %scan3A_54 to %scan3A_56 step %scan3A_57  : i32 {
        %mul3A_60 = arith.constant 2 : i32
        %mul3A_61 = arith.muli %scan3A_59, %mul3A_60 : i32
        %add3A_62 = arith.constant 1 : i32
        %add3A_63 = arith.addi %mul3A_61, %add3A_62 : i32
        %dma_start3A_64 = arith.constant 0 : i32
        %dma_start3A_65 = tpu.memref_slice %arg8[%add3A_63, %dma_start3A_64] : memref<40x128xi32, #tpu.memory_space<vmem>> -> memref<1x128xi32, #tpu.memory_space<vmem>>
        %dma_start3A_66 = tpu.memref_squeeze %dma_start3A_65 : memref<1x128xi32, #tpu.memory_space<vmem>> -> memref<128xi32, #tpu.memory_space<vmem>>
        %dma_start3A_67 = arith.constant 0 : i32
        %dma_start3A_68 = arith.constant 0 : i32
        %dma_start3A_69 = tpu.memref_slice %arg2[%dma_start3A_67, %dma_start3A_68] : memref<10000x128xf32, #tpu.memory_space<hbm>> -> memref<10000x128xf32, #tpu.memory_space<hbm>>
        tpu.enqueue_indirect_dma source(%dma_start3A_69 : memref<10000x128xf32, #tpu.memory_space<hbm>>) target(%arg11 : memref<128x128xf32, #tpu.memory_space<vmem>>) offsets(%dma_start3A_66 : memref<128xi32, #tpu.memory_space<vmem>>) semaphore(%arg14 : memref<!tpu.dma_semaphore, #tpu.memory_space<semaphore_mem>>)
        %dma_wait3A = arith.constant 0 : i32
        %dma_wait3A_70 = arith.constant 0 : i32
        %dma_wait3A_71 = tpu.memref_slice %arg2[%dma_wait3A, %dma_wait3A_70] : memref<10000x128xf32, #tpu.memory_space<hbm>> -> memref<128x128xf32, #tpu.memory_space<hbm>>
        %dma_wait3A_72 = arith.constant 0 : i32
        %dma_wait3A_73 = arith.constant 0 : i32
        %dma_wait3A_74 = tpu.memref_slice %arg2[%dma_wait3A_72, %dma_wait3A_73] : memref<10000x128xf32, #tpu.memory_space<hbm>> -> memref<128x128xf32, #tpu.memory_space<hbm>>
        tpu.wait_dma2 semaphore(%arg13 : memref<!tpu.dma_semaphore, #tpu.memory_space<semaphore_mem>>) src(%dma_wait3A_74 : memref<128x128xf32, #tpu.memory_space<hbm>>) dst(%arg10 : memref<128x128xf32, #tpu.memory_space<vmem>>)
        "tpu.region"() ({
          %run_scoped3A = tpu.sem_alloc : memref<!tpu.dma_semaphore, #tpu.memory_space<semaphore_mem>>
          %dma_start3A_89 = arith.constant 0 : i32
          %dma_start3A_90 = tpu.memref_slice %arg9[%mul3A_61, %dma_start3A_89] : memref<40x128xi32, #tpu.memory_space<vmem>> -> memref<1x128xi32, #tpu.memory_space<vmem>>
          %dma_start3A_91 = tpu.memref_squeeze %dma_start3A_90 : memref<1x128xi32, #tpu.memory_space<vmem>> -> memref<128xi32, #tpu.memory_space<vmem>>
          %dma_start3A_92 = arith.constant 0 : i32
          %dma_start3A_93 = arith.constant 0 : i32
          %dma_start3A_94 = tpu.memref_slice %arg12[%dma_start3A_92, %dma_start3A_93] : memref<10368x128xf32, #tpu.memory_space<vmem_shared>> -> memref<10368x128xf32, #tpu.memory_space<vmem_shared>>
          tpu.enqueue_indirect_dma source(%arg10 : memref<128x128xf32, #tpu.memory_space<vmem>>) target(%dma_start3A_94 : memref<10368x128xf32, #tpu.memory_space<vmem_shared>>) offsets(%dma_start3A_91 : memref<128xi32, #tpu.memory_space<vmem>>) semaphore(%run_scoped3A : memref<!tpu.dma_semaphore, #tpu.memory_space<semaphore_mem>>) {add = true}
          %dma_wait3A_95 = arith.constant 0 : i32
          %dma_wait3A_96 = tpu.memref_slice %arg9[%mul3A_61, %dma_wait3A_95] : memref<40x128xi32, #tpu.memory_space<vmem>> -> memref<1x128xi32, #tpu.memory_space<vmem>>
          %dma_wait3A_97 = tpu.memref_squeeze %dma_wait3A_96 : memref<1x128xi32, #tpu.memory_space<vmem>> -> memref<128xi32, #tpu.memory_space<vmem>>
          %dma_wait3A_98 = arith.constant 0 : i32
          %dma_wait3A_99 = arith.constant 0 : i32
          %dma_wait3A_100 = tpu.memref_slice %arg12[%dma_wait3A_98, %dma_wait3A_99] : memref<10368x128xf32, #tpu.memory_space<vmem_shared>> -> memref<10368x128xf32, #tpu.memory_space<vmem_shared>>
          tpu.wait_indirect_dma semaphore(%run_scoped3A : memref<!tpu.dma_semaphore, #tpu.memory_space<semaphore_mem>>) src(%arg10 : memref<128x128xf32, #tpu.memory_space<vmem>>) dst(%dma_wait3A_100 : memref<10368x128xf32, #tpu.memory_space<vmem_shared>>)
          tpu.yield
        }) : () -> ()
        %add3A_75 = arith.constant 2 : i32
        %add3A_76 = arith.addi %mul3A_61, %add3A_75 : i32
        %lt3A = arith.constant 40 : i32
        %lt3A_77 = arith.cmpi slt, %add3A_76, %lt3A : i32
        %convert_element_type3A_78 = arith.extui %lt3A_77 : i1 to i32
        %cond3A_79 = arith.constant 0 : i32
        %cond3A_80 = arith.cmpi ne, %convert_element_type3A_78, %cond3A_79 : i32
        scf.if %cond3A_80 {
          %add3A_89 = arith.constant 2 : i32
          %add3A_90 = arith.addi %mul3A_61, %add3A_89 : i32
          %dma_start3A_91 = arith.constant 0 : i32
          %dma_start3A_92 = tpu.memref_slice %arg8[%add3A_90, %dma_start3A_91] : memref<40x128xi32, #tpu.memory_space<vmem>> -> memref<1x128xi32, #tpu.memory_space<vmem>>
          %dma_start3A_93 = tpu.memref_squeeze %dma_start3A_92 : memref<1x128xi32, #tpu.memory_space<vmem>> -> memref<128xi32, #tpu.memory_space<vmem>>
          %dma_start3A_94 = arith.constant 0 : i32
          %dma_start3A_95 = arith.constant 0 : i32
          %dma_start3A_96 = tpu.memref_slice %arg2[%dma_start3A_94, %dma_start3A_95] : memref<10000x128xf32, #tpu.memory_space<hbm>> -> memref<10000x128xf32, #tpu.memory_space<hbm>>
          tpu.enqueue_indirect_dma source(%dma_start3A_96 : memref<10000x128xf32, #tpu.memory_space<hbm>>) target(%arg10 : memref<128x128xf32, #tpu.memory_space<vmem>>) offsets(%dma_start3A_93 : memref<128xi32, #tpu.memory_space<vmem>>) semaphore(%arg13 : memref<!tpu.dma_semaphore, #tpu.memory_space<semaphore_mem>>)
        } else {
        }
        %dma_wait3A_81 = arith.constant 0 : i32
        %dma_wait3A_82 = arith.constant 0 : i32
        %dma_wait3A_83 = tpu.memref_slice %arg2[%dma_wait3A_81, %dma_wait3A_82] : memref<10000x128xf32, #tpu.memory_space<hbm>> -> memref<128x128xf32, #tpu.memory_space<hbm>>
        %dma_wait3A_84 = arith.constant 0 : i32
        %dma_wait3A_85 = arith.constant 0 : i32
        %dma_wait3A_86 = tpu.memref_slice %arg2[%dma_wait3A_84, %dma_wait3A_85] : memref<10000x128xf32, #tpu.memory_space<hbm>> -> memref<128x128xf32, #tpu.memory_space<hbm>>
        tpu.wait_dma2 semaphore(%arg14 : memref<!tpu.dma_semaphore, #tpu.memory_space<semaphore_mem>>) src(%dma_wait3A_86 : memref<128x128xf32, #tpu.memory_space<hbm>>) dst(%arg11 : memref<128x128xf32, #tpu.memory_space<vmem>>)
        %add3A_87 = arith.constant 1 : i32
        %add3A_88 = arith.addi %mul3A_61, %add3A_87 : i32
        "tpu.region"() ({
          %run_scoped3A = tpu.sem_alloc : memref<!tpu.dma_semaphore, #tpu.memory_space<semaphore_mem>>
          %dma_start3A_89 = arith.constant 0 : i32
          %dma_start3A_90 = tpu.memref_slice %arg9[%add3A_88, %dma_start3A_89] : memref<40x128xi32, #tpu.memory_space<vmem>> -> memref<1x128xi32, #tpu.memory_space<vmem>>
          %dma_start3A_91 = tpu.memref_squeeze %dma_start3A_90 : memref<1x128xi32, #tpu.memory_space<vmem>> -> memref<128xi32, #tpu.memory_space<vmem>>
          %dma_start3A_92 = arith.constant 0 : i32
          %dma_start3A_93 = arith.constant 0 : i32
          %dma_start3A_94 = tpu.memref_slice %arg12[%dma_start3A_92, %dma_start3A_93] : memref<10368x128xf32, #tpu.memory_space<vmem_shared>> -> memref<10368x128xf32, #tpu.memory_space<vmem_shared>>
          tpu.enqueue_indirect_dma source(%arg11 : memref<128x128xf32, #tpu.memory_space<vmem>>) target(%dma_start3A_94 : memref<10368x128xf32, #tpu.memory_space<vmem_shared>>) offsets(%dma_start3A_91 : memref<128xi32, #tpu.memory_space<vmem>>) semaphore(%run_scoped3A : memref<!tpu.dma_semaphore, #tpu.memory_space<semaphore_mem>>) {add = true}
          %dma_wait3A_95 = arith.constant 0 : i32
          %dma_wait3A_96 = tpu.memref_slice %arg9[%add3A_88, %dma_wait3A_95] : memref<40x128xi32, #tpu.memory_space<vmem>> -> memref<1x128xi32, #tpu.memory_space<vmem>>
          %dma_wait3A_97 = tpu.memref_squeeze %dma_wait3A_96 : memref<1x128xi32, #tpu.memory_space<vmem>> -> memref<128xi32, #tpu.memory_space<vmem>>
          %dma_wait3A_98 = arith.constant 0 : i32
          %dma_wait3A_99 = arith.constant 0 : i32
          %dma_wait3A_100 = tpu.memref_slice %arg12[%dma_wait3A_98, %dma_wait3A_99] : memref<10368x128xf32, #tpu.memory_space<vmem_shared>> -> memref<10368x128xf32, #tpu.memory_space<vmem_shared>>
          tpu.wait_indirect_dma semaphore(%run_scoped3A : memref<!tpu.dma_semaphore, #tpu.memory_space<semaphore_mem>>) src(%arg11 : memref<128x128xf32, #tpu.memory_space<vmem>>) dst(%dma_wait3A_100 : memref<10368x128xf32, #tpu.memory_space<vmem_shared>>)
          tpu.yield
        }) : () -> ()
      }
      %scan3A_58 = arith.constant 20 : i32
    } else {
    }
    %eq3A_14 = arith.constant 1 : i32
    %eq3A_15 = arith.cmpi eq, %arg0, %eq3A_14 : i32
    %convert_element_type3A_16 = arith.extui %eq3A_15 : i1 to i32
    %cond3A_17 = arith.constant 0 : i32
    %cond3A_18 = arith.cmpi ne, %convert_element_type3A_16, %cond3A_17 : i32
    scf.if %cond3A_18 {
      %mul3A_27 = arith.constant 80 : i32
      %mul3A_28 = arith.muli %arg1, %mul3A_27 : i32
      %add3A = arith.constant 0 : i32
      %add3A_29 = arith.addi %mul3A_28, %add3A : i32
      "tpu.region"() ({
        %run_scoped3A = tpu.sem_alloc : memref<!tpu.dma_semaphore, #tpu.memory_space<semaphore_mem>>
        %dma_start3A_59 = arith.constant 0 : i32
        %dma_start3A_60 = tpu.memref_slice %arg4[%add3A_29, %dma_start3A_59] : memref<1280x128xi32, #tpu.memory_space<hbm>> -> memref<40x128xi32, #tpu.memory_space<hbm>>
        %dma_start3A_61 = arith.constant 0 : i32
        %dma_start3A_62 = tpu.memref_slice %arg4[%add3A_29, %dma_start3A_61] : memref<1280x128xi32, #tpu.memory_space<hbm>> -> memref<40x128xi32, #tpu.memory_space<hbm>>
        tpu.enqueue_dma source(%dma_start3A_62 : memref<40x128xi32, #tpu.memory_space<hbm>>) target(%arg8 : memref<40x128xi32, #tpu.memory_space<vmem>>) target_semaphore(%run_scoped3A : memref<!tpu.dma_semaphore, #tpu.memory_space<semaphore_mem>>)
        %dma_wait3A = arith.constant 0 : i32
        %dma_wait3A_63 = tpu.memref_slice %arg4[%add3A_29, %dma_wait3A] : memref<1280x128xi32, #tpu.memory_space<hbm>> -> memref<40x128xi32, #tpu.memory_space<hbm>>
        %dma_wait3A_64 = arith.constant 0 : i32
        %dma_wait3A_65 = tpu.memref_slice %arg4[%add3A_29, %dma_wait3A_64] : memref<1280x128xi32, #tpu.memory_space<hbm>> -> memref<40x128xi32, #tpu.memory_space<hbm>>
        tpu.wait_dma2 semaphore(%run_scoped3A : memref<!tpu.dma_semaphore, #tpu.memory_space<semaphore_mem>>) src(%dma_wait3A_65 : memref<40x128xi32, #tpu.memory_space<hbm>>) dst(%arg8 : memref<40x128xi32, #tpu.memory_space<vmem>>)
        tpu.yield
      }) : () -> ()
      "tpu.region"() ({
        %run_scoped3A = tpu.sem_alloc : memref<!tpu.dma_semaphore, #tpu.memory_space<semaphore_mem>>
        %dma_start3A_59 = arith.constant 0 : i32
        %dma_start3A_60 = tpu.memref_slice %arg5[%add3A_29, %dma_start3A_59] : memref<1280x128xi32, #tpu.memory_space<hbm>> -> memref<40x128xi32, #tpu.memory_space<hbm>>
        %dma_start3A_61 = arith.constant 0 : i32
        %dma_start3A_62 = tpu.memref_slice %arg5[%add3A_29, %dma_start3A_61] : memref<1280x128xi32, #tpu.memory_space<hbm>> -> memref<40x128xi32, #tpu.memory_space<hbm>>
        tpu.enqueue_dma source(%dma_start3A_62 : memref<40x128xi32, #tpu.memory_space<hbm>>) target(%arg9 : memref<40x128xi32, #tpu.memory_space<vmem>>) target_semaphore(%run_scoped3A : memref<!tpu.dma_semaphore, #tpu.memory_space<semaphore_mem>>)
        %dma_wait3A = arith.constant 0 : i32
        %dma_wait3A_63 = tpu.memref_slice %arg5[%add3A_29, %dma_wait3A] : memref<1280x128xi32, #tpu.memory_space<hbm>> -> memref<40x128xi32, #tpu.memory_space<hbm>>
        %dma_wait3A_64 = arith.constant 0 : i32
        %dma_wait3A_65 = tpu.memref_slice %arg5[%add3A_29, %dma_wait3A_64] : memref<1280x128xi32, #tpu.memory_space<hbm>> -> memref<40x128xi32, #tpu.memory_space<hbm>>
        tpu.wait_dma2 semaphore(%run_scoped3A : memref<!tpu.dma_semaphore, #tpu.memory_space<semaphore_mem>>) src(%dma_wait3A_65 : memref<40x128xi32, #tpu.memory_space<hbm>>) dst(%arg9 : memref<40x128xi32, #tpu.memory_space<vmem>>)
        tpu.yield
      }) : () -> ()
      %dma_start3A = arith.constant 0 : i32
      %dma_start3A_30 = arith.constant 0 : i32
      %dma_start3A_31 = tpu.memref_slice %arg8[%dma_start3A, %dma_start3A_30] : memref<40x128xi32, #tpu.memory_space<vmem>> -> memref<1x128xi32, #tpu.memory_space<vmem>>
      %dma_start3A_32 = tpu.memref_squeeze %dma_start3A_31 : memref<1x128xi32, #tpu.memory_space<vmem>> -> memref<128xi32, #tpu.memory_space<vmem>>
      %dma_start3A_33 = arith.constant 0 : i32
      %dma_start3A_34 = arith.constant 0 : i32
      %dma_start3A_35 = tpu.memref_slice %arg3[%dma_start3A_33, %dma_start3A_34] : memref<10000x128xf32, #tpu.memory_space<hbm>> -> memref<10000x128xf32, #tpu.memory_space<hbm>>
      tpu.enqueue_indirect_dma source(%dma_start3A_35 : memref<10000x128xf32, #tpu.memory_space<hbm>>) target(%arg10 : memref<128x128xf32, #tpu.memory_space<vmem>>) offsets(%dma_start3A_32 : memref<128xi32, #tpu.memory_space<vmem>>) semaphore(%arg13 : memref<!tpu.dma_semaphore, #tpu.memory_space<semaphore_mem>>)
      %scan3A_36 = arith.constant 0 : i32
      %scan3A_37 = arith.constant 0 : i32
      %scan3A_38 = arith.constant 20 : i32
      %scan3A_39 = arith.addi %scan3A_37, %scan3A_38 : i32
      %scan3A_40 = arith.constant 1 : i32
      scf.for %scan3A_59 = %scan3A_37 to %scan3A_39 step %scan3A_40  : i32 {
        %mul3A_60 = arith.constant 2 : i32
        %mul3A_61 = arith.muli %scan3A_59, %mul3A_60 : i32
        %add3A_62 = arith.constant 1 : i32
        %add3A_63 = arith.addi %mul3A_61, %add3A_62 : i32
        %dma_start3A_64 = arith.constant 0 : i32
        %dma_start3A_65 = tpu.memref_slice %arg8[%add3A_63, %dma_start3A_64] : memref<40x128xi32, #tpu.memory_space<vmem>> -> memref<1x128xi32, #tpu.memory_space<vmem>>
        %dma_start3A_66 = tpu.memref_squeeze %dma_start3A_65 : memref<1x128xi32, #tpu.memory_space<vmem>> -> memref<128xi32, #tpu.memory_space<vmem>>
        %dma_start3A_67 = arith.constant 0 : i32
        %dma_start3A_68 = arith.constant 0 : i32
        %dma_start3A_69 = tpu.memref_slice %arg3[%dma_start3A_67, %dma_start3A_68] : memref<10000x128xf32, #tpu.memory_space<hbm>> -> memref<10000x128xf32, #tpu.memory_space<hbm>>
        tpu.enqueue_indirect_dma source(%dma_start3A_69 : memref<10000x128xf32, #tpu.memory_space<hbm>>) target(%arg11 : memref<128x128xf32, #tpu.memory_space<vmem>>) offsets(%dma_start3A_66 : memref<128xi32, #tpu.memory_space<vmem>>) semaphore(%arg14 : memref<!tpu.dma_semaphore, #tpu.memory_space<semaphore_mem>>)
        %dma_wait3A = arith.constant 0 : i32
        %dma_wait3A_70 = arith.constant 0 : i32
        %dma_wait3A_71 = tpu.memref_slice %arg3[%dma_wait3A, %dma_wait3A_70] : memref<10000x128xf32, #tpu.memory_space<hbm>> -> memref<128x128xf32, #tpu.memory_space<hbm>>
        %dma_wait3A_72 = arith.constant 0 : i32
        %dma_wait3A_73 = arith.constant 0 : i32
        %dma_wait3A_74 = tpu.memref_slice %arg3[%dma_wait3A_72, %dma_wait3A_73] : memref<10000x128xf32, #tpu.memory_space<hbm>> -> memref<128x128xf32, #tpu.memory_space<hbm>>
        tpu.wait_dma2 semaphore(%arg13 : memref<!tpu.dma_semaphore, #tpu.memory_space<semaphore_mem>>) src(%dma_wait3A_74 : memref<128x128xf32, #tpu.memory_space<hbm>>) dst(%arg10 : memref<128x128xf32, #tpu.memory_space<vmem>>)
        "tpu.region"() ({
          %run_scoped3A = tpu.sem_alloc : memref<!tpu.dma_semaphore, #tpu.memory_space<semaphore_mem>>
          %dma_start3A_89 = arith.constant 0 : i32
          %dma_start3A_90 = tpu.memref_slice %arg9[%mul3A_61, %dma_start3A_89] : memref<40x128xi32, #tpu.memory_space<vmem>> -> memref<1x128xi32, #tpu.memory_space<vmem>>
          %dma_start3A_91 = tpu.memref_squeeze %dma_start3A_90 : memref<1x128xi32, #tpu.memory_space<vmem>> -> memref<128xi32, #tpu.memory_space<vmem>>
          %dma_start3A_92 = arith.constant 0 : i32
          %dma_start3A_93 = arith.constant 0 : i32
          %dma_start3A_94 = tpu.memref_slice %arg12[%dma_start3A_92, %dma_start3A_93] : memref<10368x128xf32, #tpu.memory_space<vmem_shared>> -> memref<10368x128xf32, #tpu.memory_space<vmem_shared>>
          tpu.enqueue_indirect_dma source(%arg10 : memref<128x128xf32, #tpu.memory_space<vmem>>) target(%dma_start3A_94 : memref<10368x128xf32, #tpu.memory_space<vmem_shared>>) offsets(%dma_start3A_91 : memref<128xi32, #tpu.memory_space<vmem>>) semaphore(%run_scoped3A : memref<!tpu.dma_semaphore, #tpu.memory_space<semaphore_mem>>) {add = true}
          %dma_wait3A_95 = arith.constant 0 : i32
          %dma_wait3A_96 = tpu.memref_slice %arg9[%mul3A_61, %dma_wait3A_95] : memref<40x128xi32, #tpu.memory_space<vmem>> -> memref<1x128xi32, #tpu.memory_space<vmem>>
          %dma_wait3A_97 = tpu.memref_squeeze %dma_wait3A_96 : memref<1x128xi32, #tpu.memory_space<vmem>> -> memref<128xi32, #tpu.memory_space<vmem>>
          %dma_wait3A_98 = arith.constant 0 : i32
          %dma_wait3A_99 = arith.constant 0 : i32
          %dma_wait3A_100 = tpu.memref_slice %arg12[%dma_wait3A_98, %dma_wait3A_99] : memref<10368x128xf32, #tpu.memory_space<vmem_shared>> -> memref<10368x128xf32, #tpu.memory_space<vmem_shared>>
          tpu.wait_indirect_dma semaphore(%run_scoped3A : memref<!tpu.dma_semaphore, #tpu.memory_space<semaphore_mem>>) src(%arg10 : memref<128x128xf32, #tpu.memory_space<vmem>>) dst(%dma_wait3A_100 : memref<10368x128xf32, #tpu.memory_space<vmem_shared>>)
          tpu.yield
        }) : () -> ()
        %add3A_75 = arith.constant 2 : i32
        %add3A_76 = arith.addi %mul3A_61, %add3A_75 : i32
        %lt3A = arith.constant 40 : i32
        %lt3A_77 = arith.cmpi slt, %add3A_76, %lt3A : i32
        %convert_element_type3A_78 = arith.extui %lt3A_77 : i1 to i32
        %cond3A_79 = arith.constant 0 : i32
        %cond3A_80 = arith.cmpi ne, %convert_element_type3A_78, %cond3A_79 : i32
        scf.if %cond3A_80 {
          %add3A_89 = arith.constant 2 : i32
          %add3A_90 = arith.addi %mul3A_61, %add3A_89 : i32
          %dma_start3A_91 = arith.constant 0 : i32
          %dma_start3A_92 = tpu.memref_slice %arg8[%add3A_90, %dma_start3A_91] : memref<40x128xi32, #tpu.memory_space<vmem>> -> memref<1x128xi32, #tpu.memory_space<vmem>>
          %dma_start3A_93 = tpu.memref_squeeze %dma_start3A_92 : memref<1x128xi32, #tpu.memory_space<vmem>> -> memref<128xi32, #tpu.memory_space<vmem>>
          %dma_start3A_94 = arith.constant 0 : i32
          %dma_start3A_95 = arith.constant 0 : i32
          %dma_start3A_96 = tpu.memref_slice %arg3[%dma_start3A_94, %dma_start3A_95] : memref<10000x128xf32, #tpu.memory_space<hbm>> -> memref<10000x128xf32, #tpu.memory_space<hbm>>
          tpu.enqueue_indirect_dma source(%dma_start3A_96 : memref<10000x128xf32, #tpu.memory_space<hbm>>) target(%arg10 : memref<128x128xf32, #tpu.memory_space<vmem>>) offsets(%dma_start3A_93 : memref<128xi32, #tpu.memory_space<vmem>>) semaphore(%arg13 : memref<!tpu.dma_semaphore, #tpu.memory_space<semaphore_mem>>)
        } else {
        }
        %dma_wait3A_81 = arith.constant 0 : i32
        %dma_wait3A_82 = arith.constant 0 : i32
        %dma_wait3A_83 = tpu.memref_slice %arg3[%dma_wait3A_81, %dma_wait3A_82] : memref<10000x128xf32, #tpu.memory_space<hbm>> -> memref<128x128xf32, #tpu.memory_space<hbm>>
        %dma_wait3A_84 = arith.constant 0 : i32
        %dma_wait3A_85 = arith.constant 0 : i32
        %dma_wait3A_86 = tpu.memref_slice %arg3[%dma_wait3A_84, %dma_wait3A_85] : memref<10000x128xf32, #tpu.memory_space<hbm>> -> memref<128x128xf32, #tpu.memory_space<hbm>>
        tpu.wait_dma2 semaphore(%arg14 : memref<!tpu.dma_semaphore, #tpu.memory_space<semaphore_mem>>) src(%dma_wait3A_86 : memref<128x128xf32, #tpu.memory_space<hbm>>) dst(%arg11 : memref<128x128xf32, #tpu.memory_space<vmem>>)
        %add3A_87 = arith.constant 1 : i32
        %add3A_88 = arith.addi %mul3A_61, %add3A_87 : i32
        "tpu.region"() ({
          %run_scoped3A = tpu.sem_alloc : memref<!tpu.dma_semaphore, #tpu.memory_space<semaphore_mem>>
          %dma_start3A_89 = arith.constant 0 : i32
          %dma_start3A_90 = tpu.memref_slice %arg9[%add3A_88, %dma_start3A_89] : memref<40x128xi32, #tpu.memory_space<vmem>> -> memref<1x128xi32, #tpu.memory_space<vmem>>
          %dma_start3A_91 = tpu.memref_squeeze %dma_start3A_90 : memref<1x128xi32, #tpu.memory_space<vmem>> -> memref<128xi32, #tpu.memory_space<vmem>>
          %dma_start3A_92 = arith.constant 0 : i32
          %dma_start3A_93 = arith.constant 0 : i32
          %dma_start3A_94 = tpu.memref_slice %arg12[%dma_start3A_92, %dma_start3A_93] : memref<10368x128xf32, #tpu.memory_space<vmem_shared>> -> memref<10368x128xf32, #tpu.memory_space<vmem_shared>>
          tpu.enqueue_indirect_dma source(%arg11 : memref<128x128xf32, #tpu.memory_space<vmem>>) target(%dma_start3A_94 : memref<10368x128xf32, #tpu.memory_space<vmem_shared>>) offsets(%dma_start3A_91 : memref<128xi32, #tpu.memory_space<vmem>>) semaphore(%run_scoped3A : memref<!tpu.dma_semaphore, #tpu.memory_space<semaphore_mem>>) {add = true}
          %dma_wait3A_95 = arith.constant 0 : i32
          %dma_wait3A_96 = tpu.memref_slice %arg9[%add3A_88, %dma_wait3A_95] : memref<40x128xi32, #tpu.memory_space<vmem>> -> memref<1x128xi32, #tpu.memory_space<vmem>>
          %dma_wait3A_97 = tpu.memref_squeeze %dma_wait3A_96 : memref<1x128xi32, #tpu.memory_space<vmem>> -> memref<128xi32, #tpu.memory_space<vmem>>
          %dma_wait3A_98 = arith.constant 0 : i32
          %dma_wait3A_99 = arith.constant 0 : i32
          %dma_wait3A_100 = tpu.memref_slice %arg12[%dma_wait3A_98, %dma_wait3A_99] : memref<10368x128xf32, #tpu.memory_space<vmem_shared>> -> memref<10368x128xf32, #tpu.memory_space<vmem_shared>>
          tpu.wait_indirect_dma semaphore(%run_scoped3A : memref<!tpu.dma_semaphore, #tpu.memory_space<semaphore_mem>>) src(%arg11 : memref<128x128xf32, #tpu.memory_space<vmem>>) dst(%dma_wait3A_100 : memref<10368x128xf32, #tpu.memory_space<vmem_shared>>)
          tpu.yield
        }) : () -> ()
      }
      %scan3A_41 = arith.constant 20 : i32
      %mul3A_42 = arith.constant 80 : i32
      %mul3A_43 = arith.muli %arg1, %mul3A_42 : i32
      %add3A_44 = arith.constant 40 : i32
      %add3A_45 = arith.addi %mul3A_43, %add3A_44 : i32
      "tpu.region"() ({
        %run_scoped3A = tpu.sem_alloc : memref<!tpu.dma_semaphore, #tpu.memory_space<semaphore_mem>>
        %dma_start3A_59 = arith.constant 0 : i32
        %dma_start3A_60 = tpu.memref_slice %arg4[%add3A_45, %dma_start3A_59] : memref<1280x128xi32, #tpu.memory_space<hbm>> -> memref<40x128xi32, #tpu.memory_space<hbm>>
        %dma_start3A_61 = arith.constant 0 : i32
        %dma_start3A_62 = tpu.memref_slice %arg4[%add3A_45, %dma_start3A_61] : memref<1280x128xi32, #tpu.memory_space<hbm>> -> memref<40x128xi32, #tpu.memory_space<hbm>>
        tpu.enqueue_dma source(%dma_start3A_62 : memref<40x128xi32, #tpu.memory_space<hbm>>) target(%arg8 : memref<40x128xi32, #tpu.memory_space<vmem>>) target_semaphore(%run_scoped3A : memref<!tpu.dma_semaphore, #tpu.memory_space<semaphore_mem>>)
        %dma_wait3A = arith.constant 0 : i32
        %dma_wait3A_63 = tpu.memref_slice %arg4[%add3A_45, %dma_wait3A] : memref<1280x128xi32, #tpu.memory_space<hbm>> -> memref<40x128xi32, #tpu.memory_space<hbm>>
        %dma_wait3A_64 = arith.constant 0 : i32
        %dma_wait3A_65 = tpu.memref_slice %arg4[%add3A_45, %dma_wait3A_64] : memref<1280x128xi32, #tpu.memory_space<hbm>> -> memref<40x128xi32, #tpu.memory_space<hbm>>
        tpu.wait_dma2 semaphore(%run_scoped3A : memref<!tpu.dma_semaphore, #tpu.memory_space<semaphore_mem>>) src(%dma_wait3A_65 : memref<40x128xi32, #tpu.memory_space<hbm>>) dst(%arg8 : memref<40x128xi32, #tpu.memory_space<vmem>>)
        tpu.yield
      }) : () -> ()
      "tpu.region"() ({
        %run_scoped3A = tpu.sem_alloc : memref<!tpu.dma_semaphore, #tpu.memory_space<semaphore_mem>>
        %dma_start3A_59 = arith.constant 0 : i32
        %dma_start3A_60 = tpu.memref_slice %arg5[%add3A_45, %dma_start3A_59] : memref<1280x128xi32, #tpu.memory_space<hbm>> -> memref<40x128xi32, #tpu.memory_space<hbm>>
        %dma_start3A_61 = arith.constant 0 : i32
        %dma_start3A_62 = tpu.memref_slice %arg5[%add3A_45, %dma_start3A_61] : memref<1280x128xi32, #tpu.memory_space<hbm>> -> memref<40x128xi32, #tpu.memory_space<hbm>>
        tpu.enqueue_dma source(%dma_start3A_62 : memref<40x128xi32, #tpu.memory_space<hbm>>) target(%arg9 : memref<40x128xi32, #tpu.memory_space<vmem>>) target_semaphore(%run_scoped3A : memref<!tpu.dma_semaphore, #tpu.memory_space<semaphore_mem>>)
        %dma_wait3A = arith.constant 0 : i32
        %dma_wait3A_63 = tpu.memref_slice %arg5[%add3A_45, %dma_wait3A] : memref<1280x128xi32, #tpu.memory_space<hbm>> -> memref<40x128xi32, #tpu.memory_space<hbm>>
        %dma_wait3A_64 = arith.constant 0 : i32
        %dma_wait3A_65 = tpu.memref_slice %arg5[%add3A_45, %dma_wait3A_64] : memref<1280x128xi32, #tpu.memory_space<hbm>> -> memref<40x128xi32, #tpu.memory_space<hbm>>
        tpu.wait_dma2 semaphore(%run_scoped3A : memref<!tpu.dma_semaphore, #tpu.memory_space<semaphore_mem>>) src(%dma_wait3A_65 : memref<40x128xi32, #tpu.memory_space<hbm>>) dst(%arg9 : memref<40x128xi32, #tpu.memory_space<vmem>>)
        tpu.yield
      }) : () -> ()
      %dma_start3A_46 = arith.constant 0 : i32
      %dma_start3A_47 = arith.constant 0 : i32
      %dma_start3A_48 = tpu.memref_slice %arg8[%dma_start3A_46, %dma_start3A_47] : memref<40x128xi32, #tpu.memory_space<vmem>> -> memref<1x128xi32, #tpu.memory_space<vmem>>
      %dma_start3A_49 = tpu.memref_squeeze %dma_start3A_48 : memref<1x128xi32, #tpu.memory_space<vmem>> -> memref<128xi32, #tpu.memory_space<vmem>>
      %dma_start3A_50 = arith.constant 0 : i32
      %dma_start3A_51 = arith.constant 0 : i32
      %dma_start3A_52 = tpu.memref_slice %arg3[%dma_start3A_50, %dma_start3A_51] : memref<10000x128xf32, #tpu.memory_space<hbm>> -> memref<10000x128xf32, #tpu.memory_space<hbm>>
      tpu.enqueue_indirect_dma source(%dma_start3A_52 : memref<10000x128xf32, #tpu.memory_space<hbm>>) target(%arg10 : memref<128x128xf32, #tpu.memory_space<vmem>>) offsets(%dma_start3A_49 : memref<128xi32, #tpu.memory_space<vmem>>) semaphore(%arg13 : memref<!tpu.dma_semaphore, #tpu.memory_space<semaphore_mem>>)
      %scan3A_53 = arith.constant 0 : i32
      %scan3A_54 = arith.constant 0 : i32
      %scan3A_55 = arith.constant 20 : i32
      %scan3A_56 = arith.addi %scan3A_54, %scan3A_55 : i32
      %scan3A_57 = arith.constant 1 : i32
      scf.for %scan3A_59 = %scan3A_54 to %scan3A_56 step %scan3A_57  : i32 {
        %mul3A_60 = arith.constant 2 : i32
        %mul3A_61 = arith.muli %scan3A_59, %mul3A_60 : i32
        %add3A_62 = arith.constant 1 : i32
        %add3A_63 = arith.addi %mul3A_61, %add3A_62 : i32
        %dma_start3A_64 = arith.constant 0 : i32
        %dma_start3A_65 = tpu.memref_slice %arg8[%add3A_63, %dma_start3A_64] : memref<40x128xi32, #tpu.memory_space<vmem>> -> memref<1x128xi32, #tpu.memory_space<vmem>>
        %dma_start3A_66 = tpu.memref_squeeze %dma_start3A_65 : memref<1x128xi32, #tpu.memory_space<vmem>> -> memref<128xi32, #tpu.memory_space<vmem>>
        %dma_start3A_67 = arith.constant 0 : i32
        %dma_start3A_68 = arith.constant 0 : i32
        %dma_start3A_69 = tpu.memref_slice %arg3[%dma_start3A_67, %dma_start3A_68] : memref<10000x128xf32, #tpu.memory_space<hbm>> -> memref<10000x128xf32, #tpu.memory_space<hbm>>
        tpu.enqueue_indirect_dma source(%dma_start3A_69 : memref<10000x128xf32, #tpu.memory_space<hbm>>) target(%arg11 : memref<128x128xf32, #tpu.memory_space<vmem>>) offsets(%dma_start3A_66 : memref<128xi32, #tpu.memory_space<vmem>>) semaphore(%arg14 : memref<!tpu.dma_semaphore, #tpu.memory_space<semaphore_mem>>)
        %dma_wait3A = arith.constant 0 : i32
        %dma_wait3A_70 = arith.constant 0 : i32
        %dma_wait3A_71 = tpu.memref_slice %arg3[%dma_wait3A, %dma_wait3A_70] : memref<10000x128xf32, #tpu.memory_space<hbm>> -> memref<128x128xf32, #tpu.memory_space<hbm>>
        %dma_wait3A_72 = arith.constant 0 : i32
        %dma_wait3A_73 = arith.constant 0 : i32
        %dma_wait3A_74 = tpu.memref_slice %arg3[%dma_wait3A_72, %dma_wait3A_73] : memref<10000x128xf32, #tpu.memory_space<hbm>> -> memref<128x128xf32, #tpu.memory_space<hbm>>
        tpu.wait_dma2 semaphore(%arg13 : memref<!tpu.dma_semaphore, #tpu.memory_space<semaphore_mem>>) src(%dma_wait3A_74 : memref<128x128xf32, #tpu.memory_space<hbm>>) dst(%arg10 : memref<128x128xf32, #tpu.memory_space<vmem>>)
        "tpu.region"() ({
          %run_scoped3A = tpu.sem_alloc : memref<!tpu.dma_semaphore, #tpu.memory_space<semaphore_mem>>
          %dma_start3A_89 = arith.constant 0 : i32
          %dma_start3A_90 = tpu.memref_slice %arg9[%mul3A_61, %dma_start3A_89] : memref<40x128xi32, #tpu.memory_space<vmem>> -> memref<1x128xi32, #tpu.memory_space<vmem>>
          %dma_start3A_91 = tpu.memref_squeeze %dma_start3A_90 : memref<1x128xi32, #tpu.memory_space<vmem>> -> memref<128xi32, #tpu.memory_space<vmem>>
          %dma_start3A_92 = arith.constant 0 : i32
          %dma_start3A_93 = arith.constant 0 : i32
          %dma_start3A_94 = tpu.memref_slice %arg12[%dma_start3A_92, %dma_start3A_93] : memref<10368x128xf32, #tpu.memory_space<vmem_shared>> -> memref<10368x128xf32, #tpu.memory_space<vmem_shared>>
          tpu.enqueue_indirect_dma source(%arg10 : memref<128x128xf32, #tpu.memory_space<vmem>>) target(%dma_start3A_94 : memref<10368x128xf32, #tpu.memory_space<vmem_shared>>) offsets(%dma_start3A_91 : memref<128xi32, #tpu.memory_space<vmem>>) semaphore(%run_scoped3A : memref<!tpu.dma_semaphore, #tpu.memory_space<semaphore_mem>>) {add = true}
          %dma_wait3A_95 = arith.constant 0 : i32
          %dma_wait3A_96 = tpu.memref_slice %arg9[%mul3A_61, %dma_wait3A_95] : memref<40x128xi32, #tpu.memory_space<vmem>> -> memref<1x128xi32, #tpu.memory_space<vmem>>
          %dma_wait3A_97 = tpu.memref_squeeze %dma_wait3A_96 : memref<1x128xi32, #tpu.memory_space<vmem>> -> memref<128xi32, #tpu.memory_space<vmem>>
          %dma_wait3A_98 = arith.constant 0 : i32
          %dma_wait3A_99 = arith.constant 0 : i32
          %dma_wait3A_100 = tpu.memref_slice %arg12[%dma_wait3A_98, %dma_wait3A_99] : memref<10368x128xf32, #tpu.memory_space<vmem_shared>> -> memref<10368x128xf32, #tpu.memory_space<vmem_shared>>
          tpu.wait_indirect_dma semaphore(%run_scoped3A : memref<!tpu.dma_semaphore, #tpu.memory_space<semaphore_mem>>) src(%arg10 : memref<128x128xf32, #tpu.memory_space<vmem>>) dst(%dma_wait3A_100 : memref<10368x128xf32, #tpu.memory_space<vmem_shared>>)
          tpu.yield
        }) : () -> ()
        %add3A_75 = arith.constant 2 : i32
        %add3A_76 = arith.addi %mul3A_61, %add3A_75 : i32
        %lt3A = arith.constant 40 : i32
        %lt3A_77 = arith.cmpi slt, %add3A_76, %lt3A : i32
        %convert_element_type3A_78 = arith.extui %lt3A_77 : i1 to i32
        %cond3A_79 = arith.constant 0 : i32
        %cond3A_80 = arith.cmpi ne, %convert_element_type3A_78, %cond3A_79 : i32
        scf.if %cond3A_80 {
          %add3A_89 = arith.constant 2 : i32
          %add3A_90 = arith.addi %mul3A_61, %add3A_89 : i32
          %dma_start3A_91 = arith.constant 0 : i32
          %dma_start3A_92 = tpu.memref_slice %arg8[%add3A_90, %dma_start3A_91] : memref<40x128xi32, #tpu.memory_space<vmem>> -> memref<1x128xi32, #tpu.memory_space<vmem>>
          %dma_start3A_93 = tpu.memref_squeeze %dma_start3A_92 : memref<1x128xi32, #tpu.memory_space<vmem>> -> memref<128xi32, #tpu.memory_space<vmem>>
          %dma_start3A_94 = arith.constant 0 : i32
          %dma_start3A_95 = arith.constant 0 : i32
          %dma_start3A_96 = tpu.memref_slice %arg3[%dma_start3A_94, %dma_start3A_95] : memref<10000x128xf32, #tpu.memory_space<hbm>> -> memref<10000x128xf32, #tpu.memory_space<hbm>>
          tpu.enqueue_indirect_dma source(%dma_start3A_96 : memref<10000x128xf32, #tpu.memory_space<hbm>>) target(%arg10 : memref<128x128xf32, #tpu.memory_space<vmem>>) offsets(%dma_start3A_93 : memref<128xi32, #tpu.memory_space<vmem>>) semaphore(%arg13 : memref<!tpu.dma_semaphore, #tpu.memory_space<semaphore_mem>>)
        } else {
        }
        %dma_wait3A_81 = arith.constant 0 : i32
        %dma_wait3A_82 = arith.constant 0 : i32
        %dma_wait3A_83 = tpu.memref_slice %arg3[%dma_wait3A_81, %dma_wait3A_82] : memref<10000x128xf32, #tpu.memory_space<hbm>> -> memref<128x128xf32, #tpu.memory_space<hbm>>
        %dma_wait3A_84 = arith.constant 0 : i32
        %dma_wait3A_85 = arith.constant 0 : i32
        %dma_wait3A_86 = tpu.memref_slice %arg3[%dma_wait3A_84, %dma_wait3A_85] : memref<10000x128xf32, #tpu.memory_space<hbm>> -> memref<128x128xf32, #tpu.memory_space<hbm>>
        tpu.wait_dma2 semaphore(%arg14 : memref<!tpu.dma_semaphore, #tpu.memory_space<semaphore_mem>>) src(%dma_wait3A_86 : memref<128x128xf32, #tpu.memory_space<hbm>>) dst(%arg11 : memref<128x128xf32, #tpu.memory_space<vmem>>)
        %add3A_87 = arith.constant 1 : i32
        %add3A_88 = arith.addi %mul3A_61, %add3A_87 : i32
        "tpu.region"() ({
          %run_scoped3A = tpu.sem_alloc : memref<!tpu.dma_semaphore, #tpu.memory_space<semaphore_mem>>
          %dma_start3A_89 = arith.constant 0 : i32
          %dma_start3A_90 = tpu.memref_slice %arg9[%add3A_88, %dma_start3A_89] : memref<40x128xi32, #tpu.memory_space<vmem>> -> memref<1x128xi32, #tpu.memory_space<vmem>>
          %dma_start3A_91 = tpu.memref_squeeze %dma_start3A_90 : memref<1x128xi32, #tpu.memory_space<vmem>> -> memref<128xi32, #tpu.memory_space<vmem>>
          %dma_start3A_92 = arith.constant 0 : i32
          %dma_start3A_93 = arith.constant 0 : i32
          %dma_start3A_94 = tpu.memref_slice %arg12[%dma_start3A_92, %dma_start3A_93] : memref<10368x128xf32, #tpu.memory_space<vmem_shared>> -> memref<10368x128xf32, #tpu.memory_space<vmem_shared>>
          tpu.enqueue_indirect_dma source(%arg11 : memref<128x128xf32, #tpu.memory_space<vmem>>) target(%dma_start3A_94 : memref<10368x128xf32, #tpu.memory_space<vmem_shared>>) offsets(%dma_start3A_91 : memref<128xi32, #tpu.memory_space<vmem>>) semaphore(%run_scoped3A : memref<!tpu.dma_semaphore, #tpu.memory_space<semaphore_mem>>) {add = true}
          %dma_wait3A_95 = arith.constant 0 : i32
          %dma_wait3A_96 = tpu.memref_slice %arg9[%add3A_88, %dma_wait3A_95] : memref<40x128xi32, #tpu.memory_space<vmem>> -> memref<1x128xi32, #tpu.memory_space<vmem>>
          %dma_wait3A_97 = tpu.memref_squeeze %dma_wait3A_96 : memref<1x128xi32, #tpu.memory_space<vmem>> -> memref<128xi32, #tpu.memory_space<vmem>>
          %dma_wait3A_98 = arith.constant 0 : i32
          %dma_wait3A_99 = arith.constant 0 : i32
          %dma_wait3A_100 = tpu.memref_slice %arg12[%dma_wait3A_98, %dma_wait3A_99] : memref<10368x128xf32, #tpu.memory_space<vmem_shared>> -> memref<10368x128xf32, #tpu.memory_space<vmem_shared>>
          tpu.wait_indirect_dma semaphore(%run_scoped3A : memref<!tpu.dma_semaphore, #tpu.memory_space<semaphore_mem>>) src(%arg11 : memref<128x128xf32, #tpu.memory_space<vmem>>) dst(%dma_wait3A_100 : memref<10368x128xf32, #tpu.memory_space<vmem_shared>>)
          tpu.yield
        }) : () -> ()
      }
      %scan3A_58 = arith.constant 20 : i32
    } else {
    }
    %barrier3A_19 = arith.constant 0 : index
    tpu.barrier barrier_id(%barrier3A_19)
    %mul3A = arith.constant 640 : i32
    %mul3A_20 = arith.muli %arg1, %mul3A : i32
    %scan3A_21 = arith.constant 0 : i32
    %scan3A_22 = arith.constant 0 : i32
    %scan3A_23 = arith.constant 5 : i32
    %scan3A_24 = arith.addi %scan3A_22, %scan3A_23 : i32
    %scan3A_25 = arith.constant 1 : i32
    scf.for %scan3A_27 = %scan3A_22 to %scan3A_24 step %scan3A_25  : i32 {
      %mul3A_28 = arith.constant 128 : i32
      %mul3A_29 = arith.muli %scan3A_27, %mul3A_28 : i32
      %add3A = arith.addi %mul3A_20, %mul3A_29 : i32
      "tpu.region"() ({
        %run_scoped3A = tpu.sem_alloc : memref<!tpu.dma_semaphore, #tpu.memory_space<semaphore_mem>>
        %dma_start3A = arith.constant 0 : i32
        %dma_start3A_40 = tpu.memref_slice %arg12[%add3A, %dma_start3A] : memref<10368x128xf32, #tpu.memory_space<vmem_shared>> -> memref<128x128xf32, #tpu.memory_space<vmem_shared>>
        %dma_start3A_41 = arith.constant 0 : i32
        %dma_start3A_42 = tpu.memref_slice %arg12[%add3A, %dma_start3A_41] : memref<10368x128xf32, #tpu.memory_space<vmem_shared>> -> memref<128x128xf32, #tpu.memory_space<vmem_shared>>
        tpu.enqueue_dma source(%dma_start3A_42 : memref<128x128xf32, #tpu.memory_space<vmem_shared>>) target(%arg10 : memref<128x128xf32, #tpu.memory_space<vmem>>) target_semaphore(%run_scoped3A : memref<!tpu.dma_semaphore, #tpu.memory_space<semaphore_mem>>)
        %dma_wait3A = arith.constant 0 : i32
        %dma_wait3A_43 = tpu.memref_slice %arg12[%add3A, %dma_wait3A] : memref<10368x128xf32, #tpu.memory_space<vmem_shared>> -> memref<128x128xf32, #tpu.memory_space<vmem_shared>>
        %dma_wait3A_44 = arith.constant 0 : i32
        %dma_wait3A_45 = tpu.memref_slice %arg12[%add3A, %dma_wait3A_44] : memref<10368x128xf32, #tpu.memory_space<vmem_shared>> -> memref<128x128xf32, #tpu.memory_space<vmem_shared>>
        tpu.wait_dma2 semaphore(%run_scoped3A : memref<!tpu.dma_semaphore, #tpu.memory_space<semaphore_mem>>) src(%dma_wait3A_45 : memref<128x128xf32, #tpu.memory_space<vmem_shared>>) dst(%arg10 : memref<128x128xf32, #tpu.memory_space<vmem>>)
        tpu.yield
      }) : () -> ()
      %eq3A_30 = arith.constant 0 : i32
      %eq3A_31 = arith.cmpi eq, %arg0, %eq3A_30 : i32
      %convert_element_type3A_32 = arith.extui %eq3A_31 : i1 to i32
      %cond3A_33 = arith.constant 0 : i32
      %cond3A_34 = arith.cmpi ne, %convert_element_type3A_32, %cond3A_33 : i32
      scf.if %cond3A_34 {
        "tpu.region"() ({
          %run_scoped3A = tpu.sem_alloc : memref<!tpu.dma_semaphore, #tpu.memory_space<semaphore_mem>>
          %dma_start3A = arith.constant 0 : i32
          %dma_start3A_40 = tpu.memref_slice %arg6[%add3A, %dma_start3A] : memref<10240x128xf32, #tpu.memory_space<hbm>> -> memref<128x128xf32, #tpu.memory_space<hbm>>
          %dma_start3A_41 = arith.constant 0 : i32
          %dma_start3A_42 = tpu.memref_slice %arg6[%add3A, %dma_start3A_41] : memref<10240x128xf32, #tpu.memory_space<hbm>> -> memref<128x128xf32, #tpu.memory_space<hbm>>
          tpu.enqueue_dma source(%arg10 : memref<128x128xf32, #tpu.memory_space<vmem>>) target(%dma_start3A_42 : memref<128x128xf32, #tpu.memory_space<hbm>>) target_semaphore(%run_scoped3A : memref<!tpu.dma_semaphore, #tpu.memory_space<semaphore_mem>>)
          %dma_wait3A = arith.constant 0 : i32
          %dma_wait3A_43 = tpu.memref_slice %arg6[%add3A, %dma_wait3A] : memref<10240x128xf32, #tpu.memory_space<hbm>> -> memref<128x128xf32, #tpu.memory_space<hbm>>
          %dma_wait3A_44 = arith.constant 0 : i32
          %dma_wait3A_45 = tpu.memref_slice %arg6[%add3A, %dma_wait3A_44] : memref<10240x128xf32, #tpu.memory_space<hbm>> -> memref<128x128xf32, #tpu.memory_space<hbm>>
          tpu.wait_dma2 semaphore(%run_scoped3A : memref<!tpu.dma_semaphore, #tpu.memory_space<semaphore_mem>>) src(%arg10 : memref<128x128xf32, #tpu.memory_space<vmem>>) dst(%dma_wait3A_45 : memref<128x128xf32, #tpu.memory_space<hbm>>)
          tpu.yield
        }) : () -> ()
      } else {
      }
      %eq3A_35 = arith.constant 1 : i32
      %eq3A_36 = arith.cmpi eq, %arg0, %eq3A_35 : i32
      %convert_element_type3A_37 = arith.extui %eq3A_36 : i1 to i32
      %cond3A_38 = arith.constant 0 : i32
      %cond3A_39 = arith.cmpi ne, %convert_element_type3A_37, %cond3A_38 : i32
      scf.if %cond3A_39 {
        "tpu.region"() ({
          %run_scoped3A = tpu.sem_alloc : memref<!tpu.dma_semaphore, #tpu.memory_space<semaphore_mem>>
          %dma_start3A = arith.constant 0 : i32
          %dma_start3A_40 = tpu.memref_slice %arg7[%add3A, %dma_start3A] : memref<10240x128xf32, #tpu.memory_space<hbm>> -> memref<128x128xf32, #tpu.memory_space<hbm>>
          %dma_start3A_41 = arith.constant 0 : i32
          %dma_start3A_42 = tpu.memref_slice %arg7[%add3A, %dma_start3A_41] : memref<10240x128xf32, #tpu.memory_space<hbm>> -> memref<128x128xf32, #tpu.memory_space<hbm>>
          tpu.enqueue_dma source(%arg10 : memref<128x128xf32, #tpu.memory_space<vmem>>) target(%dma_start3A_42 : memref<128x128xf32, #tpu.memory_space<hbm>>) target_semaphore(%run_scoped3A : memref<!tpu.dma_semaphore, #tpu.memory_space<semaphore_mem>>)
          %dma_wait3A = arith.constant 0 : i32
          %dma_wait3A_43 = tpu.memref_slice %arg7[%add3A, %dma_wait3A] : memref<10240x128xf32, #tpu.memory_space<hbm>> -> memref<128x128xf32, #tpu.memory_space<hbm>>
          %dma_wait3A_44 = arith.constant 0 : i32
          %dma_wait3A_45 = tpu.memref_slice %arg7[%add3A, %dma_wait3A_44] : memref<10240x128xf32, #tpu.memory_space<hbm>> -> memref<128x128xf32, #tpu.memory_space<hbm>>
          tpu.wait_dma2 semaphore(%run_scoped3A : memref<!tpu.dma_semaphore, #tpu.memory_space<semaphore_mem>>) src(%arg10 : memref<128x128xf32, #tpu.memory_space<vmem>>) dst(%dma_wait3A_45 : memref<128x128xf32, #tpu.memory_space<hbm>>)
          tpu.yield
        }) : () -> ()
      } else {
      }
    }
    %scan3A_26 = arith.constant 5 : i32
    return
  }
}

module attributes {stable_mosaic.version = 14 : i64} {
  func.func @_mm_body(%arg0: i32, %arg1: memref<1000x256xf32, #tpu.memory_space<vmem>>, %arg2: memref<256x256xf32, #tpu.memory_space<vmem>>, %arg3: memref<1000x1xf32, #tpu.memory_space<vmem>>, %arg4: memref<1000x128xf32, #tpu.memory_space<vmem>>, %arg5: memref<1000x128xf32, #tpu.memory_space<vmem>>) attributes {dimension_semantics = [#tpu.dimension_semantics<arbitrary>], iteration_bounds = array<i64: 10>, scalar_prefetch = 0 : i64, scratch_operands = 0 : i64, tpu.core_type = #tpu.core_type<tc>, window_params = [{transform_indices = @transform_0, window_bounds = array<i64: 1000, 256>}, {pipeline_mode = #tpu.pipeline_mode<synchronous>, transform_indices = @transform_1, window_bounds = array<i64: 256, 256>}, {transform_indices = @transform_2, window_bounds = array<i64: 1000, 1>}, {transform_indices = @transform_3, window_bounds = array<i64: 1000, 128>}, {transform_indices = @transform_4, window_bounds = array<i64: 1000, 128>}]} {
    %get3A = arith.constant 0 : index
    %get3A_0 = arith.constant 0 : index
    %get3A_1 = vector.load %arg1[%get3A, %get3A_0] : memref<1000x256xf32, #tpu.memory_space<vmem>>, vector<1000x256xf32>
    %get3A_2 = arith.constant 0 : index
    %get3A_3 = arith.constant 0 : index
    %get3A_4 = vector.load %arg2[%get3A_2, %get3A_3] : memref<256x256xf32, #tpu.memory_space<vmem>>, vector<256x256xf32>
    %dot_general3A = arith.constant dense<0.000000e+00> : vector<1000x256xf32>
    %dot_general3A_5 = tpu.matmul %get3A_1, %get3A_4, %dot_general3A {dimension_numbers = #tpu.dot_dimension_numbers<[1], [0], [0], [1], [0, 0, 1, 1], [], []>, transpose_lhs_hint = false} : vector<1000x256xf32>, vector<256x256xf32>, vector<1000x256xf32> -> vector<1000x256xf32>
    %get3A_6 = arith.constant 0 : index
    %get3A_7 = arith.constant 0 : index
    %get3A_8 = vector.load %arg3[%get3A_6, %get3A_7] : memref<1000x1xf32, #tpu.memory_space<vmem>>, vector<1000x1xf32>
    %mul3A = vector.broadcast %get3A_8 : vector<1000x1xf32> to vector<1000x256xf32>
    %mul3A_9 = arith.mulf %dot_general3A_5, %mul3A : vector<1000x256xf32>
    %slice3A = vector.extract_strided_slice %mul3A_9 {offsets = [0, 0], sizes = [1000, 128], strides = [1, 1]} : vector<1000x256xf32> to vector<1000x128xf32>
    %swap3A = arith.constant 0 : index
    %swap3A_10 = arith.constant 0 : index
    %swap3A_11 = vector.load %arg4[%swap3A, %swap3A_10] : memref<1000x128xf32, #tpu.memory_space<vmem>>, vector<1000x128xf32>
    tpu.vector_store %arg4[%swap3A, %swap3A_10], %slice3A {strides = array<i32>} : memref<1000x128xf32, #tpu.memory_space<vmem>>, vector<1000x128xf32>,
    %slice3A_12 = vector.extract_strided_slice %mul3A_9 {offsets = [0, 128], sizes = [1000, 128], strides = [1, 1]} : vector<1000x256xf32> to vector<1000x128xf32>
    %swap3A_13 = arith.constant 0 : index
    %swap3A_14 = arith.constant 0 : index
    %swap3A_15 = vector.load %arg5[%swap3A_13, %swap3A_14] : memref<1000x128xf32, #tpu.memory_space<vmem>>, vector<1000x128xf32>
    tpu.vector_store %arg5[%swap3A_13, %swap3A_14], %slice3A_12 {strides = array<i32>} : memref<1000x128xf32, #tpu.memory_space<vmem>>, vector<1000x128xf32>,
    return
  }
  func.func @transform_0(%arg0: i32) -> (i32, i32) {
    %c0_i32 = arith.constant 0 : i32
    %c0_i32_0 = arith.constant 0 : i32
    return %arg0, %c0_i32 : i32, i32
  }
  func.func @transform_1(%arg0: i32) -> (i32, i32) {
    %c0_i32 = arith.constant 0 : i32
    %c0_i32_0 = arith.constant 0 : i32
    %c0_i32_1 = arith.constant 0 : i32
    return %c0_i32, %c0_i32_0 : i32, i32
  }
  func.func @transform_2(%arg0: i32) -> (i32, i32) {
    %c0_i32 = arith.constant 0 : i32
    %c0_i32_0 = arith.constant 0 : i32
    return %arg0, %c0_i32 : i32, i32
  }
  func.func @transform_3(%arg0: i32) -> (i32, i32) {
    %c0_i32 = arith.constant 0 : i32
    %c0_i32_0 = arith.constant 0 : i32
    return %arg0, %c0_i32 : i32, i32
  }
  func.func @transform_4(%arg0: i32) -> (i32, i32) {
    %c0_i32 = arith.constant 0 : i32
    %c0_i32_0 = arith.constant 0 : i32
    return %arg0, %c0_i32 : i32, i32
  }
}

module attributes {stable_mosaic.version = 14 : i64} {
  func.func @_fin_body(%arg0: i32, %arg1: memref<1000x128xf32, #tpu.memory_space<vmem>>, %arg2: memref<1000x128xf32, #tpu.memory_space<vmem>>, %arg3: memref<1000x1xf32, #tpu.memory_space<vmem>>, %arg4: memref<1x256xf32, #tpu.memory_space<vmem>>, %arg5: memref<1000x256xf32, #tpu.memory_space<vmem>>) attributes {dimension_semantics = [#tpu.dimension_semantics<arbitrary>], iteration_bounds = array<i64: 10>, scalar_prefetch = 0 : i64, scratch_operands = 0 : i64, tpu.core_type = #tpu.core_type<tc>, window_params = [{transform_indices = @transform_0, window_bounds = array<i64: 1000, 128>}, {transform_indices = @transform_1, window_bounds = array<i64: 1000, 128>}, {transform_indices = @transform_2, window_bounds = array<i64: 1000, 1>}, {pipeline_mode = #tpu.pipeline_mode<synchronous>, transform_indices = @transform_3, window_bounds = array<i64: 1, 256>}, {transform_indices = @transform_4, window_bounds = array<i64: 1000, 256>}]} {
    %get3A = arith.constant 0 : index
    %get3A_0 = arith.constant 0 : index
    %get3A_1 = vector.load %arg1[%get3A, %get3A_0] : memref<1000x128xf32, #tpu.memory_space<vmem>>, vector<1000x128xf32>
    %get3A_2 = arith.constant 0 : index
    %get3A_3 = arith.constant 0 : index
    %get3A_4 = vector.load %arg2[%get3A_2, %get3A_3] : memref<1000x128xf32, #tpu.memory_space<vmem>>, vector<1000x128xf32>
    %concatenate3A = tpu.concatenate %get3A_1, %get3A_4 in 1 : vector<1000x128xf32>, vector<1000x128xf32> -> vector<1000x256xf32>
    %get3A_5 = arith.constant 0 : index
    %get3A_6 = arith.constant 0 : index
    %get3A_7 = vector.load %arg3[%get3A_5, %get3A_6] : memref<1000x1xf32, #tpu.memory_space<vmem>>, vector<1000x1xf32>
    %mul3A = vector.broadcast %get3A_7 : vector<1000x1xf32> to vector<1000x256xf32>
    %mul3A_8 = arith.mulf %concatenate3A, %mul3A : vector<1000x256xf32>
    %get3A_9 = arith.constant 0 : index
    %get3A_10 = arith.constant 0 : index
    %get3A_11 = vector.load %arg4[%get3A_9, %get3A_10] : memref<1x256xf32, #tpu.memory_space<vmem>>, vector<1x256xf32>
    %add3A = vector.broadcast %get3A_11 : vector<1x256xf32> to vector<1000x256xf32>
    %add3A_12 = arith.addf %mul3A_8, %add3A : vector<1000x256xf32>
    %max3A = arith.constant 0.000000e+00 : f32
    %max3A_13 = vector.broadcast %max3A : f32 to vector<1000x256xf32>
    %max3A_14 = arith.maximumf %add3A_12, %max3A_13 : vector<1000x256xf32>
    %swap3A = arith.constant 0 : index
    %swap3A_15 = arith.constant 0 : index
    %swap3A_16 = vector.load %arg5[%swap3A, %swap3A_15] : memref<1000x256xf32, #tpu.memory_space<vmem>>, vector<1000x256xf32>
    tpu.vector_store %arg5[%swap3A, %swap3A_15], %max3A_14 {strides = array<i32>} : memref<1000x256xf32, #tpu.memory_space<vmem>>, vector<1000x256xf32>,
    return
  }
  func.func @transform_0(%arg0: i32) -> (i32, i32) {
    %c0_i32 = arith.constant 0 : i32
    %c0_i32_0 = arith.constant 0 : i32
    return %arg0, %c0_i32 : i32, i32
  }
  func.func @transform_1(%arg0: i32) -> (i32, i32) {
    %c0_i32 = arith.constant 0 : i32
    %c0_i32_0 = arith.constant 0 : i32
    return %arg0, %c0_i32 : i32, i32
  }
  func.func @transform_2(%arg0: i32) -> (i32, i32) {
    %c0_i32 = arith.constant 0 : i32
    %c0_i32_0 = arith.constant 0 : i32
    return %arg0, %c0_i32 : i32, i32
  }
  func.func @transform_3(%arg0: i32) -> (i32, i32) {
    %c0_i32 = arith.constant 0 : i32
    %c0_i32_0 = arith.constant 0 : i32
    %c0_i32_1 = arith.constant 0 : i32
    return %c0_i32, %c0_i32_0 : i32, i32
  }
  func.func @transform_4(%arg0: i32) -> (i32, i32) {
    %c0_i32 = arith.constant 0 : i32
    %c0_i32_0 = arith.constant 0 : i32
    return %arg0, %c0_i32 : i32, i32
  }
}

</mosaic_0001>

<sc_bundles>
// kernel: kernel.6.cloned.1.call-start
scs
__scs_entry_jumppad:
0x0: {  	(pc) =	sbr.rel $0x88, $3  }
0x1: {  	(tag) =	ssettag $0x0;
	lr =	simm.s32 $0x1  }
0x2: {  	[smem:$0x3F9D] =	sst lr;
	_ =	strace $0xD0000000  }
0x3: {  	_ = 	snop  }
0x4: {  	_ = 	snop  }
0x5: {  	_ = 	snop  }
0x6: {  	_ = 	snop  }
0x7: {  	_ = 	snop  }
__scs_overlays_trampoline_lowered:
0x8: {  	[smem:$0x3FAC] =	sst s0  }
0x9: {  	[smem:$0x3FAD] =	sst s1  }
0xa: {  	[smem:$0x3FAE] =	sst s2  }
0xb: {  	[smem:$0x3FAF] =	sst s3  }
0xc: {  	[smem:$0x3FB0] =	sst s4  }
0xd: {  	[smem:$0x3FB1] =	sst s5  }
0xe: {  	[smem:$0x3FB2] =	sst s6  }
0xf: {  	[smem:$0x3FB3] =	sst s7  }
0x10: {  	[smem:$0x3FB4] =	sst s8  }
0x11: {  	[smem:$0x3FB5] =	sst s9;
	s0 =	simm.s32 @!p0 $0x0  }
0x12: {  	s1 =	sld [smem:$0x3F9B];
	s0 =	simm.s32 @p0 $0x1  }
0x13: {  	[smem:$0x3FB6] =	sst s0;
	s0 =	simm.s32 @!p1 $0x0  }
0x14: {  	s2 =	sld [smem:$0x3F9A];
	s0 =	simm.s32 @p1 $0x1  }
0x15: {  	[smem:$0x3FB7] =	sst s0;
	s0 =	simm.s32 @!p2 $0x0  }
0x16: {  	s3 =	sld [smem:$0x3FDB];
	s0 =	simm.s32 @p2 $0x1  }
0x17: {  	s4 =	simm.s32 $0x1BF5;
	[smem:$0x3FB9] =	sst s0  }
0x18: {  	s0 =	sld [smem:$0x3F9C];
	_ =	swait.ge [sflag:s4], $0x0  }
0x19: {  	s7 =	sld [smem:$0x3F9D]  }
0x1a: {  	s8 =	sadd.s32 $0xFFFFE003, lr  }
0x1b: {  	s9 =	sadd.s32 $0xFFFFFEF7, lr;
	s5 =	simm.s32 $0xFFFFFFFF;
	p2 =	slt.u32 s8, $0xFFFFF086  }
0x1c: {  	p1 =	slt.u32 s9, $0xF7A;
	s5 =	simm.s32 @!p2 $0x0  }
0x1d: {  	s5 =	simm.s32 @p1 $0x1;
	p0 =	seq.s32 s7, s2  }
0x1e: {  	s7 =	smul.u32 @!p0 $0xF7A, s2;
	p2 =	seq.s32 @!p0 s5, $0x0  }
0x1f: {  	s9 =	smul.u32 $0xF7A, s1;
	s8 =	simm.s32 @!p0 $0x1BF5;
	p2 =	por !p2, p0  }
0x20: {  	[sflag:s8] =	ssyncset.s32 @!p0 $0xFFFFF086;
	s6 =	sadd.s32 @!p0 s3, s7;
	s7 =	simm.s32 @!p0 $0x108  }
0x21: {  	s3 =	sadd.s32 s3, s9;
	s6 =	sadd.s32 @!p0 $0x88, s6;
	s7 =	simm.s32 @p2 $0x1082  }
0x22: {  	[simem:s7], [sflag:s8] =	dma.local @!p0 [hbm:s6], $0xF7A  }
0x23: {  	s9 =	sor.u32 $0xD0000000, s2;
	s6 =	simm.s32 $0x108;
	_ =	swait.ge @!p0 [sflag:s8], $0x0  }
0x24: {  	s3 =	sadd.s32 $0x88, s3;
	s6 =	simm.s32 @!p1 $0x1082;
	[sflag:s4] =	ssyncset.s32 $0xFFFFF086  }
0x25: {  	[simem:s6], [sflag:s4] =	dma.local [hbm:s3], $0xF7A  }
0x26: {  	[smem:$0x3F9D] =	sst s1;
	(tag) =	ssettag s2;
	_ =	strace s9  }
0x27: {  	s1 =	sld [smem:$0x3FAD]  }
0x28: {  	s2 =	sld [smem:$0x3FAE]  }
0x29: {  	s4 =	sld [smem:$0x3FB0]  }
0x2a: {  	p0 =	seq.s32 s5, $0x0;
	s5 =	sld [smem:$0x3FB1]  }
0x2b: {  	s6 =	sld [smem:$0x3FB2]  }
0x2c: {  	s7 =	sld [smem:$0x3FB3]  }
0x2d: {  	s3 =	simm.s32 $0x108;
	s8 =	sld [smem:$0x3FB4]  }
0x2e: {  	s3 =	simm.s32 @!p0 $0x1082;
	s9 =	sld [smem:$0x3FB5]  }
0x2f: {  	lr =	sadd.s32 s0, s3;
	s0 =	sld [smem:$0x3FAC]  }
0x30: {  	s3 =	sld [smem:$0x3FAF]  }
0x31: {  	[smem:$0x3FB8] =	sst s10  }
0x32: {  	s10 =	sld [smem:$0x3FB6];
	_ =	sdelay $0x3  }
0x33: {  	p0 =	seq.s32 s10, $0x1;
	s10 =	sld [smem:$0x3FB8];
	_ =	sdelay $0x3  }
0x34: {  	[smem:$0x3FB8] =	sst s10  }
0x35: {  	s10 =	sld [smem:$0x3FB7];
	_ =	sdelay $0x3  }
0x36: {  	p1 =	seq.s32 s10, $0x1;
	s10 =	sld [smem:$0x3FB8];
	_ =	sdelay $0x3  }
0x37: {  	[smem:$0x3FB8] =	sst s10  }
0x38: {  	s10 =	sld [smem:$0x3FB9]  }
0x39: {  	_ = 	snop;
	(pc) =	sbr.ind lr, $3  }
0x3a: {  	_ = 	snop  }
0x3b: {  	_ = 	snop  }
0x3c: {  	p2 =	seq.s32 s10, $0x1;
	s10 =	sld [smem:$0x3FB8]  }
0x3d: {  	_ =	shalt  }
0x3e: {  	_ =	shalt  }
0x3f: {  	_ =	shalt  }
0x40: {  	_ =	shalt  }
0x41: {  	_ =	shalt  }
0x42: {  	_ =	shalt  }
0x43: {  	_ =	shalt  }
0x44: {  	_ =	shalt  }
0x45: {  	_ =	shalt  }
0x46: {  	_ =	shalt  }
0x47: {  	_ =	shalt  }
0x48: {  	_ =	shalt  }
0x49: {  	_ =	shalt  }
0x4a: {  	_ =	shalt  }
0x4b: {  	_ =	shalt  }
0x4c: {  	_ =	shalt  }
0x4d: {  	_ =	shalt  }
0x4e: {  	_ =	shalt  }
0x4f: {  	_ =	shalt  }
0x50: {  	_ =	shalt  }
0x51: {  	_ =	shalt  }
0x52: {  	_ =	shalt  }
0x53: {  	_ =	shalt  }
0x54: {  	_ =	shalt  }
0x55: {  	_ =	shalt  }
0x56: {  	_ =	shalt  }
0x57: {  	_ =	shalt  }
0x58: {  	_ =	shalt  }
0x59: {  	_ =	shalt  }
0x5a: {  	_ =	shalt  }
0x5b: {  	_ =	shalt  }
0x5c: {  	_ =	shalt  }
0x5d: {  	_ =	shalt  }
0x5e: {  	_ =	shalt  }
0x5f: {  	_ =	shalt  }
0x60: {  	_ =	shalt  }
0x61: {  	_ =	shalt  }
0x62: {  	_ =	shalt  }
0x63: {  	_ =	shalt  }
0x64: {  	_ =	shalt  }
0x65: {  	_ =	shalt  }
0x66: {  	_ =	shalt  }
0x67: {  	_ =	shalt  }
0x68: {  	_ =	shalt  }
0x69: {  	_ =	shalt  }
0x6a: {  	_ =	shalt  }
0x6b: {  	_ =	shalt  }
0x6c: {  	_ =	shalt  }
0x6d: {  	_ =	shalt  }
0x6e: {  	_ =	shalt  }
0x6f: {  	_ =	shalt  }
0x70: {  	_ =	shalt  }
0x71: {  	_ =	shalt  }
0x72: {  	_ =	shalt  }
0x73: {  	_ =	shalt  }
0x74: {  	_ =	shalt  }
0x75: {  	_ =	shalt  }
0x76: {  	_ =	shalt  }
0x77: {  	_ =	shalt  }
0x78: {  	_ =	shalt  }
0x79: {  	_ =	shalt  }
0x7a: {  	_ =	shalt  }
0x7b: {  	_ =	shalt  }
0x7c: {  	_ =	shalt  }
0x7d: {  	_ =	shalt  }
0x7e: {  	_ =	shalt  }
0x7f: {  	_ =	shalt  }
0x80: {  	_ =	shalt  }
0x81: {  	_ =	shalt  }
0x82: {  	_ =	shalt  }
0x83: {  	_ =	shalt  }
0x84: {  	_ =	shalt  }
0x85: {  	_ =	shalt  }
0x86: {  	_ =	shalt  }
0x87: {  	_ =	shalt  }
.Lfunc_end0:
.L_simem_size_0:
called_computation_lowered:
.L_overlay_start_0:
0x88: {  	s2 =	sld [smem:$0x3FD9]  }
0x89: {  	s3 =	sld [smem:$0x3FFE];
	_ =	sdelay $0x1  }
0x8a: {  	s1 =	srdreg.scid  }
0x8b: {  	s0 =	sand.u32 $0x1, s1  }
0x8c: {  	s17 =	sshll.u32 s0, $0xA;
	s2 =	sadd.s32 s3, s2  }
0x8d: {  	s2 =	sadd.s32 s2, s17  }
0x8e: {  	[smem:$0x3FC4] =	sst s2  }
0x8f: {  	_ = 	snop  }
0x90: {  	s2 =	sld [smem:$0x3FD0];
	(tm) =	ssettm $0x1  }
0x91: {  	s18 =	sld [smem:$0x3FFB];
	_ =	sdelay $0x3  }
0x92: {  	_ =	strace s18  }
0x93: {  	s3 =	sld [smem:$0x3FFC];
	_ =	sdelay $0x3  }
0x94: {  	_ =	strace s3  }
0x95: {  	s3 =	sld [smem:$0x3FFD];
	_ =	sdelay $0x3  }
0x96: {  	_ =	strace s3  }
0x97: {  	_ =	strace $0x8FFFFFFF  }
0x98: {  	s19 =	sld [smem:$0x3FDB];
	_ =	sdelay $0x1  }
0x99: {  	s4 =	simm.s32 $_scs_section_size  }
0x9a: {  	s5 =	simm.s32 $_size__tile_overlayer_lowered;
	s6 =	simm.s32 $_tile_overlayer_lowered  }
0x9b: {  	s22 =	simm.s32 $0x1BFF;
	s21 =	sshll.u32 s6, $0x1;
	s3 =	sadd.s32 s4, s19  }
0x9c: {  	s7 =	simm.s32 $0x0;
	s20 =	sshll.u32 s5, $0x1;
	s5 =	sadd.s32 s21, s3  }
0x9d: {  	[timem:s7], [sflag:s22] =	dma.local [hbm:s5], s20  }
0x9e: {  	_ =	swait.ge [sflag:s22], s20  }
0x9f: {  	s4 =	ssub.s32 $0x0, s20;
	[sflag:s22] =	ssyncset.done $0x0  }
0xa0: {  	[sflag:s22] =	ssyncadd.s32 s4;
	_ =	sdelay $0x1  }
0xa1: {  	s23 =	simm.s32 $0x1B8B  }
0xa2: {  	_ =	swait.ge [sflag:s23], $0x1  }
0xa3: {  	[sflag:s23] =	ssyncset.done $0x0  }
0xa4: {  	s25 =	simm.s32 $0x1B8E;
	s24 =	sld [smem:$0x3FFE];
	[sflag:s23] =	ssyncadd.s32 $0xFFFFFFFF  }
0xa5: {  	s26 =	simm.s32 $execute0_lowered;
	[smem:$0x3FD2] =	sst s25  }
0xa6: {  	s5 =	sshll.u32 s26, $0x1;
	_ =	strace $0x80000046;
	[dreg:$0x1] =	wrdreg $0xFFFFFFFF  }
0xa7: {  	s28 =	simm.s32 $_size_execute0_lowered;
	s3 =	sadd.s32 s3, s5;
	[dreg:$0x0] =	wrdreg $0x0  }
0xa8: {  	s5 =	sshll.u32 s28, $0x1;
	[dreg:$0x2] =	wrdreg s3  }
0xa9: {  	[dreg:$0x3] =	wrdreg s5  }
0xaa: {  	[dreg:$0x4] =	wrdreg $0xC0  }
0xab: {  	_ =	task [dreg:s7], $0x5FFFF  }
0xac: {  	[dreg:$0x1] =	wrdreg $0xFFFFFFFF  }
0xad: {  	[dreg:$0x0] =	wrdreg $0x60  }
0xae: {  	[dreg:$0x2] =	wrdreg s2  }
0xaf: {  	[dreg:$0x3] =	wrdreg s24  }
0xb0: {  	[dreg:$0x4] =	wrdreg $0x55800  }
0xb1: {  	[dreg:$0x5] =	wrdreg $0x9  }
0xb2: {  	_ =	task.clear_ibuf [dreg:s7], $0x6FFFF;
	_ =	strace $0x90000046  }
0xb3: {  	s29 =	simm.s32 $0x9;
	_ =	strace $0x80000048  }
0xb4: {  	_ =	swait.ge [sflag:s29], $0x1  }
0xb5: {  	[sflag:s29] =	ssyncadd.s32 $0xFFFFFFFF  }
0xb6: {  	_ =	strace $0x90000048  }
0xb7: {  	_ =	sfence  }
0xb8: {  	s30 =	sld [smem:$0x0];
	_ =	sdelay $0x2  }
0xb9: {  	s31 =	sshll.u32 s1, $0xD;
	s1 =	sshrl.u32 s1, $0x2  }
0xba: {  	s3 =	sand.u32 $0x4000, s31;
	s1 =	sadd.s32 s1, s30  }
0xbb: {  	s0 =	sor.u32 s3, s0;
	s1 =	sshll.u32 s1, $0x11  }
0xbc: {  	s0 =	sor.u32 s1, s0  }
0xbd: {  	s0 =	sadd.s32 $0x8F2B, s0  }
0xbe: {  	[sflag:s0] =	ssyncadd.remote.s32 $0x1  }
0xbf: {  	_ =	sfence.sel $0xFFFF  }
0xc0: {  	[dreg:$0x0] =	wrdreg $0xFFFFFFFF;
	(pc) =	sbr.abs _section_cstart, $3  }
0xc1: {  	[dreg:$0x1] =	wrdreg $0xFFFFFFFF  }
0xc2: {  	_ =	task.clear_ibuf [dreg:s7], $0x2FFFF;
	_ =	strace $0x9FFFFFFF  }
0xc3: {  	(tm) =	ssettm $0x7FFFFFFF  }
tec
execute0_lowered:
.L_overlay_start_1:
0x0: {  	(tag) =	ssettag $0x1  }
0x1: {  	s0 =	rddreg [dreg:$0x0]  }
0x2: {  	s1 =	rddreg [dreg:$0x1]  }
0x3: {  	s3 =	rddreg [dreg:$0x2];
	s2 =	simm.s32 $0x0;
	s9 =	stileid.u32  }
0x4: {  	s4 =	srdreg.scid;
	s28 =	simm.s32 $0x5080;
	s29 =	simm.s32 $0x5300  }
0x5: {  	s30 =	simm.s32 $0x0;
	s5 =	smul.u32 $0x50, s9;
	s24 =	sand.u32 $0x1, s4  }
0x6: {  	s25 =	sshrl.u32 s9, $0x3;
	[smem:$0x7FF] =	sst s2;
	s8 =	smul.u32 $0x5000, s9  }
0x7: {  	s23 =	smul.u32 $0x500, s9;
	s26 =	sshll.u32 s9, $0x7;
	s4 =	ssub.s32 $0x2, s24  }
0x8: {  	s6 =	smul.u32 $0x51000, s25;
	_ =	strace $0x80000047;
	p0 =	sne.s32 s25, s24  }
0x9: {  	s24 =	simm.s32 $0x1;
	s25 =	simm.s32 $0x80;
	s7 =	sshrl.u32 s4, $0x1  }
0xa: {  	s1 =	sadd.s32 s5, s1;
	s31 =	sshrl.u32 s8, $0x2;
	s5 =	sand.u32 $0x380, s26  }
0xb: {  	s26 =	simm.s32 $0x400;
	s22 =	ssub.s32 s4, s7;
	s6 =	sshrl.u32 s6, $0x2  }
0xc: {  	s4 =	sadd.s32 s0, s23;
	s21 =	sadd.s32 $0x6200, s1;
	s6 =	sadd.s32 s6, s3  }
0xd: {  	s3 =	sadd.s32 s31, s3;
	s22 =	smax.u32 s22, $0x1;
	s5 =	sadd.s32 s5, s6  }
0xe: {  	s6 =	sadd.s32 $0x80, s3;
	s7 =	sadd.s32 $0x100, s3;
	s8 =	sadd.s32 $0x180, s3  }
0xf: {  	s9 =	sadd.s32 $0x200, s3;
	s10 =	sadd.s32 $0x280, s3;
	s11 =	sadd.s32 $0x300, s3  }
0x10: {  	s12 =	sadd.s32 $0x380, s3;
	s13 =	sadd.s32 $0x14400, s3;
	s14 =	sadd.s32 $0x14480, s3  }
0x11: {  	s15 =	sadd.s32 $0x14500, s3;
	s16 =	sadd.s32 $0x14580, s3;
	s17 =	sadd.s32 $0x14600, s3  }
0x12: {  	v0 =	vimm.f32 $0.0e+00;
	v1 =	vimm.f32 $1.000000000e+00;
	s18 =	sadd.s32 $0x14680, s3;
	s19 =	sadd.s32 $0x14700, s3;
	s20 =	sadd.s32 $0x14780, s3  }
.LBB2_1:
0x13: {  	s0 =	simm.s32 $0x40;
	s1 =	simm.s32 $0x0  }
.LBB2_2:
0x14: {  	p1 =	sne.s32 s0, $0xA000;
	[tilespmem:s1+$0x0] =	vst v0;
	s1 =	smov.u32 s0;
	s0 =	sadd.s32 $0x40, s0  }
.Ltmp0:
0x15: {  	(pc) =	sbr.rel @p1 .LBB2_2-.Ltmp0, $2  }
0x16: {  	_ =	sdelay $0x2  }
0x17: {  	s1 =	sshra.s32 s1, $0x2  }
0x18: {  	[tilespmem:s1+$0x0] =	vst v0;
	s0 =	simm.s32 $0x0;
	s31 =	simm.s32 $0x2880  }
0x19: {  	[tilespmem:s31], [sflag:$0x1] =	stream.linear.gather [hbm4b:s4+s0], $0x2800, $0x38;
	[tilespmem:$0x7D90] =	vst v63  }
0x1a: {  	_ =	swait.ge [sflag:s24], $0x2800  }
0x1b: {  	[sflag:s24] =	ssyncset.done $0x0  }
0x1c: {  	s1 =	simm.s32 $0x0;
	s0 =	simm.s32 $0x40;
	[sflag:s24] =	ssyncadd.s32 $0xFFFFD800  }
.LBB2_4:
0x1d: {  	p1 =	sne.s32 s0, $0x9FC0;
	v2 =	vld [tilespmem:s1+$0x2880];
	_ =	sdelay $0x3  }
.Ltmp1:
0x1e: {  	(pc) =	sbr.rel @p1 .LBB2_4-.Ltmp1, $2  }
0x1f: {  	_ =	sdelay $0x2  }
0x20: {  	s1 =	sshra.s32 s0, $0x2;
	s0 =	sadd.s32 $0x40, s0;
	[tilespmem:v2+s2+$0x0] =	vst.idx.add.f32.msk $0xffff, v1  }
0x21: {  	v2 =	vld [tilespmem:s1+$0x2880];
	_ =	sdelay $0x7  }
0x22: {  	s0 =	simm.s32 $0x0;
	[tilespmem:v2+s2+$0x0] =	vst.idx.add.f32.msk $0xffff, v1  }
0x23: {  	[spmem:s5] =	stream.strided.scatter [tilespmem:s0], [sflag:$0x1], $0x2880, s26, s25, $0x38;
	[tilespmem:$0x7D90] =	vst v63  }
0x24: {  	_ =	swait.ge [sflag:s24], $0x2880  }
0x25: {  	[sflag:s24] =	ssyncset.done $0x0  }
0x26: {  	[sflag:s24] =	ssyncadd.s32 $0xFFFFD780  }
0x27: {  	[bflag:$0x0] =	sbarrier.arrive $0xFFFF  }
0x28: {  	[tilespmem:s28], [sflag:$0x1] =	stream.strided.gather [spmem:s3], $0x280, s26, s25, $0x38;
	[tilespmem:$0x7D90] =	vst v63  }
0x29: {  	_ =	swait.ge [sflag:s24], $0x280  }
0x2a: {  	[sflag:s24] =	ssyncset.done $0x0  }
0x2b: {  	[sflag:s24] =	ssyncadd.s32 $0xFFFFFD80  }
0x2c: {  	[tilespmem:s29], [sflag:$0x1] =	stream.strided.gather [spmem:s6], $0x280, s26, s25, $0x38;
	[tilespmem:$0x7D90] =	vst v63  }
0x2d: {  	_ =	swait.ge [sflag:s24], $0x280  }
0x2e: {  	[sflag:s24] =	ssyncset.done $0x0  }
0x2f: {  	s0 =	simm.s32 $0x0;
	[sflag:s24] =	ssyncadd.s32 $0xFFFFFD80  }
0x30: {  	s1 =	simm.s32 $0x40;
	v2 =	vld [tilespmem:s0+$0x5300]  }
.LBB2_6:
0x31: {  	p1 =	sne.s32 s1, $0x9C0;
	v3 =	vld [tilespmem:s0+$0x5080];
	_ =	sdelay $0x2  }
.Ltmp2:
0x32: {  	(pc) =	sbr.rel @p1 .LBB2_6-.Ltmp2, $4  }
0x33: {  	_ = 	snop  }
0x34: {  	v3 =	vadd.f32 v2, v3  }
0x35: {  	s31 =	sshra.s32 s1, $0x2  }
0x36: {  	s1 =	sadd.s32 $0x40, s1;
	v2 =	vld [tilespmem:s31+$0x5300];
	[tilespmem:s0+$0x5080] =	vst v3;
	s0 =	smov.u32 s31  }
0x37: {  	v3 =	vld [tilespmem:s0+$0x5080];
	_ =	sdelay $0x4  }
0x38: {  	v2 =	vadd.f32 v2, v3;
	_ =	sdelay $0x1  }
0x39: {  	[tilespmem:s0+$0x5080] =	vst v2  }
0x3a: {  	[tilespmem:s29], [sflag:$0x1] =	stream.strided.gather [spmem:s7], $0x280, s26, s25, $0x38;
	[tilespmem:$0x7D90] =	vst v63  }
0x3b: {  	_ =	swait.ge [sflag:s24], $0x280  }
0x3c: {  	[sflag:s24] =	ssyncset.done $0x0  }
0x3d: {  	s0 =	simm.s32 $0x0;
	[sflag:s24] =	ssyncadd.s32 $0xFFFFFD80  }
0x3e: {  	s1 =	simm.s32 $0x40;
	v2 =	vld [tilespmem:s0+$0x5300]  }
.LBB2_8:
0x3f: {  	p1 =	sne.s32 s1, $0x9C0;
	v3 =	vld [tilespmem:s0+$0x5080];
	_ =	sdelay $0x2  }
.Ltmp3:
0x40: {  	(pc) =	sbr.rel @p1 .LBB2_8-.Ltmp3, $4  }
0x41: {  	_ = 	snop  }
0x42: {  	v3 =	vadd.f32 v2, v3  }
0x43: {  	s31 =	sshra.s32 s1, $0x2  }
0x44: {  	s1 =	sadd.s32 $0x40, s1;
	v2 =	vld [tilespmem:s31+$0x5300];
	[tilespmem:s0+$0x5080] =	vst v3;
	s0 =	smov.u32 s31  }
0x45: {  	v3 =	vld [tilespmem:s0+$0x5080];
	_ =	sdelay $0x4  }
0x46: {  	v2 =	vadd.f32 v2, v3;
	_ =	sdelay $0x1  }
0x47: {  	[tilespmem:s0+$0x5080] =	vst v2  }
0x48: {  	[tilespmem:s29], [sflag:$0x1] =	stream.strided.gather [spmem:s8], $0x280, s26, s25, $0x38;
	[tilespmem:$0x7D90] =	vst v63  }
0x49: {  	_ =	swait.ge [sflag:s24], $0x280  }
0x4a: {  	[sflag:s24] =	ssyncset.done $0x0  }
0x4b: {  	s0 =	simm.s32 $0x0;
	[sflag:s24] =	ssyncadd.s32 $0xFFFFFD80  }
0x4c: {  	s1 =	simm.s32 $0x40;
	v2 =	vld [tilespmem:s0+$0x5300]  }
.LBB2_10:
0x4d: {  	p1 =	sne.s32 s1, $0x9C0;
	v3 =	vld [tilespmem:s0+$0x5080];
	_ =	sdelay $0x2  }
.Ltmp4:
0x4e: {  	(pc) =	sbr.rel @p1 .LBB2_10-.Ltmp4, $4  }
0x4f: {  	_ = 	snop  }
0x50: {  	v3 =	vadd.f32 v2, v3  }
0x51: {  	s31 =	sshra.s32 s1, $0x2  }
0x52: {  	s1 =	sadd.s32 $0x40, s1;
	v2 =	vld [tilespmem:s31+$0x5300];
	[tilespmem:s0+$0x5080] =	vst v3;
	s0 =	smov.u32 s31  }
0x53: {  	v3 =	vld [tilespmem:s0+$0x5080];
	_ =	sdelay $0x4  }
0x54: {  	v2 =	vadd.f32 v2, v3;
	_ =	sdelay $0x1  }
0x55: {  	[tilespmem:s0+$0x5080] =	vst v2  }
0x56: {  	[tilespmem:s29], [sflag:$0x1] =	stream.strided.gather [spmem:s9], $0x280, s26, s25, $0x38;
	[tilespmem:$0x7D90] =	vst v63  }
0x57: {  	_ =	swait.ge [sflag:s24], $0x280  }
0x58: {  	[sflag:s24] =	ssyncset.done $0x0  }
0x59: {  	s0 =	simm.s32 $0x0;
	[sflag:s24] =	ssyncadd.s32 $0xFFFFFD80  }
0x5a: {  	s1 =	simm.s32 $0x40;
	v2 =	vld [tilespmem:s0+$0x5300]  }
.LBB2_12:
0x5b: {  	p1 =	sne.s32 s1, $0x9C0;
	v3 =	vld [tilespmem:s0+$0x5080];
	_ =	sdelay $0x2  }
.Ltmp5:
0x5c: {  	(pc) =	sbr.rel @p1 .LBB2_12-.Ltmp5, $4  }
0x5d: {  	_ = 	snop  }
0x5e: {  	v3 =	vadd.f32 v2, v3  }
0x5f: {  	s31 =	sshra.s32 s1, $0x2  }
0x60: {  	s1 =	sadd.s32 $0x40, s1;
	v2 =	vld [tilespmem:s31+$0x5300];
	[tilespmem:s0+$0x5080] =	vst v3;
	s0 =	smov.u32 s31  }
0x61: {  	v3 =	vld [tilespmem:s0+$0x5080];
	_ =	sdelay $0x4  }
0x62: {  	v2 =	vadd.f32 v2, v3;
	_ =	sdelay $0x1  }
0x63: {  	[tilespmem:s0+$0x5080] =	vst v2  }
0x64: {  	[tilespmem:s29], [sflag:$0x1] =	stream.strided.gather [spmem:s10], $0x280, s26, s25, $0x38;
	[tilespmem:$0x7D90] =	vst v63  }
0x65: {  	_ =	swait.ge [sflag:s24], $0x280  }
0x66: {  	[sflag:s24] =	ssyncset.done $0x0  }
0x67: {  	s0 =	simm.s32 $0x0;
	[sflag:s24] =	ssyncadd.s32 $0xFFFFFD80  }
0x68: {  	s1 =	simm.s32 $0x40;
	v2 =	vld [tilespmem:s0+$0x5300]  }
.LBB2_14:
0x69: {  	p1 =	sne.s32 s1, $0x9C0;
	v3 =	vld [tilespmem:s0+$0x5080];
	_ =	sdelay $0x2  }
.Ltmp6:
0x6a: {  	(pc) =	sbr.rel @p1 .LBB2_14-.Ltmp6, $4  }
0x6b: {  	_ = 	snop  }
0x6c: {  	v3 =	vadd.f32 v2, v3  }
0x6d: {  	s31 =	sshra.s32 s1, $0x2  }
0x6e: {  	s1 =	sadd.s32 $0x40, s1;
	v2 =	vld [tilespmem:s31+$0x5300];
	[tilespmem:s0+$0x5080] =	vst v3;
	s0 =	smov.u32 s31  }
0x6f: {  	v3 =	vld [tilespmem:s0+$0x5080];
	_ =	sdelay $0x4  }
0x70: {  	v2 =	vadd.f32 v2, v3;
	_ =	sdelay $0x1  }
0x71: {  	[tilespmem:s0+$0x5080] =	vst v2  }
0x72: {  	[tilespmem:s29], [sflag:$0x1] =	stream.strided.gather [spmem:s11], $0x280, s26, s25, $0x38;
	[tilespmem:$0x7D90] =	vst v63  }
0x73: {  	_ =	swait.ge [sflag:s24], $0x280  }
0x74: {  	[sflag:s24] =	ssyncset.done $0x0  }
0x75: {  	s0 =	simm.s32 $0x0;
	[sflag:s24] =	ssyncadd.s32 $0xFFFFFD80  }
0x76: {  	s1 =	simm.s32 $0x40;
	v2 =	vld [tilespmem:s0+$0x5300]  }
.LBB2_16:
0x77: {  	p1 =	sne.s32 s1, $0x9C0;
	v3 =	vld [tilespmem:s0+$0x5080];
	_ =	sdelay $0x2  }
.Ltmp7:
0x78: {  	(pc) =	sbr.rel @p1 .LBB2_16-.Ltmp7, $4  }
0x79: {  	_ = 	snop  }
0x7a: {  	v3 =	vadd.f32 v2, v3  }
0x7b: {  	s31 =	sshra.s32 s1, $0x2  }
0x7c: {  	s1 =	sadd.s32 $0x40, s1;
	v2 =	vld [tilespmem:s31+$0x5300];
	[tilespmem:s0+$0x5080] =	vst v3;
	s0 =	smov.u32 s31  }
0x7d: {  	v3 =	vld [tilespmem:s0+$0x5080];
	_ =	sdelay $0x4  }
0x7e: {  	v2 =	vadd.f32 v2, v3;
	_ =	sdelay $0x1  }
0x7f: {  	[tilespmem:s0+$0x5080] =	vst v2  }
0x80: {  	[tilespmem:s29], [sflag:$0x1] =	stream.strided.gather [spmem:s12], $0x280, s26, s25, $0x38;
	[tilespmem:$0x7D90] =	vst v63  }
0x81: {  	_ =	swait.ge [sflag:s24], $0x280  }
0x82: {  	[sflag:s24] =	ssyncset.done $0x0  }
0x83: {  	s0 =	simm.s32 $0x0;
	[sflag:s24] =	ssyncadd.s32 $0xFFFFFD80  }
0x84: {  	s1 =	simm.s32 $0x40;
	v2 =	vld [tilespmem:s0+$0x5300]  }
.LBB2_18:
0x85: {  	p1 =	sne.s32 s1, $0x9C0;
	v3 =	vld [tilespmem:s0+$0x5080];
	_ =	sdelay $0x2  }
.Ltmp8:
0x86: {  	(pc) =	sbr.rel @p1 .LBB2_18-.Ltmp8, $4  }
0x87: {  	_ = 	snop  }
0x88: {  	v3 =	vadd.f32 v2, v3  }
0x89: {  	s31 =	sshra.s32 s1, $0x2  }
0x8a: {  	s1 =	sadd.s32 $0x40, s1;
	v2 =	vld [tilespmem:s31+$0x5300];
	[tilespmem:s0+$0x5080] =	vst v3;
	s0 =	smov.u32 s31  }
0x8b: {  	v3 =	vld [tilespmem:s0+$0x5080];
	_ =	sdelay $0x4  }
0x8c: {  	v2 =	vadd.f32 v2, v3;
	_ =	sdelay $0x1  }
0x8d: {  	[tilespmem:s0+$0x5080] =	vst v2  }
0x8e: {  	[tilespmem:s29], [sflag:$0x1] =	stream.strided.gather [spmem:s13], $0x280, s26, s25, $0x38;
	[tilespmem:$0x7D90] =	vst v63  }
0x8f: {  	_ =	swait.ge [sflag:s24], $0x280  }
0x90: {  	[sflag:s24] =	ssyncset.done $0x0  }
0x91: {  	s0 =	simm.s32 $0x0;
	[sflag:s24] =	ssyncadd.s32 $0xFFFFFD80  }
0x92: {  	s1 =	simm.s32 $0x40;
	v2 =	vld [tilespmem:s0+$0x5300]  }
.LBB2_20:
0x93: {  	p1 =	sne.s32 s1, $0x9C0;
	v3 =	vld [tilespmem:s0+$0x5080];
	_ =	sdelay $0x2  }
.Ltmp9:
0x94: {  	(pc) =	sbr.rel @p1 .LBB2_20-.Ltmp9, $4  }
0x95: {  	_ = 	snop  }
0x96: {  	v3 =	vadd.f32 v2, v3  }
0x97: {  	s31 =	sshra.s32 s1, $0x2  }
0x98: {  	s1 =	sadd.s32 $0x40, s1;
	v2 =	vld [tilespmem:s31+$0x5300];
	[tilespmem:s0+$0x5080] =	vst v3;
	s0 =	smov.u32 s31  }
0x99: {  	v3 =	vld [tilespmem:s0+$0x5080];
	_ =	sdelay $0x4  }
0x9a: {  	v2 =	vadd.f32 v2, v3;
	_ =	sdelay $0x1  }
0x9b: {  	[tilespmem:s0+$0x5080] =	vst v2  }
0x9c: {  	[tilespmem:s29], [sflag:$0x1] =	stream.strided.gather [spmem:s14], $0x280, s26, s25, $0x38;
	[tilespmem:$0x7D90] =	vst v63  }
0x9d: {  	_ =	swait.ge [sflag:s24], $0x280  }
0x9e: {  	[sflag:s24] =	ssyncset.done $0x0  }
0x9f: {  	s0 =	simm.s32 $0x0;
	[sflag:s24] =	ssyncadd.s32 $0xFFFFFD80  }
0xa0: {  	s1 =	simm.s32 $0x40;
	v2 =	vld [tilespmem:s0+$0x5300]  }
.LBB2_22:
0xa1: {  	p1 =	sne.s32 s1, $0x9C0;
	v3 =	vld [tilespmem:s0+$0x5080];
	_ =	sdelay $0x2  }
.Ltmp10:
0xa2: {  	(pc) =	sbr.rel @p1 .LBB2_22-.Ltmp10, $4  }
0xa3: {  	_ = 	snop  }
0xa4: {  	v3 =	vadd.f32 v2, v3  }
0xa5: {  	s31 =	sshra.s32 s1, $0x2  }
0xa6: {  	s1 =	sadd.s32 $0x40, s1;
	v2 =	vld [tilespmem:s31+$0x5300];
	[tilespmem:s0+$0x5080] =	vst v3;
	s0 =	smov.u32 s31  }
0xa7: {  	v3 =	vld [tilespmem:s0+$0x5080];
	_ =	sdelay $0x4  }
0xa8: {  	v2 =	vadd.f32 v2, v3;
	_ =	sdelay $0x1  }
0xa9: {  	[tilespmem:s0+$0x5080] =	vst v2  }
0xaa: {  	[tilespmem:s29], [sflag:$0x1] =	stream.strided.gather [spmem:s15], $0x280, s26, s25, $0x38;
	[tilespmem:$0x7D90] =	vst v63  }
0xab: {  	_ =	swait.ge [sflag:s24], $0x280  }
0xac: {  	[sflag:s24] =	ssyncset.done $0x0  }
0xad: {  	s0 =	simm.s32 $0x0;
	[sflag:s24] =	ssyncadd.s32 $0xFFFFFD80  }
0xae: {  	s1 =	simm.s32 $0x40;
	v2 =	vld [tilespmem:s0+$0x5300]  }
.LBB2_24:
0xaf: {  	p1 =	sne.s32 s1, $0x9C0;
	v3 =	vld [tilespmem:s0+$0x5080];
	_ =	sdelay $0x2  }
.Ltmp11:
0xb0: {  	(pc) =	sbr.rel @p1 .LBB2_24-.Ltmp11, $4  }
0xb1: {  	_ = 	snop  }
0xb2: {  	v3 =	vadd.f32 v2, v3  }
0xb3: {  	s31 =	sshra.s32 s1, $0x2  }
0xb4: {  	s1 =	sadd.s32 $0x40, s1;
	v2 =	vld [tilespmem:s31+$0x5300];
	[tilespmem:s0+$0x5080] =	vst v3;
	s0 =	smov.u32 s31  }
0xb5: {  	v3 =	vld [tilespmem:s0+$0x5080];
	_ =	sdelay $0x4  }
0xb6: {  	v2 =	vadd.f32 v2, v3;
	_ =	sdelay $0x1  }
0xb7: {  	[tilespmem:s0+$0x5080] =	vst v2  }
0xb8: {  	[tilespmem:s29], [sflag:$0x1] =	stream.strided.gather [spmem:s16], $0x280, s26, s25, $0x38;
	[tilespmem:$0x7D90] =	vst v63  }
0xb9: {  	_ =	swait.ge [sflag:s24], $0x280  }
0xba: {  	[sflag:s24] =	ssyncset.done $0x0  }
0xbb: {  	s0 =	simm.s32 $0x0;
	[sflag:s24] =	ssyncadd.s32 $0xFFFFFD80  }
0xbc: {  	s1 =	simm.s32 $0x40;
	v2 =	vld [tilespmem:s0+$0x5300]  }
.LBB2_26:
0xbd: {  	p1 =	sne.s32 s1, $0x9C0;
	v3 =	vld [tilespmem:s0+$0x5080];
	_ =	sdelay $0x2  }
.Ltmp12:
0xbe: {  	(pc) =	sbr.rel @p1 .LBB2_26-.Ltmp12, $4  }
0xbf: {  	_ = 	snop  }
0xc0: {  	v3 =	vadd.f32 v2, v3  }
0xc1: {  	s31 =	sshra.s32 s1, $0x2  }
0xc2: {  	s1 =	sadd.s32 $0x40, s1;
	v2 =	vld [tilespmem:s31+$0x5300];
	[tilespmem:s0+$0x5080] =	vst v3;
	s0 =	smov.u32 s31  }
0xc3: {  	v3 =	vld [tilespmem:s0+$0x5080];
	_ =	sdelay $0x4  }
0xc4: {  	v2 =	vadd.f32 v2, v3;
	_ =	sdelay $0x1  }
0xc5: {  	[tilespmem:s0+$0x5080] =	vst v2  }
0xc6: {  	[tilespmem:s29], [sflag:$0x1] =	stream.strided.gather [spmem:s17], $0x280, s26, s25, $0x38;
	[tilespmem:$0x7D90] =	vst v63  }
0xc7: {  	_ =	swait.ge [sflag:s24], $0x280  }
0xc8: {  	[sflag:s24] =	ssyncset.done $0x0  }
0xc9: {  	s0 =	simm.s32 $0x0;
	[sflag:s24] =	ssyncadd.s32 $0xFFFFFD80  }
0xca: {  	s1 =	simm.s32 $0x40;
	v2 =	vld [tilespmem:s0+$0x5300]  }
.LBB2_28:
0xcb: {  	p1 =	sne.s32 s1, $0x9C0;
	v3 =	vld [tilespmem:s0+$0x5080];
	_ =	sdelay $0x2  }
.Ltmp13:
0xcc: {  	(pc) =	sbr.rel @p1 .LBB2_28-.Ltmp13, $4  }
0xcd: {  	_ = 	snop  }
0xce: {  	v3 =	vadd.f32 v2, v3  }
0xcf: {  	s31 =	sshra.s32 s1, $0x2  }
0xd0: {  	s1 =	sadd.s32 $0x40, s1;
	v2 =	vld [tilespmem:s31+$0x5300];
	[tilespmem:s0+$0x5080] =	vst v3;
	s0 =	smov.u32 s31  }
0xd1: {  	v3 =	vld [tilespmem:s0+$0x5080];
	_ =	sdelay $0x4  }
0xd2: {  	v2 =	vadd.f32 v2, v3;
	_ =	sdelay $0x1  }
0xd3: {  	[tilespmem:s0+$0x5080] =	vst v2  }
0xd4: {  	[tilespmem:s29], [sflag:$0x1] =	stream.strided.gather [spmem:s18], $0x280, s26, s25, $0x38;
	[tilespmem:$0x7D90] =	vst v63  }
0xd5: {  	_ =	swait.ge [sflag:s24], $0x280  }
0xd6: {  	[sflag:s24] =	ssyncset.done $0x0  }
0xd7: {  	s0 =	simm.s32 $0x0;
	[sflag:s24] =	ssyncadd.s32 $0xFFFFFD80  }
0xd8: {  	s1 =	simm.s32 $0x40;
	v2 =	vld [tilespmem:s0+$0x5300]  }
.LBB2_30:
0xd9: {  	p1 =	sne.s32 s1, $0x9C0;
	v3 =	vld [tilespmem:s0+$0x5080];
	_ =	sdelay $0x2  }
.Ltmp14:
0xda: {  	(pc) =	sbr.rel @p1 .LBB2_30-.Ltmp14, $4  }
0xdb: {  	_ = 	snop  }
0xdc: {  	v3 =	vadd.f32 v2, v3  }
0xdd: {  	s31 =	sshra.s32 s1, $0x2  }
0xde: {  	s1 =	sadd.s32 $0x40, s1;
	v2 =	vld [tilespmem:s31+$0x5300];
	[tilespmem:s0+$0x5080] =	vst v3;
	s0 =	smov.u32 s31  }
0xdf: {  	v3 =	vld [tilespmem:s0+$0x5080];
	_ =	sdelay $0x4  }
0xe0: {  	v2 =	vadd.f32 v2, v3;
	_ =	sdelay $0x1  }
0xe1: {  	[tilespmem:s0+$0x5080] =	vst v2  }
0xe2: {  	[tilespmem:s29], [sflag:$0x1] =	stream.strided.gather [spmem:s19], $0x280, s26, s25, $0x38;
	[tilespmem:$0x7D90] =	vst v63  }
0xe3: {  	_ =	swait.ge [sflag:s24], $0x280  }
0xe4: {  	[sflag:s24] =	ssyncset.done $0x0  }
0xe5: {  	s0 =	simm.s32 $0x0;
	[sflag:s24] =	ssyncadd.s32 $0xFFFFFD80  }
0xe6: {  	s1 =	simm.s32 $0x40;
	v2 =	vld [tilespmem:s0+$0x5300]  }
.LBB2_32:
0xe7: {  	p1 =	sne.s32 s1, $0x9C0;
	v3 =	vld [tilespmem:s0+$0x5080];
	_ =	sdelay $0x2  }
.Ltmp15:
0xe8: {  	(pc) =	sbr.rel @p1 .LBB2_32-.Ltmp15, $4  }
0xe9: {  	_ = 	snop  }
0xea: {  	v3 =	vadd.f32 v2, v3  }
0xeb: {  	s31 =	sshra.s32 s1, $0x2  }
0xec: {  	s1 =	sadd.s32 $0x40, s1;
	v2 =	vld [tilespmem:s31+$0x5300];
	[tilespmem:s0+$0x5080] =	vst v3;
	s0 =	smov.u32 s31  }
0xed: {  	v3 =	vld [tilespmem:s0+$0x5080];
	_ =	sdelay $0x4  }
0xee: {  	v2 =	vadd.f32 v2, v3;
	_ =	sdelay $0x1  }
0xef: {  	[tilespmem:s0+$0x5080] =	vst v2  }
0xf0: {  	[tilespmem:s29], [sflag:$0x1] =	stream.strided.gather [spmem:s20], $0x280, s26, s25, $0x38;
	[tilespmem:$0x7D90] =	vst v63  }
0xf1: {  	_ =	swait.ge [sflag:s24], $0x280  }
0xf2: {  	[sflag:s24] =	ssyncset.done $0x0  }
0xf3: {  	s31 =	simm.s32 $0x0;
	[sflag:s24] =	ssyncadd.s32 $0xFFFFFD80  }
0xf4: {  	s1 =	simm.s32 $0x40;
	s0 =	simm.s32 $0x0;
	v2 =	vld [tilespmem:s31+$0x5300]  }
.LBB2_34:
0xf5: {  	p1 =	sne.s32 s1, $0x9C0;
	v3 =	vld [tilespmem:s0+$0x5080];
	_ =	sdelay $0x2  }
.Ltmp16:
0xf6: {  	(pc) =	sbr.rel @p1 .LBB2_34-.Ltmp16, $4  }
0xf7: {  	_ = 	snop  }
0xf8: {  	v3 =	vadd.f32 v2, v3  }
0xf9: {  	s23 =	sshra.s32 s1, $0x2  }
0xfa: {  	s1 =	sadd.s32 $0x40, s1;
	v2 =	vld [tilespmem:s23+$0x5300];
	[tilespmem:s0+$0x5080] =	vst v3;
	s0 =	smov.u32 s23  }
0xfb: {  	v3 =	vld [tilespmem:s0+$0x5080];
	_ =	sdelay $0x4  }
0xfc: {  	v2 =	vadd.f32 v2, v3;
	_ =	sdelay $0x1  }
0xfd: {  	[tilespmem:s0+$0x5080] =	vst v2;
	s0 =	simm.s32 $0x40  }
.LBB2_36:
0xfe: {  	p1 =	sne.s32 s0, $0x9C0;
	v2 =	vld [tilespmem:s31+$0x5080];
	_ =	sdelay $0x4  }
0xff: {  	v3 =	vshra.s32 v2, $0x1;
	v4 =	vmul.f32 $5.000000000e-01, v2  }
0x100: {  	v3 =	vsub.s32 $0x5F3759DF, v3  }
0x101: {  	v5 =	vmul.f32 v3, v4;
	_ =	sdelay $0x1  }
0x102: {  	v5 =	vmul.f32 v3, v5;
	_ =	sdelay $0x1  }
0x103: {  	v5 =	vsub.f32 $1.500000000e+00, v5;
	_ =	sdelay $0x1  }
0x104: {  	v3 =	vmul.f32 v3, v5;
	_ =	sdelay $0x1  }
0x105: {  	v5 =	vmul.f32 v3, v4;
	_ =	sdelay $0x1  }
0x106: {  	v5 =	vmul.f32 v5, v3;
	_ =	sdelay $0x1  }
0x107: {  	v5 =	vsub.f32 $1.500000000e+00, v5;
	_ =	sdelay $0x1  }
0x108: {  	v3 =	vmul.f32 v5, v3;
	_ =	sdelay $0x1  }
0x109: {  	v4 =	vmul.f32 v3, v4;
	_ =	sdelay $0x1  }
0x10a: {  	v4 =	vmul.f32 v4, v3;
	_ =	sdelay $0x1  }
0x10b: {  	v4 =	vsub.f32 $1.500000000e+00, v4  }
.Ltmp17:
0x10c: {  	(pc) =	sbr.rel @p1 .LBB2_36-.Ltmp17, $4  }
0x10d: {  	v3 =	vmul.f32 v4, v3  }
0x10e: {  	vm0 =	vgt.f32 v2, $5.000000000e-01  }
0x10f: {  	v2 =	vnsel vm0, $0x0, v3  }
0x110: {  	[tilespmem:s31+$0x5080] =	vst v2;
	s31 =	sshra.s32 s0, $0x2;
	s0 =	sadd.s32 $0x40, s0  }
0x111: {  	v2 =	vld [tilespmem:s31+$0x5080];
	_ =	sdelay $0x4  }
0x112: {  	v3 =	vshra.s32 v2, $0x1;
	v4 =	vmul.f32 $5.000000000e-01, v2  }
0x113: {  	v3 =	vsub.s32 $0x5F3759DF, v3  }
0x114: {  	v5 =	vmul.f32 v3, v4;
	_ =	sdelay $0x1  }
0x115: {  	v5 =	vmul.f32 v3, v5;
	_ =	sdelay $0x1  }
0x116: {  	v5 =	vsub.f32 $1.500000000e+00, v5;
	_ =	sdelay $0x1  }
0x117: {  	v3 =	vmul.f32 v3, v5;
	_ =	sdelay $0x1  }
0x118: {  	v5 =	vmul.f32 v3, v4;
	_ =	sdelay $0x1  }
0x119: {  	v5 =	vmul.f32 v5, v3;
	_ =	sdelay $0x1  }
0x11a: {  	v5 =	vsub.f32 $1.500000000e+00, v5;
	_ =	sdelay $0x1  }
0x11b: {  	v3 =	vmul.f32 v5, v3;
	_ =	sdelay $0x1  }
0x11c: {  	v4 =	vmul.f32 v3, v4;
	_ =	sdelay $0x1  }
0x11d: {  	v4 =	vmul.f32 v4, v3;
	_ =	sdelay $0x1  }
0x11e: {  	v4 =	vsub.f32 $1.500000000e+00, v4;
	_ =	sdelay $0x1  }
0x11f: {  	v3 =	vmul.f32 v4, v3  }
0x120: {  	vm0 =	vgt.f32 v2, $5.000000000e-01  }
0x121: {  	s30 =	sadd.s32 $0x1, s30;
	v2 =	vnsel vm0, $0x0, v3  }
0x122: {  	s0 =	simm.s32 @!p0 $0x0;
	s1 =	simm.s32 @!p0 $0x5080;
	p1 =	sne.s32 s30, s22;
	[tilespmem:s31+$0x5080] =	vst v2  }
0x123: {  	[hbm4b:s21+s0] =	stream.linear.scatter @!p0 [tilespmem:s1], [sflag:$0x1], $0x280, $0x38;
	[tilespmem:$0x7D90] =	vst v63  }
.Ltmp18:
0x124: {  	_ = 	snop;
	(pc) =	sbr.rel @p1 .LBB2_1-.Ltmp18, $4  }
0x125: {  	s0 =	simm.s32 @!p0 $0x1  }
0x126: {  	_ =	swait.ge @!p0 [sflag:s0], $0x280  }
0x127: {  	[sflag:s0] =	ssyncset.done @!p0 $0x0  }
0x128: {  	[sflag:s0] =	ssyncadd.s32 @!p0 $0xFFFFFD80  }
0x129: {  	_ =	sfence.sel $0x180000  }
0x12a: {  	[bflag:$0x0] =	sbarrier.arrive $0xFFFF  }
0x12b: {  	_ =	strace $0x90000047  }
0x12c: {  	s0 =	stileid.u32;
	[bflag:$0x2] =	sbarrier.arrive $0xFFFF  }
0x12d: {  	p0 =	sne.s32 s0, $0x0;
	s0 =	rddreg [dreg:$0x3]  }
0x12e: {  	s0 =	sadd.s32 @!p0 $0x100000, s0  }
0x12f: {  	[sflag:s0] =	ssyncadd.tile.s32 @!p0 $0x1;
	_ =	shalt  }
.Lfunc_end2:
_tile_overlayer_lowered:
.L_overlay_start_2:
0x130: {  	(tag) =	ssettag $0x2  }
0x131: {  	s0 =	rddreg [dreg:$0x0];
	s2 =	stileid.u32  }
0x132: {  	s1 =	rddreg [dreg:$0x1];
	p0 =	sne.s32 s2, $0x0  }
0x133: {  	s3 =	rddreg [dreg:$0x2];
	[bflag:$0x3] =	sbarrier.arrive $0xFFFF;
	s2 =	simm.s32 @!p0 $0x1C01  }
0x134: {  	[timem:s3], [sflag:s2] =	dma.local @!p0 [hbm:s0], s1  }
0x135: {  	s0 =	simm.s32 @!p0 $0x1  }
0x136: {  	_ =	swait.ge @!p0 [sflag:s0], s1  }
0x137: {  	s1 =	ssub.s32 @!p0 $0x0, s1;
	[sflag:s0] =	ssyncset.done @!p0 $0x0  }
0x138: {  	[sflag:s0] =	ssyncadd.s32 @!p0 s1  }
0x139: {  	[bflag:$0x3] =	sbarrier.arrive $0xFFFF  }
0x13a: {  	_ =	shalt  }

// kernel: kernel.9.cloned.1.call-start
scs
__scs_entry_jumppad:
0x0: {  	(pc) =	sbr.rel $0x88, $3  }
0x1: {  	(tag) =	ssettag $0x0;
	lr =	simm.s32 $0x1  }
0x2: {  	[smem:$0x3F9D] =	sst lr;
	_ =	strace $0xD0000000  }
0x3: {  	_ = 	snop  }
0x4: {  	_ = 	snop  }
0x5: {  	_ = 	snop  }
0x6: {  	_ = 	snop  }
0x7: {  	_ = 	snop  }
__scs_overlays_trampoline_lowered:
0x8: {  	[smem:$0x3FAC] =	sst s0  }
0x9: {  	[smem:$0x3FAD] =	sst s1  }
0xa: {  	[smem:$0x3FAE] =	sst s2  }
0xb: {  	[smem:$0x3FAF] =	sst s3  }
0xc: {  	[smem:$0x3FB0] =	sst s4  }
0xd: {  	[smem:$0x3FB1] =	sst s5  }
0xe: {  	[smem:$0x3FB2] =	sst s6  }
0xf: {  	[smem:$0x3FB3] =	sst s7  }
0x10: {  	[smem:$0x3FB4] =	sst s8  }
0x11: {  	[smem:$0x3FB5] =	sst s9;
	s0 =	simm.s32 @!p0 $0x0  }
0x12: {  	s1 =	sld [smem:$0x3F9B];
	s0 =	simm.s32 @p0 $0x1  }
0x13: {  	[smem:$0x3FB6] =	sst s0;
	s0 =	simm.s32 @!p1 $0x0  }
0x14: {  	s2 =	sld [smem:$0x3F9A];
	s0 =	simm.s32 @p1 $0x1  }
0x15: {  	[smem:$0x3FB7] =	sst s0;
	s0 =	simm.s32 @!p2 $0x0  }
0x16: {  	s3 =	sld [smem:$0x3FDB];
	s0 =	simm.s32 @p2 $0x1  }
0x17: {  	s4 =	simm.s32 $0x1BF5;
	[smem:$0x3FB9] =	sst s0  }
0x18: {  	s0 =	sld [smem:$0x3F9C];
	_ =	swait.ge [sflag:s4], $0x0  }
0x19: {  	s7 =	sld [smem:$0x3F9D]  }
0x1a: {  	s8 =	sadd.s32 $0xFFFFE003, lr  }
0x1b: {  	s9 =	sadd.s32 $0xFFFFFEF7, lr;
	s5 =	simm.s32 $0xFFFFFFFF;
	p2 =	slt.u32 s8, $0xFFFFF086  }
0x1c: {  	p1 =	slt.u32 s9, $0xF7A;
	s5 =	simm.s32 @!p2 $0x0  }
0x1d: {  	s5 =	simm.s32 @p1 $0x1;
	p0 =	seq.s32 s7, s2  }
0x1e: {  	s7 =	smul.u32 @!p0 $0xF7A, s2;
	p2 =	seq.s32 @!p0 s5, $0x0  }
0x1f: {  	s9 =	smul.u32 $0xF7A, s1;
	s8 =	simm.s32 @!p0 $0x1BF5;
	p2 =	por !p2, p0  }
0x20: {  	[sflag:s8] =	ssyncset.s32 @!p0 $0xFFFFF086;
	s6 =	sadd.s32 @!p0 s3, s7;
	s7 =	simm.s32 @!p0 $0x108  }
0x21: {  	s3 =	sadd.s32 s3, s9;
	s6 =	sadd.s32 @!p0 $0x88, s6;
	s7 =	simm.s32 @p2 $0x1082  }
0x22: {  	[simem:s7], [sflag:s8] =	dma.local @!p0 [hbm:s6], $0xF7A  }
0x23: {  	s9 =	sor.u32 $0xD0000000, s2;
	s6 =	simm.s32 $0x108;
	_ =	swait.ge @!p0 [sflag:s8], $0x0  }
0x24: {  	s3 =	sadd.s32 $0x88, s3;
	s6 =	simm.s32 @!p1 $0x1082;
	[sflag:s4] =	ssyncset.s32 $0xFFFFF086  }
0x25: {  	[simem:s6], [sflag:s4] =	dma.local [hbm:s3], $0xF7A  }
0x26: {  	[smem:$0x3F9D] =	sst s1;
	(tag) =	ssettag s2;
	_ =	strace s9  }
0x27: {  	s1 =	sld [smem:$0x3FAD]  }
0x28: {  	s2 =	sld [smem:$0x3FAE]  }
0x29: {  	s4 =	sld [smem:$0x3FB0]  }
0x2a: {  	p0 =	seq.s32 s5, $0x0;
	s5 =	sld [smem:$0x3FB1]  }
0x2b: {  	s6 =	sld [smem:$0x3FB2]  }
0x2c: {  	s7 =	sld [smem:$0x3FB3]  }
0x2d: {  	s3 =	simm.s32 $0x108;
	s8 =	sld [smem:$0x3FB4]  }
0x2e: {  	s3 =	simm.s32 @!p0 $0x1082;
	s9 =	sld [smem:$0x3FB5]  }
0x2f: {  	lr =	sadd.s32 s0, s3;
	s0 =	sld [smem:$0x3FAC]  }
0x30: {  	s3 =	sld [smem:$0x3FAF]  }
0x31: {  	[smem:$0x3FB8] =	sst s10  }
0x32: {  	s10 =	sld [smem:$0x3FB6];
	_ =	sdelay $0x3  }
0x33: {  	p0 =	seq.s32 s10, $0x1;
	s10 =	sld [smem:$0x3FB8];
	_ =	sdelay $0x3  }
0x34: {  	[smem:$0x3FB8] =	sst s10  }
0x35: {  	s10 =	sld [smem:$0x3FB7];
	_ =	sdelay $0x3  }
0x36: {  	p1 =	seq.s32 s10, $0x1;
	s10 =	sld [smem:$0x3FB8];
	_ =	sdelay $0x3  }
0x37: {  	[smem:$0x3FB8] =	sst s10  }
0x38: {  	s10 =	sld [smem:$0x3FB9]  }
0x39: {  	_ = 	snop;
	(pc) =	sbr.ind lr, $3  }
0x3a: {  	_ = 	snop  }
0x3b: {  	_ = 	snop  }
0x3c: {  	p2 =	seq.s32 s10, $0x1;
	s10 =	sld [smem:$0x3FB8]  }
0x3d: {  	_ =	shalt  }
0x3e: {  	_ =	shalt  }
0x3f: {  	_ =	shalt  }
0x40: {  	_ =	shalt  }
0x41: {  	_ =	shalt  }
0x42: {  	_ =	shalt  }
0x43: {  	_ =	shalt  }
0x44: {  	_ =	shalt  }
0x45: {  	_ =	shalt  }
0x46: {  	_ =	shalt  }
0x47: {  	_ =	shalt  }
0x48: {  	_ =	shalt  }
0x49: {  	_ =	shalt  }
0x4a: {  	_ =	shalt  }
0x4b: {  	_ =	shalt  }
0x4c: {  	_ =	shalt  }
0x4d: {  	_ =	shalt  }
0x4e: {  	_ =	shalt  }
0x4f: {  	_ =	shalt  }
0x50: {  	_ =	shalt  }
0x51: {  	_ =	shalt  }
0x52: {  	_ =	shalt  }
0x53: {  	_ =	shalt  }
0x54: {  	_ =	shalt  }
0x55: {  	_ =	shalt  }
0x56: {  	_ =	shalt  }
0x57: {  	_ =	shalt  }
0x58: {  	_ =	shalt  }
0x59: {  	_ =	shalt  }
0x5a: {  	_ =	shalt  }
0x5b: {  	_ =	shalt  }
0x5c: {  	_ =	shalt  }
0x5d: {  	_ =	shalt  }
0x5e: {  	_ =	shalt  }
0x5f: {  	_ =	shalt  }
0x60: {  	_ =	shalt  }
0x61: {  	_ =	shalt  }
0x62: {  	_ =	shalt  }
0x63: {  	_ =	shalt  }
0x64: {  	_ =	shalt  }
0x65: {  	_ =	shalt  }
0x66: {  	_ =	shalt  }
0x67: {  	_ =	shalt  }
0x68: {  	_ =	shalt  }
0x69: {  	_ =	shalt  }
0x6a: {  	_ =	shalt  }
0x6b: {  	_ =	shalt  }
0x6c: {  	_ =	shalt  }
0x6d: {  	_ =	shalt  }
0x6e: {  	_ =	shalt  }
0x6f: {  	_ =	shalt  }
0x70: {  	_ =	shalt  }
0x71: {  	_ =	shalt  }
0x72: {  	_ =	shalt  }
0x73: {  	_ =	shalt  }
0x74: {  	_ =	shalt  }
0x75: {  	_ =	shalt  }
0x76: {  	_ =	shalt  }
0x77: {  	_ =	shalt  }
0x78: {  	_ =	shalt  }
0x79: {  	_ =	shalt  }
0x7a: {  	_ =	shalt  }
0x7b: {  	_ =	shalt  }
0x7c: {  	_ =	shalt  }
0x7d: {  	_ =	shalt  }
0x7e: {  	_ =	shalt  }
0x7f: {  	_ =	shalt  }
0x80: {  	_ =	shalt  }
0x81: {  	_ =	shalt  }
0x82: {  	_ =	shalt  }
0x83: {  	_ =	shalt  }
0x84: {  	_ =	shalt  }
0x85: {  	_ =	shalt  }
0x86: {  	_ =	shalt  }
0x87: {  	_ =	shalt  }
.Lfunc_end0:
.L_simem_size_0:
called_computation.1_lowered:
.L_overlay_start_0:
0x88: {  	s2 =	sld [smem:$0x3FD9]  }
0x89: {  	s3 =	sld [smem:$0x3FFE];
	_ =	sdelay $0x1  }
0x8a: {  	s1 =	srdreg.scid  }
0x8b: {  	s0 =	sand.u32 $0x1, s1  }
0x8c: {  	s17 =	sshll.u32 s0, $0xA;
	s2 =	sadd.s32 s3, s2  }
0x8d: {  	s2 =	sadd.s32 s2, s17  }
0x8e: {  	[smem:$0x3FC4] =	sst s2  }
0x8f: {  	_ = 	snop  }
0x90: {  	s2 =	sld [smem:$0x3FD0];
	(tm) =	ssettm $0x1  }
0x91: {  	s18 =	sld [smem:$0x3FFB];
	_ =	sdelay $0x3  }
0x92: {  	_ =	strace s18  }
0x93: {  	s3 =	sld [smem:$0x3FFC];
	_ =	sdelay $0x3  }
0x94: {  	_ =	strace s3  }
0x95: {  	s3 =	sld [smem:$0x3FFD];
	_ =	sdelay $0x3  }
0x96: {  	_ =	strace s3  }
0x97: {  	_ =	strace $0x8FFFFFFF  }
0x98: {  	s19 =	sld [smem:$0x3FDB];
	_ =	sdelay $0x1  }
0x99: {  	s4 =	simm.s32 $_scs_section_size  }
0x9a: {  	s5 =	simm.s32 $_size__tile_overlayer_lowered;
	s6 =	simm.s32 $_tile_overlayer_lowered  }
0x9b: {  	s22 =	simm.s32 $0x1BFF;
	s21 =	sshll.u32 s6, $0x1;
	s3 =	sadd.s32 s4, s19  }
0x9c: {  	s7 =	simm.s32 $0x0;
	s20 =	sshll.u32 s5, $0x1;
	s5 =	sadd.s32 s21, s3  }
0x9d: {  	[timem:s7], [sflag:s22] =	dma.local [hbm:s5], s20  }
0x9e: {  	_ =	swait.ge [sflag:s22], s20  }
0x9f: {  	s4 =	ssub.s32 $0x0, s20;
	[sflag:s22] =	ssyncset.done $0x0  }
0xa0: {  	[sflag:s22] =	ssyncadd.s32 s4;
	_ =	sdelay $0x1  }
0xa1: {  	s23 =	simm.s32 $0x1B8B  }
0xa2: {  	_ =	swait.ge [sflag:s23], $0x1  }
0xa3: {  	[sflag:s23] =	ssyncset.done $0x0  }
0xa4: {  	s25 =	simm.s32 $0x1B8E;
	s24 =	sld [smem:$0x3FFE];
	[sflag:s23] =	ssyncadd.s32 $0xFFFFFFFF  }
0xa5: {  	s26 =	simm.s32 $execute0_lowered;
	[smem:$0x3FD2] =	sst s25  }
0xa6: {  	s5 =	sshll.u32 s26, $0x1;
	_ =	strace $0x80000049;
	[dreg:$0x1] =	wrdreg $0xFFFFFFFF  }
0xa7: {  	s28 =	simm.s32 $_size_execute0_lowered;
	s3 =	sadd.s32 s3, s5;
	[dreg:$0x0] =	wrdreg $0x0  }
0xa8: {  	s5 =	sshll.u32 s28, $0x1;
	[dreg:$0x2] =	wrdreg s3  }
0xa9: {  	[dreg:$0x3] =	wrdreg s5  }
0xaa: {  	[dreg:$0x4] =	wrdreg $0xC0  }
0xab: {  	_ =	task [dreg:s7], $0x5FFFF  }
0xac: {  	[dreg:$0x1] =	wrdreg $0xFFFFFFFF  }
0xad: {  	[dreg:$0x0] =	wrdreg $0x60  }
0xae: {  	[dreg:$0x2] =	wrdreg s24  }
0xaf: {  	[dreg:$0x3] =	wrdreg s2  }
0xb0: {  	[dreg:$0x4] =	wrdreg $0xA8000  }
0xb1: {  	[dreg:$0x5] =	wrdreg $0x9  }
0xb2: {  	_ =	task.clear_ibuf [dreg:s7], $0x6FFFF;
	_ =	strace $0x90000049  }
0xb3: {  	s29 =	simm.s32 $0x9;
	_ =	strace $0x8000004B  }
0xb4: {  	_ =	swait.ge [sflag:s29], $0x1  }
0xb5: {  	[sflag:s29] =	ssyncadd.s32 $0xFFFFFFFF  }
0xb6: {  	_ =	strace $0x9000004B  }
0xb7: {  	_ =	sfence  }
0xb8: {  	s30 =	sld [smem:$0x0];
	_ =	sdelay $0x2  }
0xb9: {  	s31 =	sshll.u32 s1, $0xD;
	s1 =	sshrl.u32 s1, $0x2  }
0xba: {  	s3 =	sand.u32 $0x4000, s31;
	s1 =	sadd.s32 s1, s30  }
0xbb: {  	s0 =	sor.u32 s3, s0;
	s1 =	sshll.u32 s1, $0x11  }
0xbc: {  	s0 =	sor.u32 s1, s0  }
0xbd: {  	s0 =	sadd.s32 $0x8F2B, s0  }
0xbe: {  	[sflag:s0] =	ssyncadd.remote.s32 $0x1  }
0xbf: {  	_ =	sfence.sel $0xFFFF  }
0xc0: {  	[dreg:$0x0] =	wrdreg $0xFFFFFFFF;
	(pc) =	sbr.abs _section_cstart, $3  }
0xc1: {  	[dreg:$0x1] =	wrdreg $0xFFFFFFFF  }
0xc2: {  	_ =	task.clear_ibuf [dreg:s7], $0x2FFFF;
	_ =	strace $0x9FFFFFFF  }
0xc3: {  	(tm) =	ssettm $0x7FFFFFFF  }
tec
execute0_lowered:
.L_overlay_start_1:
0x0: {  	(tag) =	ssettag $0x1  }
0x1: {  	s0 =	rddreg [dreg:$0x0]  }
0x2: {  	s2 =	rddreg [dreg:$0x2]  }
0x3: {  	s3 =	simm.s32 $0x0;
	s1 =	srdreg.scid;
	s6 =	stileid.u32  }
0x4: {  	s29 =	simm.s32 $0x2800;
	s30 =	simm.s32 $0x3;
	s31 =	simm.s32 $0x1400  }
0x5: {  	[smem:$0x7FF] =	sst s3;
	s4 =	sadd.s32 $0xB800, s0;
	s12 =	smul.u32 $0x2800, s6  }
0x6: {  	s5 =	sadd.s32 $0x32A00, s0;
	s1 =	sand.u32 $0x1, s1;
	s11 =	smul.u32 $0x500, s6  }
0x7: {  	s7 =	sadd.s32 $0x6800, s0;
	s9 =	sadd.s32 $0x1200, s0;
	s13 =	smul.u32 $0x280, s6  }
0x8: {  	s0 =	sadd.s32 $0x59C00, s0;
	s14 =	sshll.u32 s6, $0xE;
	s15 =	smul.u32 $0x50000, s6  }
0x9: {  	p0 =	sne.s32 s6, $0x0;
	s28 =	sadd.s32 $0x140000, s2;
	_ =	strace $0x8000004A  }
0xa: {  	s8 =	ssub.s32 $0x2, s1;
	[dreg:$0x5] =	wrdreg s0;
	p1 =	sne.s32 s1, $0x0  }
0xb: {  	p2 =	seq.s32 s1, $0x0;
	s1 =	simm.s32 $0x6800;
	s10 =	sshrl.u32 s8, $0x1  }
0xc: {  	[dreg:$0x4] =	wrdreg s12;
	s25 =	sshrl.u32 s12, $0x3;
	s26 =	sadd.s32 s7, s11  }
0xd: {  	s12 =	sadd.s32 s9, s11;
	s19 =	sshrl.u32 s15, $0x2;
	s20 =	sadd.s32 $0x80, s13  }
0xe: {  	s22 =	sadd.s32 $0x100, s13;
	s11 =	simm.s32 $0x2780;
	[dreg:$0x6] =	wrdreg s26  }
0xf: {  	s24 =	ssub.s32 s8, s10;
	[dreg:$0x7] =	wrdreg s12;
	s8 =	sadd.s32 $0x280, s25  }
0x10: {  	s12 =	sadd.s32 s14, s2;
	s21 =	sshll.u32 s20, $0x7;
	s7 =	sadd.s32 s7, s8  }
0x11: {  	s23 =	sshll.u32 s22, $0x7;
	s8 =	sadd.s32 s9, s8;
	[dreg:$0x8] =	wrdreg s7  }
0x12: {  	s10 =	simm.s32 $0x2700;
	s0 =	smax.u32 s24, $0x1;
	[dreg:$0x9] =	wrdreg s8  }
0x13: {  	s14 =	simm.s32 $0x0;
	s16 =	sadd.s32 $0x40000, s12;
	[dreg:$0xa] =	wrdreg s0  }
0x14: {  	s17 =	sadd.s32 $0x80000, s12;
	s18 =	sadd.s32 $0xC0000, s12;
	[dreg:$0xb] =	wrdreg s16  }
0x15: {  	s24 =	sadd.s32 $0x180, s13;
	s9 =	simm.s32 $0x1380;
	[dreg:$0xc] =	wrdreg s17  }
0x16: {  	[dreg:$0xd] =	wrdreg s18;
	s0 =	sadd.s32 s19, s2;
	s19 =	sshll.u32 s20, $0x4  }
0x17: {  	s20 =	sadd.s32 s23, s2;
	s25 =	sshll.u32 s24, $0x7;
	s7 =	sadd.s32 $0x200, s13  }
.Ltmp0:
0x18: {  	s23 =	sshll.u32 s24, $0x4;
	s8 =	simm.s32 $0x2;
	(pc) =	sbr.rel .LBB2_1-.Ltmp0, $4  }
0x19: {  	s13 =	simm.s32 $0x4;
	[dreg:$0xe] =	wrdreg s0;
	s0 =	sadd.s32 s21, s2  }
0x1a: {  	s21 =	sshll.u32 s22, $0x4;
	s26 =	sshll.u32 s7, $0x7;
	s22 =	sadd.s32 s25, s2  }
0x1b: {  	s25 =	sshll.u32 s7, $0x4;
	s7 =	simm.s32 $0x1;
	[dreg:$0xf] =	wrdreg s0  }
0x1c: {  	v0 =	vimm.f32 $0.0e+00;
	s24 =	sadd.s32 s26, s2;
	s26 =	sadd.s32 $0x100000, s12;
	s0 =	simm.s32 $0x80  }
.LBB2_13:
0x1d: {  	s6 =	sadd.s32 $0x80, s15;
	[sflag:s30] =	ssyncadd.s32 $0xFFFFC000  }
0x1e: {  	[tilespmem:s1], [sflag:$0x2] =	stream.indirect.gather [hbm4b:s5+s0], $0x80, s6, s0, $0xb8;
	[tilespmem:$0x1EC00] =	vst v63  }
0x1f: {  	_ =	swait.ge [sflag:s7], $0x4000  }
0x20: {  	[sflag:s7] =	ssyncset.done $0x0  }
0x21: {  	s16 =	sadd.s32 $0x1400, s15;
	[sflag:s7] =	ssyncadd.s32 $0xFFFFC000  }
0x22: {  	[spmem:s2] =	stream.indirect.scatter.add.f32 [tilespmem:s29], [sflag:$0x3], $0x80, s16, s0, $0xb8;
	[tilespmem:$0x1EC00] =	vst v63  }
0x23: {  	_ =	swait.ge [sflag:s30], $0x4000  }
0x24: {  	[sflag:s30] =	ssyncset.done $0x0  }
0x25: {  	s17 =	sadd.s32 $0x100, s15;
	[sflag:s30] =	ssyncadd.s32 $0xFFFFC000  }
0x26: {  	[tilespmem:s29], [sflag:$0x1] =	stream.indirect.gather [hbm4b:s5+s0], $0x80, s17, s0, $0xb8;
	[tilespmem:$0x1EC00] =	vst v63  }
0x27: {  	_ =	swait.ge [sflag:s8], $0x4000  }
0x28: {  	[sflag:s8] =	ssyncset.done $0x0  }
0x29: {  	s18 =	sadd.s32 $0x1480, s15;
	[sflag:s8] =	ssyncadd.s32 $0xFFFFC000  }
0x2a: {  	[spmem:s2] =	stream.indirect.scatter.add.f32 [tilespmem:s1], [sflag:$0x3], $0x80, s18, s0, $0xb8;
	[tilespmem:$0x1EC00] =	vst v63  }
0x2b: {  	_ =	swait.ge [sflag:s30], $0x4000  }
0x2c: {  	[sflag:s30] =	ssyncset.done $0x0  }
0x2d: {  	s15 =	rddreg [dreg:$0x5];
	[sflag:s30] =	ssyncadd.s32 $0xFFFFC000  }
0x2e: {  	[tilespmem:s1], [sflag:$0x2] =	stream.indirect.gather [hbm4b:s5+s0], $0x80, s9, s0, $0xb8;
	[tilespmem:$0x1EC00] =	vst v63  }
.LBB2_14:
0x2f: {  	_ =	swait.ge [sflag:s7], $0x4000  }
0x30: {  	[sflag:s7] =	ssyncset.done $0x0  }
0x31: {  	[sflag:s7] =	ssyncadd.s32 $0xFFFFC000  }
0x32: {  	[spmem:s2] =	stream.indirect.scatter.add.f32 [tilespmem:s29], [sflag:$0x3], $0x80, s10, s0, $0xb8;
	[tilespmem:$0x1EC00] =	vst v63  }
0x33: {  	_ =	swait.ge [sflag:s30], $0x4000  }
0x34: {  	[sflag:s30] =	ssyncset.done $0x0  }
0x35: {  	[sflag:s30] =	ssyncadd.s32 $0xFFFFC000  }
0x36: {  	_ =	swait.ge [sflag:s8], $0x4000  }
0x37: {  	[sflag:s8] =	ssyncset.done $0x0  }
0x38: {  	[sflag:s8] =	ssyncadd.s32 $0xFFFFC000  }
0x39: {  	[spmem:s2] =	stream.indirect.scatter.add.f32 [tilespmem:s1], [sflag:$0x3], $0x80, s11, s0, $0xb8;
	[tilespmem:$0x1EC00] =	vst v63  }
0x3a: {  	_ =	swait.ge [sflag:s30], $0x4000  }
0x3b: {  	[sflag:s30] =	ssyncset.done $0x0  }
0x3c: {  	[sflag:s30] =	ssyncadd.s32 $0xFFFFC000  }
0x3d: {  	[bflag:$0x0] =	sbarrier.arrive $0xFFFF  }
0x3e: {  	s6 =	rddreg [dreg:$0xe]  }
0x3f: {  	[tilespmem:s29], [sflag:$0x4] =	stream.linear.gather [spmem:s6], $0x4000, $0x38;
	[tilespmem:$0x1EC00] =	vst v63  }
0x40: {  	_ =	swait.ge [sflag:s13], $0x4000  }
0x41: {  	s6 =	simm.s32 $0x4;
	[sflag:s13] =	ssyncset.done $0x0;
	s16 =	rddreg [dreg:$0x4]  }
0x42: {  	s6 =	simm.s32 @!p2 $0x3;
	s16 =	sadd.s32 s15, s16;
	[sflag:s13] =	ssyncadd.s32 $0xFFFFC000  }
0x43: {  	[hbm4b:s16+s3] =	stream.linear.scatter [tilespmem:s29], [sflag:s6], $0x4000, $0x38;
	[tilespmem:$0x1EC00] =	vst v63  }
0x44: {  	_ =	swait.ge [sflag:s6], $0x4000  }
0x45: {  	[sflag:s6] =	ssyncset.done $0x0  }
0x46: {  	s17 =	rddreg [dreg:$0xf];
	[sflag:s6] =	ssyncadd.s32 $0xFFFFC000  }
0x47: {  	[tilespmem:s29], [sflag:$0x4] =	stream.linear.gather [spmem:s17], $0x4000, $0x38;
	[tilespmem:$0x1EC00] =	vst v63  }
0x48: {  	_ =	swait.ge [sflag:s13], $0x4000  }
0x49: {  	[sflag:s13] =	ssyncset.done $0x0  }
0x4a: {  	s18 =	sadd.s32 s15, s19;
	[sflag:s13] =	ssyncadd.s32 $0xFFFFC000  }
0x4b: {  	[hbm4b:s18+s3] =	stream.linear.scatter [tilespmem:s29], [sflag:s6], $0x4000, $0x38;
	[tilespmem:$0x1EC00] =	vst v63  }
0x4c: {  	_ =	swait.ge [sflag:s6], $0x4000  }
0x4d: {  	[sflag:s6] =	ssyncset.done $0x0  }
0x4e: {  	[sflag:s6] =	ssyncadd.s32 $0xFFFFC000  }
0x4f: {  	[tilespmem:s29], [sflag:$0x4] =	stream.linear.gather [spmem:s20], $0x4000, $0x38;
	[tilespmem:$0x1EC00] =	vst v63  }
0x50: {  	_ =	swait.ge [sflag:s13], $0x4000  }
0x51: {  	[sflag:s13] =	ssyncset.done $0x0  }
0x52: {  	s17 =	sadd.s32 s15, s21;
	[sflag:s13] =	ssyncadd.s32 $0xFFFFC000  }
0x53: {  	[hbm4b:s17+s3] =	stream.linear.scatter [tilespmem:s29], [sflag:s6], $0x4000, $0x38;
	[tilespmem:$0x1EC00] =	vst v63  }
0x54: {  	_ =	swait.ge [sflag:s6], $0x4000  }
0x55: {  	[sflag:s6] =	ssyncset.done $0x0  }
0x56: {  	[sflag:s6] =	ssyncadd.s32 $0xFFFFC000  }
0x57: {  	[tilespmem:s29], [sflag:$0x4] =	stream.linear.gather [spmem:s22], $0x4000, $0x38;
	[tilespmem:$0x1EC00] =	vst v63  }
0x58: {  	_ =	swait.ge [sflag:s13], $0x4000  }
0x59: {  	[sflag:s13] =	ssyncset.done $0x0  }
0x5a: {  	s18 =	sadd.s32 s15, s23;
	[sflag:s13] =	ssyncadd.s32 $0xFFFFC000  }
0x5b: {  	[hbm4b:s18+s3] =	stream.linear.scatter [tilespmem:s29], [sflag:s6], $0x4000, $0x38;
	[tilespmem:$0x1EC00] =	vst v63  }
0x5c: {  	_ =	swait.ge [sflag:s6], $0x4000  }
0x5d: {  	[sflag:s6] =	ssyncset.done $0x0  }
0x5e: {  	[sflag:s6] =	ssyncadd.s32 $0xFFFFC000  }
0x5f: {  	[tilespmem:s29], [sflag:$0x4] =	stream.linear.gather [spmem:s24], $0x4000, $0x38;
	[tilespmem:$0x1EC00] =	vst v63  }
0x60: {  	_ =	swait.ge [sflag:s13], $0x4000  }
0x61: {  	[sflag:s13] =	ssyncset.done $0x0  }
0x62: {  	s17 =	sadd.s32 s15, s25;
	[sflag:s13] =	ssyncadd.s32 $0xFFFFC000  }
0x63: {  	[hbm4b:s17+s3] =	stream.linear.scatter [tilespmem:s29], [sflag:s6], $0x4000, $0x38;
	[tilespmem:$0x1EC00] =	vst v63  }
0x64: {  	_ =	swait.ge [sflag:s6], $0x4000  }
0x65: {  	s14 =	sadd.s32 $0x1, s14;
	s18 =	rddreg [dreg:$0xa]  }
0x66: {  	p3 =	sne.s32 s14, s18  }
.Ltmp1:
0x67: {  	_ = 	snop;
	(pc) =	sbr.rel @!p3 .LBB2_15-.Ltmp1, $3  }
0x68: {  	_ =	sdelay $0x1  }
0x69: {  	[sflag:s6] =	ssyncset.done $0x0  }
0x6a: {  	[sflag:s6] =	ssyncadd.s32 $0xFFFFC000  }
.LBB2_1:
0x6b: {  	s15 =	simm.s32 $0x0;
	s6 =	simm.s32 $0x200  }
.LBB2_2:
0x6c: {  	p3 =	sne.s32 s6, $0xFE00;
	[tilespmem:s15+$0x2870] =	vst v0  }
0x6d: {  	[tilespmem:s15+$0x2800] =	vst v0  }
0x6e: {  	[tilespmem:s15+$0x2810] =	vst v0  }
.Ltmp2:
0x6f: {  	[tilespmem:s15+$0x2820] =	vst v0;
	(pc) =	sbr.rel @p3 .LBB2_2-.Ltmp2, $4  }
0x70: {  	[tilespmem:s15+$0x2830] =	vst v0  }
0x71: {  	[tilespmem:s15+$0x2840] =	vst v0  }
0x72: {  	[tilespmem:s15+$0x2850] =	vst v0  }
0x73: {  	[tilespmem:s15+$0x2860] =	vst v0;
	s15 =	sshra.s32 s6, $0x2;
	s6 =	sadd.s32 $0x200, s6  }
0x74: {  	[tilespmem:s15+$0x2870] =	vst v0  }
0x75: {  	[tilespmem:s15+$0x2800] =	vst v0  }
0x76: {  	[tilespmem:s15+$0x2810] =	vst v0  }
0x77: {  	[tilespmem:s15+$0x2820] =	vst v0  }
0x78: {  	[tilespmem:s15+$0x2830] =	vst v0  }
0x79: {  	[tilespmem:s15+$0x2840] =	vst v0  }
0x7a: {  	[tilespmem:s15+$0x2850] =	vst v0  }
0x7b: {  	[tilespmem:s15+$0x2860] =	vst v0  }
0x7c: {  	[spmem:s12] =	stream.linear.scatter [tilespmem:s29], [sflag:$0x3], $0x4000, $0x38;
	[tilespmem:$0x1EC00] =	vst v63  }
0x7d: {  	_ =	swait.ge [sflag:s30], $0x4000  }
0x7e: {  	[sflag:s30] =	ssyncset.done $0x0  }
0x7f: {  	s6 =	rddreg [dreg:$0xb];
	[sflag:s30] =	ssyncadd.s32 $0xFFFFC000  }
0x80: {  	[spmem:s6] =	stream.linear.scatter [tilespmem:s29], [sflag:$0x3], $0x4000, $0x38;
	[tilespmem:$0x1EC00] =	vst v63  }
0x81: {  	_ =	swait.ge [sflag:s30], $0x4000  }
0x82: {  	[sflag:s30] =	ssyncset.done $0x0  }
0x83: {  	s15 =	rddreg [dreg:$0xc];
	[sflag:s30] =	ssyncadd.s32 $0xFFFFC000  }
0x84: {  	[spmem:s15] =	stream.linear.scatter [tilespmem:s29], [sflag:$0x3], $0x4000, $0x38;
	[tilespmem:$0x1EC00] =	vst v63  }
0x85: {  	_ =	swait.ge [sflag:s30], $0x4000  }
0x86: {  	[sflag:s30] =	ssyncset.done $0x0  }
0x87: {  	s16 =	rddreg [dreg:$0xd];
	[sflag:s30] =	ssyncadd.s32 $0xFFFFC000  }
0x88: {  	[spmem:s16] =	stream.linear.scatter [tilespmem:s29], [sflag:$0x3], $0x4000, $0x38;
	[tilespmem:$0x1EC00] =	vst v63  }
0x89: {  	_ =	swait.ge [sflag:s30], $0x4000  }
0x8a: {  	[sflag:s30] =	ssyncset.done $0x0  }
0x8b: {  	[sflag:s30] =	ssyncadd.s32 $0xFFFFC000  }
0x8c: {  	[spmem:s26] =	stream.linear.scatter [tilespmem:s29], [sflag:$0x3], $0x4000, $0x38;
	[tilespmem:$0x1EC00] =	vst v63  }
0x8d: {  	_ =	swait.ge [sflag:s30], $0x4000  }
0x8e: {  	[sflag:s30] =	ssyncset.done $0x0  }
0x8f: {  	s6 =	simm.s32 @!p0 $0x2800;
	[sflag:s30] =	ssyncadd.s32 $0xFFFFC000  }
0x90: {  	[spmem:s28] =	stream.linear.scatter @!p0 [tilespmem:s6], [sflag:$0x3], $0x4000, $0x38;
	[tilespmem:$0x1EC00] =	vst v63  }
0x91: {  	s6 =	simm.s32 @!p0 $0x3  }
0x92: {  	_ =	swait.ge @!p0 [sflag:s6], $0x4000  }
0x93: {  	[sflag:s6] =	ssyncset.done @!p0 $0x0  }
0x94: {  	[sflag:s6] =	ssyncadd.s32 @!p0 $0xFFFFC000  }
0x95: {  	[bflag:$0x0] =	sbarrier.arrive $0xFFFF  }
0x96: {  	s17 =	rddreg [dreg:$0x6]  }
0x97: {  	[tilespmem:s3], [sflag:$0x3] =	stream.linear.gather [hbm4b:s17+s3], $0x1400, $0x38;
	[tilespmem:$0x1EC00] =	vst v63  }
0x98: {  	_ =	swait.ge [sflag:s30], $0x1400  }
0x99: {  	[sflag:s30] =	ssyncset.done $0x0  }
.Ltmp3:
0x9a: {  	s18 =	rddreg [dreg:$0x7];
	[sflag:s30] =	ssyncadd.s32 $0xFFFFEC00;
	(pc) =	sbr.rel @p1 .LBB2_9-.Ltmp3, $4  }
0x9b: {  	[tilespmem:s31], [sflag:$0x3] =	stream.linear.gather [hbm4b:s18+s3], $0x1400, $0x38;
	[tilespmem:$0x1EC00] =	vst v63  }
0x9c: {  	_ =	swait.ge [sflag:s30], $0x1400  }
0x9d: {  	[sflag:s30] =	ssyncset.done $0x0  }
0x9e: {  	s6 =	simm.s32 $0x0;
	[sflag:s30] =	ssyncadd.s32 $0xFFFFEC00  }
0x9f: {  	[tilespmem:s29], [sflag:$0x1] =	stream.indirect.gather [hbm4b:s4+s0], $0x80, s6, s0, $0xb8;
	[tilespmem:$0x1EC00] =	vst v63  }
0xa0: {  	s15 =	simm.s32 $0x80  }
0xa1: {  	[tilespmem:s1], [sflag:$0x2] =	stream.indirect.gather [hbm4b:s4+s0], $0x80, s15, s0, $0xb8;
	[tilespmem:$0x1EC00] =	vst v63  }
0xa2: {  	_ =	swait.ge [sflag:s7], $0x4000  }
0xa3: {  	[sflag:s7] =	ssyncset.done $0x0  }
0xa4: {  	s16 =	simm.s32 $0x1400;
	[sflag:s7] =	ssyncadd.s32 $0xFFFFC000  }
0xa5: {  	[spmem:s2] =	stream.indirect.scatter.add.f32 [tilespmem:s29], [sflag:$0x3], $0x80, s16, s0, $0xb8;
	[tilespmem:$0x1EC00] =	vst v63  }
0xa6: {  	_ =	swait.ge [sflag:s30], $0x4000  }
0xa7: {  	[sflag:s30] =	ssyncset.done $0x0  }
0xa8: {  	s17 =	simm.s32 $0x100;
	[sflag:s30] =	ssyncadd.s32 $0xFFFFC000  }
0xa9: {  	[tilespmem:s29], [sflag:$0x1] =	stream.indirect.gather [hbm4b:s4+s0], $0x80, s17, s0, $0xb8;
	[tilespmem:$0x1EC00] =	vst v63  }
0xaa: {  	_ =	swait.ge [sflag:s8], $0x4000  }
0xab: {  	[sflag:s8] =	ssyncset.done $0x0  }
0xac: {  	s18 =	simm.s32 $0x1480;
	[sflag:s8] =	ssyncadd.s32 $0xFFFFC000  }
0xad: {  	[spmem:s2] =	stream.indirect.scatter.add.f32 [tilespmem:s1], [sflag:$0x3], $0x80, s18, s0, $0xb8;
	[tilespmem:$0x1EC00] =	vst v63  }
0xae: {  	_ =	swait.ge [sflag:s30], $0x4000  }
0xaf: {  	s6 =	simm.s32 $0x800;
	s15 =	simm.s32 $0x100;
	[sflag:s30] =	ssyncset.done $0x0  }
.LBB2_5:
0xb0: {  	s16 =	sadd.s32 $0x80, s15  }
0xb1: {  	[sflag:s30] =	ssyncadd.s32 $0xFFFFC000;
	s17 =	smov.u32 s6;
	s18 =	sadd.s32 $0x400, s6  }
0xb2: {  	[tilespmem:s1], [sflag:$0x2] =	stream.indirect.gather [hbm4b:s4+s0], $0x80, s16, s0, $0xb8;
	[tilespmem:$0x1EC00] =	vst v63  }
0xb3: {  	p3 =	sne.s32 s6, $0x4800;
	_ =	swait.ge [sflag:s7], $0x4000  }
0xb4: {  	[sflag:s7] =	ssyncset.done $0x0  }
0xb5: {  	s6 =	sadd.s32 $0x1400, s15;
	[sflag:s7] =	ssyncadd.s32 $0xFFFFC000  }
0xb6: {  	[spmem:s2] =	stream.indirect.scatter.add.f32 [tilespmem:s29], [sflag:$0x3], $0x80, s6, s0, $0xb8;
	[tilespmem:$0x1EC00] =	vst v63  }
0xb7: {  	_ =	swait.ge [sflag:s30], $0x4000  }
0xb8: {  	[sflag:s30] =	ssyncset.done $0x0  }
0xb9: {  	s6 =	sadd.s32 $0x100, s15;
	[sflag:s30] =	ssyncadd.s32 $0xFFFFC000  }
0xba: {  	[tilespmem:s29], [sflag:$0x1] =	stream.indirect.gather [hbm4b:s4+s0], $0x80, s6, s0, $0xb8;
	[tilespmem:$0x1EC00] =	vst v63  }
0xbb: {  	_ =	swait.ge [sflag:s8], $0x4000  }
.Ltmp4:
0xbc: {  	[sflag:s8] =	ssyncset.done $0x0;
	(pc) =	sbr.rel @p3 .LBB2_5-.Ltmp4, $4  }
0xbd: {  	s6 =	sadd.s32 $0x1480, s15;
	[sflag:s8] =	ssyncadd.s32 $0xFFFFC000  }
0xbe: {  	[spmem:s2] =	stream.indirect.scatter.add.f32 [tilespmem:s1], [sflag:$0x3], $0x80, s6, s0, $0xb8;
	[tilespmem:$0x1EC00] =	vst v63  }
0xbf: {  	_ =	swait.ge [sflag:s30], $0x4000  }
0xc0: {  	s15 =	sshra.s32 s17, $0x2;
	s6 =	smov.u32 s18;
	[sflag:s30] =	ssyncset.done $0x0  }
0xc1: {  	s6 =	sadd.s32 $0x80, s15;
	[sflag:s30] =	ssyncadd.s32 $0xFFFFC000  }
0xc2: {  	[tilespmem:s1], [sflag:$0x2] =	stream.indirect.gather [hbm4b:s4+s0], $0x80, s6, s0, $0xb8;
	[tilespmem:$0x1EC00] =	vst v63  }
0xc3: {  	_ =	swait.ge [sflag:s7], $0x4000  }
0xc4: {  	[sflag:s7] =	ssyncset.done $0x0  }
0xc5: {  	s17 =	sadd.s32 $0x1400, s15;
	[sflag:s7] =	ssyncadd.s32 $0xFFFFC000  }
0xc6: {  	[spmem:s2] =	stream.indirect.scatter.add.f32 [tilespmem:s29], [sflag:$0x3], $0x80, s17, s0, $0xb8;
	[tilespmem:$0x1EC00] =	vst v63  }
0xc7: {  	_ =	swait.ge [sflag:s30], $0x4000  }
0xc8: {  	[sflag:s30] =	ssyncset.done $0x0  }
0xc9: {  	s18 =	sadd.s32 $0x100, s15;
	[sflag:s30] =	ssyncadd.s32 $0xFFFFC000  }
0xca: {  	[tilespmem:s29], [sflag:$0x1] =	stream.indirect.gather [hbm4b:s4+s0], $0x80, s18, s0, $0xb8;
	[tilespmem:$0x1EC00] =	vst v63  }
0xcb: {  	_ =	swait.ge [sflag:s8], $0x4000  }
0xcc: {  	[sflag:s8] =	ssyncset.done $0x0  }
0xcd: {  	s15 =	sadd.s32 $0x1480, s15;
	[sflag:s8] =	ssyncadd.s32 $0xFFFFC000  }
0xce: {  	[spmem:s2] =	stream.indirect.scatter.add.f32 [tilespmem:s1], [sflag:$0x3], $0x80, s15, s0, $0xb8;
	[tilespmem:$0x1EC00] =	vst v63  }
0xcf: {  	_ =	swait.ge [sflag:s30], $0x4000  }
0xd0: {  	[sflag:s30] =	ssyncset.done $0x0  }
0xd1: {  	[sflag:s30] =	ssyncadd.s32 $0xFFFFC000  }
0xd2: {  	[tilespmem:s1], [sflag:$0x2] =	stream.indirect.gather [hbm4b:s4+s0], $0x80, s9, s0, $0xb8;
	[tilespmem:$0x1EC00] =	vst v63  }
0xd3: {  	_ =	swait.ge [sflag:s7], $0x4000  }
0xd4: {  	[sflag:s7] =	ssyncset.done $0x0  }
0xd5: {  	[sflag:s7] =	ssyncadd.s32 $0xFFFFC000  }
0xd6: {  	[spmem:s2] =	stream.indirect.scatter.add.f32 [tilespmem:s29], [sflag:$0x3], $0x80, s10, s0, $0xb8;
	[tilespmem:$0x1EC00] =	vst v63  }
0xd7: {  	_ =	swait.ge [sflag:s30], $0x4000  }
0xd8: {  	[sflag:s30] =	ssyncset.done $0x0  }
0xd9: {  	[sflag:s30] =	ssyncadd.s32 $0xFFFFC000  }
0xda: {  	_ =	swait.ge [sflag:s8], $0x4000  }
0xdb: {  	[sflag:s8] =	ssyncset.done $0x0  }
0xdc: {  	[sflag:s8] =	ssyncadd.s32 $0xFFFFC000  }
0xdd: {  	[spmem:s2] =	stream.indirect.scatter.add.f32 [tilespmem:s1], [sflag:$0x3], $0x80, s11, s0, $0xb8;
	[tilespmem:$0x1EC00] =	vst v63  }
0xde: {  	_ =	swait.ge [sflag:s30], $0x4000  }
0xdf: {  	[sflag:s30] =	ssyncset.done $0x0  }
0xe0: {  	s16 =	simm.s32 $0x0;
	s17 =	rddreg [dreg:$0x8];
	[sflag:s30] =	ssyncadd.s32 $0xFFFFC000  }
0xe1: {  	[tilespmem:s16], [sflag:$0x3] =	stream.linear.gather [hbm4b:s17+s16], $0x1400, $0x38;
	[tilespmem:$0x1EC00] =	vst v63  }
0xe2: {  	_ =	swait.ge [sflag:s30], $0x1400  }
0xe3: {  	[sflag:s30] =	ssyncset.done $0x0  }
0xe4: {  	s18 =	rddreg [dreg:$0x9];
	[sflag:s30] =	ssyncadd.s32 $0xFFFFEC00  }
0xe5: {  	[tilespmem:s31], [sflag:$0x3] =	stream.linear.gather [hbm4b:s18+s16], $0x1400, $0x38;
	[tilespmem:$0x1EC00] =	vst v63  }
0xe6: {  	_ =	swait.ge [sflag:s30], $0x1400  }
0xe7: {  	[sflag:s30] =	ssyncset.done $0x0  }
0xe8: {  	[sflag:s30] =	ssyncadd.s32 $0xFFFFEC00  }
0xe9: {  	[tilespmem:s29], [sflag:$0x1] =	stream.indirect.gather [hbm4b:s4+s0], $0x80, s16, s0, $0xb8;
	[tilespmem:$0x1EC00] =	vst v63  }
0xea: {  	s15 =	simm.s32 $0x80  }
0xeb: {  	[tilespmem:s1], [sflag:$0x2] =	stream.indirect.gather [hbm4b:s4+s0], $0x80, s15, s0, $0xb8;
	[tilespmem:$0x1EC00] =	vst v63  }
0xec: {  	_ =	swait.ge [sflag:s7], $0x4000  }
0xed: {  	[sflag:s7] =	ssyncset.done $0x0  }
0xee: {  	s16 =	simm.s32 $0x1400;
	[sflag:s7] =	ssyncadd.s32 $0xFFFFC000  }
0xef: {  	[spmem:s2] =	stream.indirect.scatter.add.f32 [tilespmem:s29], [sflag:$0x3], $0x80, s16, s0, $0xb8;
	[tilespmem:$0x1EC00] =	vst v63  }
0xf0: {  	_ =	swait.ge [sflag:s30], $0x4000  }
0xf1: {  	[sflag:s30] =	ssyncset.done $0x0  }
0xf2: {  	s17 =	simm.s32 $0x100;
	[sflag:s30] =	ssyncadd.s32 $0xFFFFC000  }
0xf3: {  	[tilespmem:s29], [sflag:$0x1] =	stream.indirect.gather [hbm4b:s4+s0], $0x80, s17, s0, $0xb8;
	[tilespmem:$0x1EC00] =	vst v63  }
0xf4: {  	_ =	swait.ge [sflag:s8], $0x4000  }
0xf5: {  	[sflag:s8] =	ssyncset.done $0x0  }
0xf6: {  	s18 =	simm.s32 $0x1480;
	[sflag:s8] =	ssyncadd.s32 $0xFFFFC000  }
0xf7: {  	[spmem:s2] =	stream.indirect.scatter.add.f32 [tilespmem:s1], [sflag:$0x3], $0x80, s18, s0, $0xb8;
	[tilespmem:$0x1EC00] =	vst v63  }
0xf8: {  	_ =	swait.ge [sflag:s30], $0x4000  }
0xf9: {  	s6 =	simm.s32 $0x800;
	s15 =	simm.s32 $0x100;
	[sflag:s30] =	ssyncset.done $0x0  }
.LBB2_7:
0xfa: {  	s16 =	sadd.s32 $0x80, s15  }
0xfb: {  	[sflag:s30] =	ssyncadd.s32 $0xFFFFC000;
	s17 =	smov.u32 s6;
	s18 =	sadd.s32 $0x400, s6  }
0xfc: {  	[tilespmem:s1], [sflag:$0x2] =	stream.indirect.gather [hbm4b:s4+s0], $0x80, s16, s0, $0xb8;
	[tilespmem:$0x1EC00] =	vst v63  }
0xfd: {  	p3 =	seq.s32 s6, $0x4800;
	_ =	swait.ge [sflag:s7], $0x4000  }
0xfe: {  	[sflag:s7] =	ssyncset.done $0x0  }
0xff: {  	s6 =	sadd.s32 $0x1400, s15;
	[sflag:s7] =	ssyncadd.s32 $0xFFFFC000  }
0x100: {  	[spmem:s2] =	stream.indirect.scatter.add.f32 [tilespmem:s29], [sflag:$0x3], $0x80, s6, s0, $0xb8;
	[tilespmem:$0x1EC00] =	vst v63  }
0x101: {  	_ =	swait.ge [sflag:s30], $0x4000  }
0x102: {  	[sflag:s30] =	ssyncset.done $0x0  }
0x103: {  	s6 =	sadd.s32 $0x100, s15;
	[sflag:s30] =	ssyncadd.s32 $0xFFFFC000  }
0x104: {  	[tilespmem:s29], [sflag:$0x1] =	stream.indirect.gather [hbm4b:s4+s0], $0x80, s6, s0, $0xb8;
	[tilespmem:$0x1EC00] =	vst v63  }
0x105: {  	_ =	swait.ge [sflag:s8], $0x4000  }
.Ltmp5:
0x106: {  	[sflag:s8] =	ssyncset.done $0x0;
	(pc) =	sbr.rel @!p3 .LBB2_7-.Ltmp5, $4  }
0x107: {  	s6 =	sadd.s32 $0x1480, s15;
	[sflag:s8] =	ssyncadd.s32 $0xFFFFC000  }
0x108: {  	[spmem:s2] =	stream.indirect.scatter.add.f32 [tilespmem:s1], [sflag:$0x3], $0x80, s6, s0, $0xb8;
	[tilespmem:$0x1EC00] =	vst v63  }
0x109: {  	_ =	swait.ge [sflag:s30], $0x4000  }
0x10a: {  	s15 =	sshra.s32 s17, $0x2;
	s6 =	smov.u32 s18;
	[sflag:s30] =	ssyncset.done $0x0  }
0x10b: {  	s6 =	sadd.s32 $0x80, s15;
	[sflag:s30] =	ssyncadd.s32 $0xFFFFC000  }
0x10c: {  	[tilespmem:s1], [sflag:$0x2] =	stream.indirect.gather [hbm4b:s4+s0], $0x80, s6, s0, $0xb8;
	[tilespmem:$0x1EC00] =	vst v63  }
0x10d: {  	_ =	swait.ge [sflag:s7], $0x4000  }
0x10e: {  	[sflag:s7] =	ssyncset.done $0x0  }
0x10f: {  	s16 =	sadd.s32 $0x1400, s15;
	[sflag:s7] =	ssyncadd.s32 $0xFFFFC000  }
0x110: {  	[spmem:s2] =	stream.indirect.scatter.add.f32 [tilespmem:s29], [sflag:$0x3], $0x80, s16, s0, $0xb8;
	[tilespmem:$0x1EC00] =	vst v63  }
0x111: {  	_ =	swait.ge [sflag:s30], $0x4000  }
0x112: {  	[sflag:s30] =	ssyncset.done $0x0  }
0x113: {  	s17 =	sadd.s32 $0x100, s15;
	[sflag:s30] =	ssyncadd.s32 $0xFFFFC000  }
0x114: {  	[tilespmem:s29], [sflag:$0x1] =	stream.indirect.gather [hbm4b:s4+s0], $0x80, s17, s0, $0xb8;
	[tilespmem:$0x1EC00] =	vst v63  }
0x115: {  	_ =	swait.ge [sflag:s8], $0x4000  }
0x116: {  	[sflag:s8] =	ssyncset.done $0x0  }
0x117: {  	s18 =	sadd.s32 $0x1480, s15;
	[sflag:s8] =	ssyncadd.s32 $0xFFFFC000  }
0x118: {  	[spmem:s2] =	stream.indirect.scatter.add.f32 [tilespmem:s1], [sflag:$0x3], $0x80, s18, s0, $0xb8;
	[tilespmem:$0x1EC00] =	vst v63  }
.Ltmp6:
0x119: {  	_ =	swait.ge [sflag:s30], $0x4000;
	(pc) =	sbr.rel .LBB2_14-.Ltmp6, $4  }
0x11a: {  	[sflag:s30] =	ssyncset.done $0x0  }
0x11b: {  	[sflag:s30] =	ssyncadd.s32 $0xFFFFC000  }
0x11c: {  	[tilespmem:s1], [sflag:$0x2] =	stream.indirect.gather [hbm4b:s4+s0], $0x80, s9, s0, $0xb8;
	[tilespmem:$0x1EC00] =	vst v63  }
0x11d: {  	s15 =	rddreg [dreg:$0x1]  }
.LBB2_9:
0x11e: {  	[tilespmem:s29], [sflag:$0x1] =	stream.indirect.gather [hbm4b:s5+s0], $0x80, s6, s0, $0xb8;
	[tilespmem:$0x1EC00] =	vst v63  }
0x11f: {  	s15 =	simm.s32 $0x80  }
0x120: {  	[tilespmem:s1], [sflag:$0x2] =	stream.indirect.gather [hbm4b:s5+s0], $0x80, s15, s0, $0xb8;
	[tilespmem:$0x1EC00] =	vst v63  }
0x121: {  	_ =	swait.ge [sflag:s7], $0x4000  }
0x122: {  	[sflag:s7] =	ssyncset.done $0x0  }
0x123: {  	s16 =	simm.s32 $0x1400;
	[sflag:s7] =	ssyncadd.s32 $0xFFFFC000  }
0x124: {  	[spmem:s2] =	stream.indirect.scatter.add.f32 [tilespmem:s29], [sflag:$0x3], $0x80, s16, s0, $0xb8;
	[tilespmem:$0x1EC00] =	vst v63  }
0x125: {  	_ =	swait.ge [sflag:s30], $0x4000  }
0x126: {  	[sflag:s30] =	ssyncset.done $0x0  }
0x127: {  	s17 =	simm.s32 $0x100;
	[sflag:s30] =	ssyncadd.s32 $0xFFFFC000  }
0x128: {  	[tilespmem:s29], [sflag:$0x1] =	stream.indirect.gather [hbm4b:s5+s0], $0x80, s17, s0, $0xb8;
	[tilespmem:$0x1EC00] =	vst v63  }
0x129: {  	_ =	swait.ge [sflag:s8], $0x4000  }
0x12a: {  	[sflag:s8] =	ssyncset.done $0x0  }
0x12b: {  	s18 =	simm.s32 $0x1480;
	[sflag:s8] =	ssyncadd.s32 $0xFFFFC000  }
0x12c: {  	[spmem:s2] =	stream.indirect.scatter.add.f32 [tilespmem:s1], [sflag:$0x3], $0x80, s18, s0, $0xb8;
	[tilespmem:$0x1EC00] =	vst v63  }
0x12d: {  	_ =	swait.ge [sflag:s30], $0x4000  }
0x12e: {  	s6 =	simm.s32 $0x800;
	s15 =	simm.s32 $0x100;
	[sflag:s30] =	ssyncset.done $0x0  }
.LBB2_10:
0x12f: {  	s16 =	sadd.s32 $0x80, s15  }
0x130: {  	[sflag:s30] =	ssyncadd.s32 $0xFFFFC000;
	s17 =	smov.u32 s6;
	s18 =	sadd.s32 $0x400, s6  }
0x131: {  	[tilespmem:s1], [sflag:$0x2] =	stream.indirect.gather [hbm4b:s5+s0], $0x80, s16, s0, $0xb8;
	[tilespmem:$0x1EC00] =	vst v63  }
0x132: {  	p3 =	sne.s32 s6, $0x4800;
	_ =	swait.ge [sflag:s7], $0x4000  }
0x133: {  	[sflag:s7] =	ssyncset.done $0x0  }
0x134: {  	s6 =	sadd.s32 $0x1400, s15;
	[sflag:s7] =	ssyncadd.s32 $0xFFFFC000  }
0x135: {  	[spmem:s2] =	stream.indirect.scatter.add.f32 [tilespmem:s29], [sflag:$0x3], $0x80, s6, s0, $0xb8;
	[tilespmem:$0x1EC00] =	vst v63  }
0x136: {  	_ =	swait.ge [sflag:s30], $0x4000  }
0x137: {  	[sflag:s30] =	ssyncset.done $0x0  }
0x138: {  	s6 =	sadd.s32 $0x100, s15;
	[sflag:s30] =	ssyncadd.s32 $0xFFFFC000  }
0x139: {  	[tilespmem:s29], [sflag:$0x1] =	stream.indirect.gather [hbm4b:s5+s0], $0x80, s6, s0, $0xb8;
	[tilespmem:$0x1EC00] =	vst v63  }
0x13a: {  	_ =	swait.ge [sflag:s8], $0x4000  }
.Ltmp7:
0x13b: {  	[sflag:s8] =	ssyncset.done $0x0;
	(pc) =	sbr.rel @p3 .LBB2_10-.Ltmp7, $4  }
0x13c: {  	s6 =	sadd.s32 $0x1480, s15;
	[sflag:s8] =	ssyncadd.s32 $0xFFFFC000  }
0x13d: {  	[spmem:s2] =	stream.indirect.scatter.add.f32 [tilespmem:s1], [sflag:$0x3], $0x80, s6, s0, $0xb8;
	[tilespmem:$0x1EC00] =	vst v63  }
0x13e: {  	_ =	swait.ge [sflag:s30], $0x4000  }
0x13f: {  	s15 =	sshra.s32 s17, $0x2;
	s6 =	smov.u32 s18;
	[sflag:s30] =	ssyncset.done $0x0  }
0x140: {  	s6 =	sadd.s32 $0x80, s15;
	[sflag:s30] =	ssyncadd.s32 $0xFFFFC000  }
0x141: {  	[tilespmem:s1], [sflag:$0x2] =	stream.indirect.gather [hbm4b:s5+s0], $0x80, s6, s0, $0xb8;
	[tilespmem:$0x1EC00] =	vst v63  }
0x142: {  	_ =	swait.ge [sflag:s7], $0x4000  }
0x143: {  	[sflag:s7] =	ssyncset.done $0x0  }
0x144: {  	s17 =	sadd.s32 $0x1400, s15;
	[sflag:s7] =	ssyncadd.s32 $0xFFFFC000  }
0x145: {  	[spmem:s2] =	stream.indirect.scatter.add.f32 [tilespmem:s29], [sflag:$0x3], $0x80, s17, s0, $0xb8;
	[tilespmem:$0x1EC00] =	vst v63  }
0x146: {  	_ =	swait.ge [sflag:s30], $0x4000  }
0x147: {  	[sflag:s30] =	ssyncset.done $0x0  }
0x148: {  	s18 =	sadd.s32 $0x100, s15;
	[sflag:s30] =	ssyncadd.s32 $0xFFFFC000  }
0x149: {  	[tilespmem:s29], [sflag:$0x1] =	stream.indirect.gather [hbm4b:s5+s0], $0x80, s18, s0, $0xb8;
	[tilespmem:$0x1EC00] =	vst v63  }
0x14a: {  	_ =	swait.ge [sflag:s8], $0x4000  }
0x14b: {  	[sflag:s8] =	ssyncset.done $0x0  }
0x14c: {  	s15 =	sadd.s32 $0x1480, s15;
	[sflag:s8] =	ssyncadd.s32 $0xFFFFC000  }
0x14d: {  	[spmem:s2] =	stream.indirect.scatter.add.f32 [tilespmem:s1], [sflag:$0x3], $0x80, s15, s0, $0xb8;
	[tilespmem:$0x1EC00] =	vst v63  }
0x14e: {  	_ =	swait.ge [sflag:s30], $0x4000  }
0x14f: {  	[sflag:s30] =	ssyncset.done $0x0  }
0x150: {  	[sflag:s30] =	ssyncadd.s32 $0xFFFFC000  }
0x151: {  	[tilespmem:s1], [sflag:$0x2] =	stream.indirect.gather [hbm4b:s5+s0], $0x80, s9, s0, $0xb8;
	[tilespmem:$0x1EC00] =	vst v63  }
0x152: {  	_ =	swait.ge [sflag:s7], $0x4000  }
0x153: {  	[sflag:s7] =	ssyncset.done $0x0  }
0x154: {  	[sflag:s7] =	ssyncadd.s32 $0xFFFFC000  }
0x155: {  	[spmem:s2] =	stream.indirect.scatter.add.f32 [tilespmem:s29], [sflag:$0x3], $0x80, s10, s0, $0xb8;
	[tilespmem:$0x1EC00] =	vst v63  }
0x156: {  	_ =	swait.ge [sflag:s30], $0x4000  }
0x157: {  	[sflag:s30] =	ssyncset.done $0x0  }
0x158: {  	[sflag:s30] =	ssyncadd.s32 $0xFFFFC000  }
0x159: {  	_ =	swait.ge [sflag:s8], $0x4000  }
0x15a: {  	[sflag:s8] =	ssyncset.done $0x0  }
0x15b: {  	[sflag:s8] =	ssyncadd.s32 $0xFFFFC000  }
0x15c: {  	[spmem:s2] =	stream.indirect.scatter.add.f32 [tilespmem:s1], [sflag:$0x3], $0x80, s11, s0, $0xb8;
	[tilespmem:$0x1EC00] =	vst v63  }
0x15d: {  	_ =	swait.ge [sflag:s30], $0x4000  }
0x15e: {  	[sflag:s30] =	ssyncset.done $0x0  }
0x15f: {  	s16 =	simm.s32 $0x0;
	s17 =	rddreg [dreg:$0x8];
	[sflag:s30] =	ssyncadd.s32 $0xFFFFC000  }
0x160: {  	[tilespmem:s16], [sflag:$0x3] =	stream.linear.gather [hbm4b:s17+s16], $0x1400, $0x38;
	[tilespmem:$0x1EC00] =	vst v63  }
0x161: {  	_ =	swait.ge [sflag:s30], $0x1400  }
0x162: {  	[sflag:s30] =	ssyncset.done $0x0  }
0x163: {  	s18 =	rddreg [dreg:$0x9];
	[sflag:s30] =	ssyncadd.s32 $0xFFFFEC00  }
0x164: {  	[tilespmem:s31], [sflag:$0x3] =	stream.linear.gather [hbm4b:s18+s16], $0x1400, $0x38;
	[tilespmem:$0x1EC00] =	vst v63  }
0x165: {  	_ =	swait.ge [sflag:s30], $0x1400  }
0x166: {  	[sflag:s30] =	ssyncset.done $0x0  }
0x167: {  	[sflag:s30] =	ssyncadd.s32 $0xFFFFEC00  }
0x168: {  	[tilespmem:s29], [sflag:$0x1] =	stream.indirect.gather [hbm4b:s5+s0], $0x80, s16, s0, $0xb8;
	[tilespmem:$0x1EC00] =	vst v63  }
0x169: {  	s15 =	simm.s32 $0x80  }
0x16a: {  	[tilespmem:s1], [sflag:$0x2] =	stream.indirect.gather [hbm4b:s5+s0], $0x80, s15, s0, $0xb8;
	[tilespmem:$0x1EC00] =	vst v63  }
0x16b: {  	_ =	swait.ge [sflag:s7], $0x4000  }
0x16c: {  	[sflag:s7] =	ssyncset.done $0x0  }
0x16d: {  	s16 =	simm.s32 $0x1400;
	[sflag:s7] =	ssyncadd.s32 $0xFFFFC000  }
0x16e: {  	[spmem:s2] =	stream.indirect.scatter.add.f32 [tilespmem:s29], [sflag:$0x3], $0x80, s16, s0, $0xb8;
	[tilespmem:$0x1EC00] =	vst v63  }
0x16f: {  	_ =	swait.ge [sflag:s30], $0x4000  }
0x170: {  	[sflag:s30] =	ssyncset.done $0x0  }
0x171: {  	s17 =	simm.s32 $0x100;
	[sflag:s30] =	ssyncadd.s32 $0xFFFFC000  }
0x172: {  	[tilespmem:s29], [sflag:$0x1] =	stream.indirect.gather [hbm4b:s5+s0], $0x80, s17, s0, $0xb8;
	[tilespmem:$0x1EC00] =	vst v63  }
0x173: {  	_ =	swait.ge [sflag:s8], $0x4000  }
0x174: {  	[sflag:s8] =	ssyncset.done $0x0  }
0x175: {  	s18 =	simm.s32 $0x1480;
	[sflag:s8] =	ssyncadd.s32 $0xFFFFC000  }
0x176: {  	[spmem:s2] =	stream.indirect.scatter.add.f32 [tilespmem:s1], [sflag:$0x3], $0x80, s18, s0, $0xb8;
	[tilespmem:$0x1EC00] =	vst v63  }
0x177: {  	_ =	swait.ge [sflag:s30], $0x4000  }
0x178: {  	s6 =	simm.s32 $0x800;
	s15 =	simm.s32 $0x100;
	[sflag:s30] =	ssyncset.done $0x0  }
.LBB2_12:
0x179: {  	s16 =	sadd.s32 $0x80, s15  }
0x17a: {  	[sflag:s30] =	ssyncadd.s32 $0xFFFFC000;
	s17 =	smov.u32 s6;
	s18 =	sadd.s32 $0x400, s6  }
0x17b: {  	[tilespmem:s1], [sflag:$0x2] =	stream.indirect.gather [hbm4b:s5+s0], $0x80, s16, s0, $0xb8;
	[tilespmem:$0x1EC00] =	vst v63  }
0x17c: {  	p3 =	seq.s32 s6, $0x4800;
	_ =	swait.ge [sflag:s7], $0x4000  }
0x17d: {  	[sflag:s7] =	ssyncset.done $0x0  }
0x17e: {  	s6 =	sadd.s32 $0x1400, s15;
	[sflag:s7] =	ssyncadd.s32 $0xFFFFC000  }
0x17f: {  	[spmem:s2] =	stream.indirect.scatter.add.f32 [tilespmem:s29], [sflag:$0x3], $0x80, s6, s0, $0xb8;
	[tilespmem:$0x1EC00] =	vst v63  }
0x180: {  	_ =	swait.ge [sflag:s30], $0x4000  }
0x181: {  	[sflag:s30] =	ssyncset.done $0x0  }
0x182: {  	s6 =	sadd.s32 $0x100, s15;
	[sflag:s30] =	ssyncadd.s32 $0xFFFFC000  }
0x183: {  	[tilespmem:s29], [sflag:$0x1] =	stream.indirect.gather [hbm4b:s5+s0], $0x80, s6, s0, $0xb8;
	[tilespmem:$0x1EC00] =	vst v63  }
0x184: {  	_ =	swait.ge [sflag:s8], $0x4000  }
.Ltmp8:
0x185: {  	[sflag:s8] =	ssyncset.done $0x0;
	(pc) =	sbr.rel @!p3 .LBB2_12-.Ltmp8, $4  }
0x186: {  	s6 =	sadd.s32 $0x1480, s15;
	[sflag:s8] =	ssyncadd.s32 $0xFFFFC000  }
0x187: {  	[spmem:s2] =	stream.indirect.scatter.add.f32 [tilespmem:s1], [sflag:$0x3], $0x80, s6, s0, $0xb8;
	[tilespmem:$0x1EC00] =	vst v63  }
0x188: {  	_ =	swait.ge [sflag:s30], $0x4000  }
0x189: {  	s15 =	sshra.s32 s17, $0x2;
	s6 =	smov.u32 s18;
	[sflag:s30] =	ssyncset.done $0x0  }
.Ltmp9:
0x18a: {  	_ = 	snop;
	(pc) =	sbr.rel .LBB2_13-.Ltmp9, $1  }
0x18b: {  	_ =	sdelay $0x3  }
.LBB2_15:
0x18c: {  	_ =	sfence.sel $0x180000  }
0x18d: {  	[bflag:$0x0] =	sbarrier.arrive $0xFFFF  }
0x18e: {  	_ =	strace $0x9000004A  }
0x18f: {  	[bflag:$0x2] =	sbarrier.arrive $0xFFFF  }
0x190: {  	s0 =	rddreg [dreg:$0x3]  }
0x191: {  	s0 =	sadd.s32 @!p0 $0x100000, s0  }
0x192: {  	[sflag:s0] =	ssyncadd.tile.s32 @!p0 $0x1;
	_ =	shalt  }
.Lfunc_end2:
_tile_overlayer_lowered:
.L_overlay_start_2:
0x193: {  	(tag) =	ssettag $0x2  }
0x194: {  	s0 =	rddreg [dreg:$0x0];
	s2 =	stileid.u32  }
0x195: {  	s1 =	rddreg [dreg:$0x1];
	p0 =	sne.s32 s2, $0x0  }
0x196: {  	s3 =	rddreg [dreg:$0x2];
	[bflag:$0x3] =	sbarrier.arrive $0xFFFF;
	s2 =	simm.s32 @!p0 $0x1C03  }
0x197: {  	[timem:s3], [sflag:s2] =	dma.local @!p0 [hbm:s0], s1  }
0x198: {  	s0 =	simm.s32 @!p0 $0x3  }
0x199: {  	_ =	swait.ge @!p0 [sflag:s0], s1  }
0x19a: {  	s1 =	ssub.s32 @!p0 $0x0, s1;
	[sflag:s0] =	ssyncset.done @!p0 $0x0  }
0x19b: {  	[sflag:s0] =	ssyncadd.s32 @!p0 s1  }
0x19c: {  	[bflag:$0x3] =	sbarrier.arrive $0xFFFF  }
0x19d: {  	_ =	shalt  }

</sc_bundles>
